<compile_context>
chip_gen: v7x
topology: tpu7x:2x2x1
jax: 0.10.2.dev20260603
libtpu: 0.0.44.dev20260713+nightly
codegen_flags: <defaults>
</compile_context>

<pallas_src>
import functools

import jax
import jax.numpy as jnp
from jax import lax
from jax.experimental import pallas as pl
from jax.experimental.pallas import tpu as pltpu
from jax.experimental.pallas import tpu_sc as plsc

EMB_DIM = 64
NUM_WORKERS = 32
BCH = 256
NBUF = 2
LANES = 16


def _gather_body(idx_hbm, table_hbm, out_hbm, idx_v, rows_v, trows_v, gsems,
                 osems):
    hist, batch = idx_hbm.shape
    nb = batch // NUM_WORKERS
    nch = nb // BCH
    wid = lax.axis_index("s") * 2 + lax.axis_index("c")
    b0 = wid * nb
    pltpu.sync_copy(idx_hbm.at[:, pl.ds(b0, nb)], idx_v)

    def start_gather(h, c, s):
        pltpu.async_copy(
            table_hbm.at[idx_v.at[h, pl.ds(c * BCH, BCH)]], rows_v.at[s],
            gsems[s])

    def wait_gather(s):
        pltpu.make_async_copy(
            table_hbm.at[idx_v.at[0, pl.ds(0, BCH)]], rows_v.at[s],
            gsems[s]).wait()

    def start_out(h, c, s):
        pltpu.async_copy(
            trows_v.at[s], out_hbm.at[h, :, pl.ds(b0 + c * BCH, BCH)],
            osems[s])

    def wait_out(h, c, s):
        pltpu.make_async_copy(
            trows_v.at[s], out_hbm.at[h, :, pl.ds(b0 + c * BCH, BCH)],
            osems[s]).wait()

    def transpose_chunk(s):
        src = rows_v.at[s]
        dst = trows_v.at[s]

        @plsc.parallel_loop(0, BCH, unroll=16)
        def _(i):
            col = jnp.full((LANES,), i, jnp.int32)
            for dg in range(EMB_DIM // LANES):
                row = lax.iota(jnp.int32, LANES) + (dg * LANES)
                v = src[i, pl.ds(dg * LANES, LANES)]
                plsc.store_scatter(dst, [row, col], v)

    n = hist * nch

    def hc(k):
        return k // nch, lax.rem(k, nch)

    for s in range(NBUF):
        h, c = hc(s)
        start_gather(h, c, s)

    def body(it, carry):
        k0 = it * NBUF
        for s in range(NBUF):
            h, c = hc(k0 + s)
            wait_gather(s)
            transpose_chunk(s)
            start_out(h, c, s)
        for s in range(NBUF):
            h, c = hc(k0 + s)
            wait_out(h, c, s)
            h2, c2 = hc(k0 + NBUF + s)
            start_gather(h2, c2, s)
        return carry

    lax.fori_loop(0, n // NBUF - 1, body, 0)

    last = n - NBUF
    for s in range(NBUF):
        h, c = hc(last + s)
        wait_gather(s)
        transpose_chunk(s)
        start_out(h, c, s)
    for s in range(NBUF):
        h, c = hc(last + s)
        wait_out(h, c, s)


def kernel(input_, weight):
    batch, hist = input_.shape
    assert batch % (NUM_WORKERS * BCH) == 0
    idx_t = input_.T.astype(jnp.int32)

    mesh = plsc.VectorSubcoreMesh(core_axis_name="c", subcore_axis_name="s")
    run = functools.partial(
        pl.kernel,
        mesh=mesh,
        out_type=jax.ShapeDtypeStruct((hist, EMB_DIM, batch), jnp.float32),
        scratch_types=[
            pltpu.VMEM((hist, batch // NUM_WORKERS), jnp.int32),
            pltpu.VMEM((NBUF, BCH, EMB_DIM), jnp.float32),
            pltpu.VMEM((NBUF, EMB_DIM, BCH), jnp.float32),
            [pltpu.SemaphoreType.DMA] * NBUF,
            [pltpu.SemaphoreType.DMA] * NBUF,
        ],
        compiler_params=pltpu.CompilerParams(
            use_tc_tiling_on_sc=False, needs_layout_passes=False),
    )(_gather_body)
    out = run(idx_t, weight)
    return jnp.transpose(out, (2, 0, 1))

# --- scband reference (transcript-rebuilt; emitter-appended) ---
"""Pipeline reference for scband-parallel-embedding-38096359916282 (READ-ONLY COPY).

The authoritative reference and input builder live on the scoring server;
editing this copy changes nothing except your own understanding.
"""

import jax, jax.numpy as jnp
import numpy as np

NUM_EMBEDDINGS = 1000000
EMBEDDING_DIM = 64
BATCH = 16384
HIST = 50

def setup_inputs(seed: int = 0) -> dict:
    key = jax.random.key(seed)
    k1, k2 = jax.random.split(key)
    input_ = jax.random.randint(k1, (BATCH, HIST), 0, NUM_EMBEDDINGS, dtype=jnp.int64 if jax.config.jax_enable_x64 else jnp.int32)
    # xavier_normal init for the embedding table (fan_in=num_embeddings, fan_out=embedding_dim)
    std = float(np.sqrt(2.0 / (NUM_EMBEDDINGS + EMBEDDING_DIM)))
    weight = jax.random.normal(k2, (NUM_EMBEDDINGS, EMBEDDING_DIM), dtype=jnp.float32) * std
    return {"input_": input_, "weight": weight}

def reference(input_, weight):
    # world_size == 1: copy/gather across model-parallel region are identity ops.
    # F.embedding(input_, weight) == row gather from the table.
    output = jnp.take(weight, input_, axis=0)
    return output

if __name__ == "__main__":
    import jax
    _d = setup_inputs()
    print(jax.jit(kernel)(*tuple(_d.values())))

</pallas_src>

<mosaic_0001>
#map = affine_map<(d0, d1) -> (0, 0)>
#map1 = affine_map<(d0, d1) -> (0, 0, 0)>
module attributes {stable_mosaic.version = 14 : i64} {
  func.func @_gather_body(%arg0: i32, %arg1: i32, %arg2: memref<50x16384xi32, #tpu.memory_space<hbm>>, %arg3: memref<1000000x64xf32, #tpu.memory_space<hbm>>, %arg4: memref<50x64x16384xf32, #tpu.memory_space<hbm>>, %arg5: memref<50x512xi32, #tpu.memory_space<vmem>>, %arg6: memref<2x256x64xf32, #tpu.memory_space<vmem>>, %arg7: memref<2x64x256xf32, #tpu.memory_space<vmem>>, %arg8: memref<!tpu.dma_semaphore, #tpu.memory_space<semaphore_mem>>, %arg9: memref<!tpu.dma_semaphore, #tpu.memory_space<semaphore_mem>>, %arg10: memref<!tpu.dma_semaphore, #tpu.memory_space<semaphore_mem>>, %arg11: memref<!tpu.dma_semaphore, #tpu.memory_space<semaphore_mem>>) attributes {dimension_semantics = [#tpu.dimension_semantics<core_parallel>, #tpu.dimension_semantics<subcore_parallel>], iteration_bounds = array<i64: 2, 16>, scalar_prefetch = 0 : i64, scratch_operands = 7 : i64, tpu.core_type = #tpu.core_type<sc_vector_subcore>, window_params = [{transform_indices = #map}, {transform_indices = #map}, {transform_indices = #map1}]} {
    %mul3A = arith.constant 2 : i32
    %mul3A_0 = arith.muli %arg1, %mul3A : i32
    %add3A = arith.addi %mul3A_0, %arg0 : i32
    %mul3A_1 = arith.constant 512 : i32
    %mul3A_2 = arith.muli %add3A, %mul3A_1 : i32
    "tpu.region"() ({
      %run_scoped3A = tpu.sem_alloc : memref<!tpu.dma_semaphore, #tpu.memory_space<semaphore_mem>>
      %dma_start3A_158 = arith.constant 0 : i32
      %dma_start3A_159 = tpu.memref_slice %arg2[%dma_start3A_158, %mul3A_2] : memref<50x16384xi32, #tpu.memory_space<hbm>> -> memref<50x512xi32, #tpu.memory_space<hbm>>
      %dma_start3A_160 = arith.constant 0 : i32
      %dma_start3A_161 = tpu.memref_slice %arg2[%dma_start3A_160, %mul3A_2] : memref<50x16384xi32, #tpu.memory_space<hbm>> -> memref<50x512xi32, #tpu.memory_space<hbm>>
      tpu.enqueue_dma source(%dma_start3A_161 : memref<50x512xi32, #tpu.memory_space<hbm>>) target(%arg5 : memref<50x512xi32, #tpu.memory_space<vmem>>) target_semaphore(%run_scoped3A : memref<!tpu.dma_semaphore, #tpu.memory_space<semaphore_mem>>)
      %dma_wait3A_162 = arith.constant 0 : i32
      %dma_wait3A_163 = tpu.memref_slice %arg2[%dma_wait3A_162, %mul3A_2] : memref<50x16384xi32, #tpu.memory_space<hbm>> -> memref<50x512xi32, #tpu.memory_space<hbm>>
      %dma_wait3A_164 = arith.constant 0 : i32
      %dma_wait3A_165 = tpu.memref_slice %arg2[%dma_wait3A_164, %mul3A_2] : memref<50x16384xi32, #tpu.memory_space<hbm>> -> memref<50x512xi32, #tpu.memory_space<hbm>>
      tpu.wait_dma2 semaphore(%run_scoped3A : memref<!tpu.dma_semaphore, #tpu.memory_space<semaphore_mem>>) src(%dma_wait3A_165 : memref<50x512xi32, #tpu.memory_space<hbm>>) dst(%arg5 : memref<50x512xi32, #tpu.memory_space<vmem>>)
      tpu.yield
    }) : () -> ()
    %rem3A = arith.constant 0 : i32
    %rem3A_3 = arith.constant 2 : i32
    %rem3A_4 = arith.remsi %rem3A, %rem3A_3 : i32
    %mul3A_5 = arith.constant 256 : i32
    %mul3A_6 = arith.muli %rem3A_4, %mul3A_5 : i32
    %dma_start3A = arith.constant 0 : i32
    %dma_start3A_7 = arith.constant 0 : i32
    %dma_start3A_8 = arith.constant 0 : i32
    %dma_start3A_9 = arith.constant 0 : i32
    %dma_start3A_10 = tpu.memref_slice %arg6[%dma_start3A_7, %dma_start3A_8, %dma_start3A_9] : memref<2x256x64xf32, #tpu.memory_space<vmem>> -> memref<1x256x64xf32, #tpu.memory_space<vmem>>
    %dma_start3A_11 = tpu.memref_squeeze %dma_start3A_10 : memref<1x256x64xf32, #tpu.memory_space<vmem>> -> memref<256x64xf32, #tpu.memory_space<vmem>>
    %dma_start3A_12 = tpu.memref_slice %arg5[%dma_start3A, %mul3A_6] : memref<50x512xi32, #tpu.memory_space<vmem>> -> memref<1x256xi32, #tpu.memory_space<vmem>>
    %dma_start3A_13 = tpu.memref_squeeze %dma_start3A_12 : memref<1x256xi32, #tpu.memory_space<vmem>> -> memref<256xi32, #tpu.memory_space<vmem>>
    %dma_start3A_14 = arith.constant 0 : i32
    %dma_start3A_15 = arith.constant 0 : i32
    %dma_start3A_16 = tpu.memref_slice %arg3[%dma_start3A_14, %dma_start3A_15] : memref<1000000x64xf32, #tpu.memory_space<hbm>> -> memref<1000000x64xf32, #tpu.memory_space<hbm>>
    tpu.enqueue_indirect_dma source(%dma_start3A_16 : memref<1000000x64xf32, #tpu.memory_space<hbm>>) target(%dma_start3A_11 : memref<256x64xf32, #tpu.memory_space<vmem>>) offsets(%dma_start3A_13 : memref<256xi32, #tpu.memory_space<vmem>>) semaphore(%arg8 : memref<!tpu.dma_semaphore, #tpu.memory_space<semaphore_mem>>)
    %rem3A_17 = arith.constant 1 : i32
    %rem3A_18 = arith.constant 2 : i32
    %rem3A_19 = arith.remsi %rem3A_17, %rem3A_18 : i32
    %mul3A_20 = arith.constant 256 : i32
    %mul3A_21 = arith.muli %rem3A_19, %mul3A_20 : i32
    %dma_start3A_22 = arith.constant 0 : i32
    %dma_start3A_23 = arith.constant 1 : i32
    %dma_start3A_24 = arith.constant 0 : i32
    %dma_start3A_25 = arith.constant 0 : i32
    %dma_start3A_26 = tpu.memref_slice %arg6[%dma_start3A_23, %dma_start3A_24, %dma_start3A_25] : memref<2x256x64xf32, #tpu.memory_space<vmem>> -> memref<1x256x64xf32, #tpu.memory_space<vmem>>
    %dma_start3A_27 = tpu.memref_squeeze %dma_start3A_26 : memref<1x256x64xf32, #tpu.memory_space<vmem>> -> memref<256x64xf32, #tpu.memory_space<vmem>>
    %dma_start3A_28 = tpu.memref_slice %arg5[%dma_start3A_22, %mul3A_21] : memref<50x512xi32, #tpu.memory_space<vmem>> -> memref<1x256xi32, #tpu.memory_space<vmem>>
    %dma_start3A_29 = tpu.memref_squeeze %dma_start3A_28 : memref<1x256xi32, #tpu.memory_space<vmem>> -> memref<256xi32, #tpu.memory_space<vmem>>
    %dma_start3A_30 = arith.constant 0 : i32
    %dma_start3A_31 = arith.constant 0 : i32
    %dma_start3A_32 = tpu.memref_slice %arg3[%dma_start3A_30, %dma_start3A_31] : memref<1000000x64xf32, #tpu.memory_space<hbm>> -> memref<1000000x64xf32, #tpu.memory_space<hbm>>
    tpu.enqueue_indirect_dma source(%dma_start3A_32 : memref<1000000x64xf32, #tpu.memory_space<hbm>>) target(%dma_start3A_27 : memref<256x64xf32, #tpu.memory_space<vmem>>) offsets(%dma_start3A_29 : memref<256xi32, #tpu.memory_space<vmem>>) semaphore(%arg9 : memref<!tpu.dma_semaphore, #tpu.memory_space<semaphore_mem>>)
    %scan3A = arith.constant 0 : i32
    %scan3A_33 = arith.constant 0 : i32
    %scan3A_34 = arith.constant 49 : i32
    %scan3A_35 = arith.addi %scan3A_33, %scan3A_34 : i32
    %scan3A_36 = arith.constant 1 : i32
    scf.for %scan3A_158 = %scan3A_33 to %scan3A_35 step %scan3A_36  : i32 {
      %mul3A_159 = arith.constant 2 : i32
      %mul3A_160 = arith.muli %scan3A_158, %mul3A_159 : i32
      %add3A_161 = arith.constant 0 : i32
      %add3A_162 = arith.addi %mul3A_160, %add3A_161 : i32
      %jit3A = arith.constant 2 : i32
      %div3A = arith.divsi %add3A_162, %jit3A : i32
      %sign3A = arith.constant 0 : i32
      %sign3A_163 = arith.cmpi sgt, %add3A_162, %sign3A : i32
      %sign3A_164 = arith.extui %sign3A_163 : i1 to i32
      %sign3A_165 = arith.constant 0 : i32
      %sign3A_166 = arith.cmpi slt, %add3A_162, %sign3A_165 : i32
      %sign3A_167 = arith.extui %sign3A_166 : i1 to i32
      %sign3A_168 = arith.subi %sign3A_164, %sign3A_167 : i32
      %sign3A_169 = arith.constant 0 : i32
      %sign3A_170 = arith.cmpi sgt, %jit3A, %sign3A_169 : i32
      %sign3A_171 = arith.extui %sign3A_170 : i1 to i32
      %sign3A_172 = arith.constant 0 : i32
      %sign3A_173 = arith.cmpi slt, %jit3A, %sign3A_172 : i32
      %sign3A_174 = arith.extui %sign3A_173 : i1 to i32
      %sign3A_175 = arith.subi %sign3A_171, %sign3A_174 : i32
      %ne3A = arith.cmpi ne, %sign3A_168, %sign3A_175 : i32
      %rem3A_176 = arith.remsi %add3A_162, %jit3A : i32
      %ne3A_177 = arith.constant 0 : i32
      %ne3A_178 = arith.cmpi ne, %rem3A_176, %ne3A_177 : i32
      %and3A = arith.andi %ne3A, %ne3A_178 : i1
      %sub3A = arith.constant 1 : i32
      %sub3A_179 = arith.subi %div3A, %sub3A : i32
      %select_n3A = arith.select %and3A, %sub3A_179, %div3A : i32
      %rem3A_180 = arith.constant 2 : i32
      %rem3A_181 = arith.remsi %add3A_162, %rem3A_180 : i32
      %dma_wait3A_182 = arith.constant 0 : i32
      %dma_wait3A_183 = arith.constant 0 : i32
      %dma_wait3A_184 = arith.constant 0 : i32
      %dma_wait3A_185 = arith.constant 0 : i32
      %dma_wait3A_186 = tpu.memref_slice %arg6[%dma_wait3A_183, %dma_wait3A_184, %dma_wait3A_185] : memref<2x256x64xf32, #tpu.memory_space<vmem>> -> memref<1x256x64xf32, #tpu.memory_space<vmem>>
      %dma_wait3A_187 = tpu.memref_squeeze %dma_wait3A_186 : memref<1x256x64xf32, #tpu.memory_space<vmem>> -> memref<256x64xf32, #tpu.memory_space<vmem>>
      %dma_wait3A_188 = arith.constant 0 : i32
      %dma_wait3A_189 = tpu.memref_slice %arg5[%dma_wait3A_182, %dma_wait3A_188] : memref<50x512xi32, #tpu.memory_space<vmem>> -> memref<1x256xi32, #tpu.memory_space<vmem>>
      %dma_wait3A_190 = tpu.memref_squeeze %dma_wait3A_189 : memref<1x256xi32, #tpu.memory_space<vmem>> -> memref<256xi32, #tpu.memory_space<vmem>>
      %dma_wait3A_191 = arith.constant 0 : i32
      %dma_wait3A_192 = arith.constant 0 : i32
      %dma_wait3A_193 = tpu.memref_slice %arg3[%dma_wait3A_191, %dma_wait3A_192] : memref<1000000x64xf32, #tpu.memory_space<hbm>> -> memref<1000000x64xf32, #tpu.memory_space<hbm>>
      tpu.wait_indirect_dma semaphore(%arg8 : memref<!tpu.dma_semaphore, #tpu.memory_space<semaphore_mem>>) src(%dma_wait3A_193 : memref<1000000x64xf32, #tpu.memory_space<hbm>>) dst(%dma_wait3A_187 : memref<256x64xf32, #tpu.memory_space<vmem>>)
      %parallel_loop3A_194 = arith.constant 0 : i32
      %parallel_loop3A_195 = arith.constant 256 : i32
      %parallel_loop3A_196 = arith.constant 1 : i32
      %parallel_loop3A_197 = arith.constant 0 : i32
      %parallel_loop3A_198 = arith.constant 0 : i32
      scf.for %parallel_loop3A_456 = %parallel_loop3A_194 to %parallel_loop3A_195 step %parallel_loop3A_196  : i32 {
        %parallel_loop3A_457 = vector.broadcast %parallel_loop3A_456 : i32 to vector<16xi32>
        %parallel_loop3A_458 = tpu.iota {dimensions = array<i32: 0>} : vector<16xi32>
        %parallel_loop3A_459 = arith.constant 0 : i32
        %parallel_loop3A_460 = vector.broadcast %parallel_loop3A_459 : i32 to vector<16xi32>
        %parallel_loop3A_461 = arith.addi %parallel_loop3A_458, %parallel_loop3A_460 : vector<16xi32>
        %parallel_loop3A_462 = arith.constant 0 : i32
        %parallel_loop3A_463 = arith.constant 0 : i32
        %parallel_loop3A_464 = tpu.memref_slice %arg6[%parallel_loop3A_197, %parallel_loop3A_462, %parallel_loop3A_463] : memref<2x256x64xf32, #tpu.memory_space<vmem>> -> memref<1x256x64xf32, #tpu.memory_space<vmem>>
        %parallel_loop3A_465 = tpu.memref_squeeze %parallel_loop3A_464 : memref<1x256x64xf32, #tpu.memory_space<vmem>> -> memref<256x64xf32, #tpu.memory_space<vmem>>
        %parallel_loop3A_466 = arith.index_cast %parallel_loop3A_456 : i32 to index
        %parallel_loop3A_467 = arith.constant 0 : index
        %parallel_loop3A_468 = tpu.vector_load %parallel_loop3A_465[%parallel_loop3A_466, %parallel_loop3A_467] {strides = array<i32>} : memref<256x64xf32, #tpu.memory_space<vmem>>, vector<16xf32>,
        %parallel_loop3A_469 = arith.constant 0 : i32
        %parallel_loop3A_470 = arith.constant 0 : i32
        %parallel_loop3A_471 = tpu.memref_slice %arg7[%parallel_loop3A_198, %parallel_loop3A_469, %parallel_loop3A_470] : memref<2x64x256xf32, #tpu.memory_space<vmem>> -> memref<1x64x256xf32, #tpu.memory_space<vmem>>
        %parallel_loop3A_472 = tpu.memref_squeeze %parallel_loop3A_471 : memref<1x64x256xf32, #tpu.memory_space<vmem>> -> memref<64x256xf32, #tpu.memory_space<vmem>>
        tpu.vector_store_idx %parallel_loop3A_472[%parallel_loop3A_461, %parallel_loop3A_457], %parallel_loop3A_468 : memref<64x256xf32, #tpu.memory_space<vmem>>[vector<16xi32>, vector<16xi32>], vector<16xf32>,
        %parallel_loop3A_473 = tpu.iota {dimensions = array<i32: 0>} : vector<16xi32>
        %parallel_loop3A_474 = arith.constant 16 : i32
        %parallel_loop3A_475 = vector.broadcast %parallel_loop3A_474 : i32 to vector<16xi32>
        %parallel_loop3A_476 = arith.addi %parallel_loop3A_473, %parallel_loop3A_475 : vector<16xi32>
        %parallel_loop3A_477 = arith.constant 0 : i32
        %parallel_loop3A_478 = arith.constant 0 : i32
        %parallel_loop3A_479 = tpu.memref_slice %arg6[%parallel_loop3A_197, %parallel_loop3A_477, %parallel_loop3A_478] : memref<2x256x64xf32, #tpu.memory_space<vmem>> -> memref<1x256x64xf32, #tpu.memory_space<vmem>>
        %parallel_loop3A_480 = tpu.memref_squeeze %parallel_loop3A_479 : memref<1x256x64xf32, #tpu.memory_space<vmem>> -> memref<256x64xf32, #tpu.memory_space<vmem>>
        %parallel_loop3A_481 = arith.index_cast %parallel_loop3A_456 : i32 to index
        %parallel_loop3A_482 = arith.constant 16 : index
        %parallel_loop3A_483 = tpu.vector_load %parallel_loop3A_480[%parallel_loop3A_481, %parallel_loop3A_482] {strides = array<i32>} : memref<256x64xf32, #tpu.memory_space<vmem>>, vector<16xf32>,
        %parallel_loop3A_484 = arith.constant 0 : i32
        %parallel_loop3A_485 = arith.constant 0 : i32
        %parallel_loop3A_486 = tpu.memref_slice %arg7[%parallel_loop3A_198, %parallel_loop3A_484, %parallel_loop3A_485] : memref<2x64x256xf32, #tpu.memory_space<vmem>> -> memref<1x64x256xf32, #tpu.memory_space<vmem>>
        %parallel_loop3A_487 = tpu.memref_squeeze %parallel_loop3A_486 : memref<1x64x256xf32, #tpu.memory_space<vmem>> -> memref<64x256xf32, #tpu.memory_space<vmem>>
        tpu.vector_store_idx %parallel_loop3A_487[%parallel_loop3A_476, %parallel_loop3A_457], %parallel_loop3A_483 : memref<64x256xf32, #tpu.memory_space<vmem>>[vector<16xi32>, vector<16xi32>], vector<16xf32>,
        %parallel_loop3A_488 = tpu.iota {dimensions = array<i32: 0>} : vector<16xi32>
        %parallel_loop3A_489 = arith.constant 32 : i32
        %parallel_loop3A_490 = vector.broadcast %parallel_loop3A_489 : i32 to vector<16xi32>
        %parallel_loop3A_491 = arith.addi %parallel_loop3A_488, %parallel_loop3A_490 : vector<16xi32>
        %parallel_loop3A_492 = arith.constant 0 : i32
        %parallel_loop3A_493 = arith.constant 0 : i32
        %parallel_loop3A_494 = tpu.memref_slice %arg6[%parallel_loop3A_197, %parallel_loop3A_492, %parallel_loop3A_493] : memref<2x256x64xf32, #tpu.memory_space<vmem>> -> memref<1x256x64xf32, #tpu.memory_space<vmem>>
        %parallel_loop3A_495 = tpu.memref_squeeze %parallel_loop3A_494 : memref<1x256x64xf32, #tpu.memory_space<vmem>> -> memref<256x64xf32, #tpu.memory_space<vmem>>
        %parallel_loop3A_496 = arith.index_cast %parallel_loop3A_456 : i32 to index
        %parallel_loop3A_497 = arith.constant 32 : index
        %parallel_loop3A_498 = tpu.vector_load %parallel_loop3A_495[%parallel_loop3A_496, %parallel_loop3A_497] {strides = array<i32>} : memref<256x64xf32, #tpu.memory_space<vmem>>, vector<16xf32>,
        %parallel_loop3A_499 = arith.constant 0 : i32
        %parallel_loop3A_500 = arith.constant 0 : i32
        %parallel_loop3A_501 = tpu.memref_slice %arg7[%parallel_loop3A_198, %parallel_loop3A_499, %parallel_loop3A_500] : memref<2x64x256xf32, #tpu.memory_space<vmem>> -> memref<1x64x256xf32, #tpu.memory_space<vmem>>
        %parallel_loop3A_502 = tpu.memref_squeeze %parallel_loop3A_501 : memref<1x64x256xf32, #tpu.memory_space<vmem>> -> memref<64x256xf32, #tpu.memory_space<vmem>>
        tpu.vector_store_idx %parallel_loop3A_502[%parallel_loop3A_491, %parallel_loop3A_457], %parallel_loop3A_498 : memref<64x256xf32, #tpu.memory_space<vmem>>[vector<16xi32>, vector<16xi32>], vector<16xf32>,
        %parallel_loop3A_503 = tpu.iota {dimensions = array<i32: 0>} : vector<16xi32>
        %parallel_loop3A_504 = arith.constant 48 : i32
        %parallel_loop3A_505 = vector.broadcast %parallel_loop3A_504 : i32 to vector<16xi32>
        %parallel_loop3A_506 = arith.addi %parallel_loop3A_503, %parallel_loop3A_505 : vector<16xi32>
        %parallel_loop3A_507 = arith.constant 0 : i32
        %parallel_loop3A_508 = arith.constant 0 : i32
        %parallel_loop3A_509 = tpu.memref_slice %arg6[%parallel_loop3A_197, %parallel_loop3A_507, %parallel_loop3A_508] : memref<2x256x64xf32, #tpu.memory_space<vmem>> -> memref<1x256x64xf32, #tpu.memory_space<vmem>>
        %parallel_loop3A_510 = tpu.memref_squeeze %parallel_loop3A_509 : memref<1x256x64xf32, #tpu.memory_space<vmem>> -> memref<256x64xf32, #tpu.memory_space<vmem>>
        %parallel_loop3A_511 = arith.index_cast %parallel_loop3A_456 : i32 to index
        %parallel_loop3A_512 = arith.constant 48 : index
        %parallel_loop3A_513 = tpu.vector_load %parallel_loop3A_510[%parallel_loop3A_511, %parallel_loop3A_512] {strides = array<i32>} : memref<256x64xf32, #tpu.memory_space<vmem>>, vector<16xf32>,
        %parallel_loop3A_514 = arith.constant 0 : i32
        %parallel_loop3A_515 = arith.constant 0 : i32
        %parallel_loop3A_516 = tpu.memref_slice %arg7[%parallel_loop3A_198, %parallel_loop3A_514, %parallel_loop3A_515] : memref<2x64x256xf32, #tpu.memory_space<vmem>> -> memref<1x64x256xf32, #tpu.memory_space<vmem>>
        %parallel_loop3A_517 = tpu.memref_squeeze %parallel_loop3A_516 : memref<1x64x256xf32, #tpu.memory_space<vmem>> -> memref<64x256xf32, #tpu.memory_space<vmem>>
        tpu.vector_store_idx %parallel_loop3A_517[%parallel_loop3A_506, %parallel_loop3A_457], %parallel_loop3A_513 : memref<64x256xf32, #tpu.memory_space<vmem>>[vector<16xi32>, vector<16xi32>], vector<16xf32>,
      } {sc.loop_unroll_factor = 16 : i64, sc.parallel_access}
      %mul3A_199 = arith.constant 256 : i32
      %mul3A_200 = arith.muli %rem3A_181, %mul3A_199 : i32
      %add3A_201 = arith.addi %mul3A_2, %mul3A_200 : i32
      %dma_start3A_202 = arith.constant 0 : i32
      %dma_start3A_203 = arith.constant 0 : i32
      %dma_start3A_204 = arith.constant 0 : i32
      %dma_start3A_205 = tpu.memref_slice %arg7[%dma_start3A_202, %dma_start3A_203, %dma_start3A_204] : memref<2x64x256xf32, #tpu.memory_space<vmem>> -> memref<1x64x256xf32, #tpu.memory_space<vmem>>
      %dma_start3A_206 = tpu.memref_squeeze %dma_start3A_205 : memref<1x64x256xf32, #tpu.memory_space<vmem>> -> memref<64x256xf32, #tpu.memory_space<vmem>>
      %dma_start3A_207 = arith.constant 0 : i32
      %dma_start3A_208 = tpu.memref_slice %arg4[%select_n3A, %dma_start3A_207, %add3A_201] : memref<50x64x16384xf32, #tpu.memory_space<hbm>> -> memref<1x64x256xf32, #tpu.memory_space<hbm>>
      %dma_start3A_209 = tpu.memref_squeeze %dma_start3A_208 : memref<1x64x256xf32, #tpu.memory_space<hbm>> -> memref<64x256xf32, #tpu.memory_space<hbm>>
      %dma_start3A_210 = arith.constant 0 : i32
      %dma_start3A_211 = tpu.memref_slice %arg4[%select_n3A, %dma_start3A_210, %add3A_201] : memref<50x64x16384xf32, #tpu.memory_space<hbm>> -> memref<1x64x256xf32, #tpu.memory_space<hbm>>
      %dma_start3A_212 = tpu.memref_squeeze %dma_start3A_211 : memref<1x64x256xf32, #tpu.memory_space<hbm>> -> memref<64x256xf32, #tpu.memory_space<hbm>>
      %dma_start3A_213 = arith.constant 0 : i32
      %dma_start3A_214 = arith.constant 0 : i32
      %dma_start3A_215 = tpu.memref_slice %arg7[%dma_start3A_202, %dma_start3A_213, %dma_start3A_214] : memref<2x64x256xf32, #tpu.memory_space<vmem>> -> memref<1x64x256xf32, #tpu.memory_space<vmem>>
      %dma_start3A_216 = tpu.memref_squeeze %dma_start3A_215 : memref<1x64x256xf32, #tpu.memory_space<vmem>> -> memref<64x256xf32, #tpu.memory_space<vmem>>
      tpu.enqueue_dma source(%dma_start3A_216 : memref<64x256xf32, #tpu.memory_space<vmem>>) target(%dma_start3A_212 : memref<64x256xf32, #tpu.memory_space<hbm>>) target_semaphore(%arg10 : memref<!tpu.dma_semaphore, #tpu.memory_space<semaphore_mem>>)
      %add3A_217 = arith.constant 1 : i32
      %add3A_218 = arith.addi %mul3A_160, %add3A_217 : i32
      %jit3A_219 = arith.constant 2 : i32
      %div3A_220 = arith.divsi %add3A_218, %jit3A_219 : i32
      %sign3A_221 = arith.constant 0 : i32
      %sign3A_222 = arith.cmpi sgt, %add3A_218, %sign3A_221 : i32
      %sign3A_223 = arith.extui %sign3A_222 : i1 to i32
      %sign3A_224 = arith.constant 0 : i32
      %sign3A_225 = arith.cmpi slt, %add3A_218, %sign3A_224 : i32
      %sign3A_226 = arith.extui %sign3A_225 : i1 to i32
      %sign3A_227 = arith.subi %sign3A_223, %sign3A_226 : i32
      %sign3A_228 = arith.constant 0 : i32
      %sign3A_229 = arith.cmpi sgt, %jit3A_219, %sign3A_228 : i32
      %sign3A_230 = arith.extui %sign3A_229 : i1 to i32
      %sign3A_231 = arith.constant 0 : i32
      %sign3A_232 = arith.cmpi slt, %jit3A_219, %sign3A_231 : i32
      %sign3A_233 = arith.extui %sign3A_232 : i1 to i32
      %sign3A_234 = arith.subi %sign3A_230, %sign3A_233 : i32
      %ne3A_235 = arith.cmpi ne, %sign3A_227, %sign3A_234 : i32
      %rem3A_236 = arith.remsi %add3A_218, %jit3A_219 : i32
      %ne3A_237 = arith.constant 0 : i32
      %ne3A_238 = arith.cmpi ne, %rem3A_236, %ne3A_237 : i32
      %and3A_239 = arith.andi %ne3A_235, %ne3A_238 : i1
      %sub3A_240 = arith.constant 1 : i32
      %sub3A_241 = arith.subi %div3A_220, %sub3A_240 : i32
      %select_n3A_242 = arith.select %and3A_239, %sub3A_241, %div3A_220 : i32
      %rem3A_243 = arith.constant 2 : i32
      %rem3A_244 = arith.remsi %add3A_218, %rem3A_243 : i32
      %dma_wait3A_245 = arith.constant 0 : i32
      %dma_wait3A_246 = arith.constant 1 : i32
      %dma_wait3A_247 = arith.constant 0 : i32
      %dma_wait3A_248 = arith.constant 0 : i32
      %dma_wait3A_249 = tpu.memref_slice %arg6[%dma_wait3A_246, %dma_wait3A_247, %dma_wait3A_248] : memref<2x256x64xf32, #tpu.memory_space<vmem>> -> memref<1x256x64xf32, #tpu.memory_space<vmem>>
      %dma_wait3A_250 = tpu.memref_squeeze %dma_wait3A_249 : memref<1x256x64xf32, #tpu.memory_space<vmem>> -> memref<256x64xf32, #tpu.memory_space<vmem>>
      %dma_wait3A_251 = arith.constant 0 : i32
      %dma_wait3A_252 = tpu.memref_slice %arg5[%dma_wait3A_245, %dma_wait3A_251] : memref<50x512xi32, #tpu.memory_space<vmem>> -> memref<1x256xi32, #tpu.memory_space<vmem>>
      %dma_wait3A_253 = tpu.memref_squeeze %dma_wait3A_252 : memref<1x256xi32, #tpu.memory_space<vmem>> -> memref<256xi32, #tpu.memory_space<vmem>>
      %dma_wait3A_254 = arith.constant 0 : i32
      %dma_wait3A_255 = arith.constant 0 : i32
      %dma_wait3A_256 = tpu.memref_slice %arg3[%dma_wait3A_254, %dma_wait3A_255] : memref<1000000x64xf32, #tpu.memory_space<hbm>> -> memref<1000000x64xf32, #tpu.memory_space<hbm>>
      tpu.wait_indirect_dma semaphore(%arg9 : memref<!tpu.dma_semaphore, #tpu.memory_space<semaphore_mem>>) src(%dma_wait3A_256 : memref<1000000x64xf32, #tpu.memory_space<hbm>>) dst(%dma_wait3A_250 : memref<256x64xf32, #tpu.memory_space<vmem>>)
      %parallel_loop3A_257 = arith.constant 0 : i32
      %parallel_loop3A_258 = arith.constant 256 : i32
      %parallel_loop3A_259 = arith.constant 1 : i32
      %parallel_loop3A_260 = arith.constant 1 : i32
      %parallel_loop3A_261 = arith.constant 1 : i32
      scf.for %parallel_loop3A_456 = %parallel_loop3A_257 to %parallel_loop3A_258 step %parallel_loop3A_259  : i32 {
        %parallel_loop3A_457 = vector.broadcast %parallel_loop3A_456 : i32 to vector<16xi32>
        %parallel_loop3A_458 = tpu.iota {dimensions = array<i32: 0>} : vector<16xi32>
        %parallel_loop3A_459 = arith.constant 0 : i32
        %parallel_loop3A_460 = vector.broadcast %parallel_loop3A_459 : i32 to vector<16xi32>
        %parallel_loop3A_461 = arith.addi %parallel_loop3A_458, %parallel_loop3A_460 : vector<16xi32>
        %parallel_loop3A_462 = arith.constant 0 : i32
        %parallel_loop3A_463 = arith.constant 0 : i32
        %parallel_loop3A_464 = tpu.memref_slice %arg6[%parallel_loop3A_260, %parallel_loop3A_462, %parallel_loop3A_463] : memref<2x256x64xf32, #tpu.memory_space<vmem>> -> memref<1x256x64xf32, #tpu.memory_space<vmem>>
        %parallel_loop3A_465 = tpu.memref_squeeze %parallel_loop3A_464 : memref<1x256x64xf32, #tpu.memory_space<vmem>> -> memref<256x64xf32, #tpu.memory_space<vmem>>
        %parallel_loop3A_466 = arith.index_cast %parallel_loop3A_456 : i32 to index
        %parallel_loop3A_467 = arith.constant 0 : index
        %parallel_loop3A_468 = tpu.vector_load %parallel_loop3A_465[%parallel_loop3A_466, %parallel_loop3A_467] {strides = array<i32>} : memref<256x64xf32, #tpu.memory_space<vmem>>, vector<16xf32>,
        %parallel_loop3A_469 = arith.constant 0 : i32
        %parallel_loop3A_470 = arith.constant 0 : i32
        %parallel_loop3A_471 = tpu.memref_slice %arg7[%parallel_loop3A_261, %parallel_loop3A_469, %parallel_loop3A_470] : memref<2x64x256xf32, #tpu.memory_space<vmem>> -> memref<1x64x256xf32, #tpu.memory_space<vmem>>
        %parallel_loop3A_472 = tpu.memref_squeeze %parallel_loop3A_471 : memref<1x64x256xf32, #tpu.memory_space<vmem>> -> memref<64x256xf32, #tpu.memory_space<vmem>>
        tpu.vector_store_idx %parallel_loop3A_472[%parallel_loop3A_461, %parallel_loop3A_457], %parallel_loop3A_468 : memref<64x256xf32, #tpu.memory_space<vmem>>[vector<16xi32>, vector<16xi32>], vector<16xf32>,
        %parallel_loop3A_473 = tpu.iota {dimensions = array<i32: 0>} : vector<16xi32>
        %parallel_loop3A_474 = arith.constant 16 : i32
        %parallel_loop3A_475 = vector.broadcast %parallel_loop3A_474 : i32 to vector<16xi32>
        %parallel_loop3A_476 = arith.addi %parallel_loop3A_473, %parallel_loop3A_475 : vector<16xi32>
        %parallel_loop3A_477 = arith.constant 0 : i32
        %parallel_loop3A_478 = arith.constant 0 : i32
        %parallel_loop3A_479 = tpu.memref_slice %arg6[%parallel_loop3A_260, %parallel_loop3A_477, %parallel_loop3A_478] : memref<2x256x64xf32, #tpu.memory_space<vmem>> -> memref<1x256x64xf32, #tpu.memory_space<vmem>>
        %parallel_loop3A_480 = tpu.memref_squeeze %parallel_loop3A_479 : memref<1x256x64xf32, #tpu.memory_space<vmem>> -> memref<256x64xf32, #tpu.memory_space<vmem>>
        %parallel_loop3A_481 = arith.index_cast %parallel_loop3A_456 : i32 to index
        %parallel_loop3A_482 = arith.constant 16 : index
        %parallel_loop3A_483 = tpu.vector_load %parallel_loop3A_480[%parallel_loop3A_481, %parallel_loop3A_482] {strides = array<i32>} : memref<256x64xf32, #tpu.memory_space<vmem>>, vector<16xf32>,
        %parallel_loop3A_484 = arith.constant 0 : i32
        %parallel_loop3A_485 = arith.constant 0 : i32
        %parallel_loop3A_486 = tpu.memref_slice %arg7[%parallel_loop3A_261, %parallel_loop3A_484, %parallel_loop3A_485] : memref<2x64x256xf32, #tpu.memory_space<vmem>> -> memref<1x64x256xf32, #tpu.memory_space<vmem>>
        %parallel_loop3A_487 = tpu.memref_squeeze %parallel_loop3A_486 : memref<1x64x256xf32, #tpu.memory_space<vmem>> -> memref<64x256xf32, #tpu.memory_space<vmem>>
        tpu.vector_store_idx %parallel_loop3A_487[%parallel_loop3A_476, %parallel_loop3A_457], %parallel_loop3A_483 : memref<64x256xf32, #tpu.memory_space<vmem>>[vector<16xi32>, vector<16xi32>], vector<16xf32>,
        %parallel_loop3A_488 = tpu.iota {dimensions = array<i32: 0>} : vector<16xi32>
        %parallel_loop3A_489 = arith.constant 32 : i32
        %parallel_loop3A_490 = vector.broadcast %parallel_loop3A_489 : i32 to vector<16xi32>
        %parallel_loop3A_491 = arith.addi %parallel_loop3A_488, %parallel_loop3A_490 : vector<16xi32>
        %parallel_loop3A_492 = arith.constant 0 : i32
        %parallel_loop3A_493 = arith.constant 0 : i32
        %parallel_loop3A_494 = tpu.memref_slice %arg6[%parallel_loop3A_260, %parallel_loop3A_492, %parallel_loop3A_493] : memref<2x256x64xf32, #tpu.memory_space<vmem>> -> memref<1x256x64xf32, #tpu.memory_space<vmem>>
        %parallel_loop3A_495 = tpu.memref_squeeze %parallel_loop3A_494 : memref<1x256x64xf32, #tpu.memory_space<vmem>> -> memref<256x64xf32, #tpu.memory_space<vmem>>
        %parallel_loop3A_496 = arith.index_cast %parallel_loop3A_456 : i32 to index
        %parallel_loop3A_497 = arith.constant 32 : index
        %parallel_loop3A_498 = tpu.vector_load %parallel_loop3A_495[%parallel_loop3A_496, %parallel_loop3A_497] {strides = array<i32>} : memref<256x64xf32, #tpu.memory_space<vmem>>, vector<16xf32>,
        %parallel_loop3A_499 = arith.constant 0 : i32
        %parallel_loop3A_500 = arith.constant 0 : i32
        %parallel_loop3A_501 = tpu.memref_slice %arg7[%parallel_loop3A_261, %parallel_loop3A_499, %parallel_loop3A_500] : memref<2x64x256xf32, #tpu.memory_space<vmem>> -> memref<1x64x256xf32, #tpu.memory_space<vmem>>
        %parallel_loop3A_502 = tpu.memref_squeeze %parallel_loop3A_501 : memref<1x64x256xf32, #tpu.memory_space<vmem>> -> memref<64x256xf32, #tpu.memory_space<vmem>>
        tpu.vector_store_idx %parallel_loop3A_502[%parallel_loop3A_491, %parallel_loop3A_457], %parallel_loop3A_498 : memref<64x256xf32, #tpu.memory_space<vmem>>[vector<16xi32>, vector<16xi32>], vector<16xf32>,
        %parallel_loop3A_503 = tpu.iota {dimensions = array<i32: 0>} : vector<16xi32>
        %parallel_loop3A_504 = arith.constant 48 : i32
        %parallel_loop3A_505 = vector.broadcast %parallel_loop3A_504 : i32 to vector<16xi32>
        %parallel_loop3A_506 = arith.addi %parallel_loop3A_503, %parallel_loop3A_505 : vector<16xi32>
        %parallel_loop3A_507 = arith.constant 0 : i32
        %parallel_loop3A_508 = arith.constant 0 : i32
        %parallel_loop3A_509 = tpu.memref_slice %arg6[%parallel_loop3A_260, %parallel_loop3A_507, %parallel_loop3A_508] : memref<2x256x64xf32, #tpu.memory_space<vmem>> -> memref<1x256x64xf32, #tpu.memory_space<vmem>>
        %parallel_loop3A_510 = tpu.memref_squeeze %parallel_loop3A_509 : memref<1x256x64xf32, #tpu.memory_space<vmem>> -> memref<256x64xf32, #tpu.memory_space<vmem>>
        %parallel_loop3A_511 = arith.index_cast %parallel_loop3A_456 : i32 to index
        %parallel_loop3A_512 = arith.constant 48 : index
        %parallel_loop3A_513 = tpu.vector_load %parallel_loop3A_510[%parallel_loop3A_511, %parallel_loop3A_512] {strides = array<i32>} : memref<256x64xf32, #tpu.memory_space<vmem>>, vector<16xf32>,
        %parallel_loop3A_514 = arith.constant 0 : i32
        %parallel_loop3A_515 = arith.constant 0 : i32
        %parallel_loop3A_516 = tpu.memref_slice %arg7[%parallel_loop3A_261, %parallel_loop3A_514, %parallel_loop3A_515] : memref<2x64x256xf32, #tpu.memory_space<vmem>> -> memref<1x64x256xf32, #tpu.memory_space<vmem>>
        %parallel_loop3A_517 = tpu.memref_squeeze %parallel_loop3A_516 : memref<1x64x256xf32, #tpu.memory_space<vmem>> -> memref<64x256xf32, #tpu.memory_space<vmem>>
        tpu.vector_store_idx %parallel_loop3A_517[%parallel_loop3A_506, %parallel_loop3A_457], %parallel_loop3A_513 : memref<64x256xf32, #tpu.memory_space<vmem>>[vector<16xi32>, vector<16xi32>], vector<16xf32>,
      } {sc.loop_unroll_factor = 16 : i64, sc.parallel_access}
      %mul3A_262 = arith.constant 256 : i32
      %mul3A_263 = arith.muli %rem3A_244, %mul3A_262 : i32
      %add3A_264 = arith.addi %mul3A_2, %mul3A_263 : i32
      %dma_start3A_265 = arith.constant 1 : i32
      %dma_start3A_266 = arith.constant 0 : i32
      %dma_start3A_267 = arith.constant 0 : i32
      %dma_start3A_268 = tpu.memref_slice %arg7[%dma_start3A_265, %dma_start3A_266, %dma_start3A_267] : memref<2x64x256xf32, #tpu.memory_space<vmem>> -> memref<1x64x256xf32, #tpu.memory_space<vmem>>
      %dma_start3A_269 = tpu.memref_squeeze %dma_start3A_268 : memref<1x64x256xf32, #tpu.memory_space<vmem>> -> memref<64x256xf32, #tpu.memory_space<vmem>>
      %dma_start3A_270 = arith.constant 0 : i32
      %dma_start3A_271 = tpu.memref_slice %arg4[%select_n3A_242, %dma_start3A_270, %add3A_264] : memref<50x64x16384xf32, #tpu.memory_space<hbm>> -> memref<1x64x256xf32, #tpu.memory_space<hbm>>
      %dma_start3A_272 = tpu.memref_squeeze %dma_start3A_271 : memref<1x64x256xf32, #tpu.memory_space<hbm>> -> memref<64x256xf32, #tpu.memory_space<hbm>>
      %dma_start3A_273 = arith.constant 0 : i32
      %dma_start3A_274 = tpu.memref_slice %arg4[%select_n3A_242, %dma_start3A_273, %add3A_264] : memref<50x64x16384xf32, #tpu.memory_space<hbm>> -> memref<1x64x256xf32, #tpu.memory_space<hbm>>
      %dma_start3A_275 = tpu.memref_squeeze %dma_start3A_274 : memref<1x64x256xf32, #tpu.memory_space<hbm>> -> memref<64x256xf32, #tpu.memory_space<hbm>>
      %dma_start3A_276 = arith.constant 0 : i32
      %dma_start3A_277 = arith.constant 0 : i32
      %dma_start3A_278 = tpu.memref_slice %arg7[%dma_start3A_265, %dma_start3A_276, %dma_start3A_277] : memref<2x64x256xf32, #tpu.memory_space<vmem>> -> memref<1x64x256xf32, #tpu.memory_space<vmem>>
      %dma_start3A_279 = tpu.memref_squeeze %dma_start3A_278 : memref<1x64x256xf32, #tpu.memory_space<vmem>> -> memref<64x256xf32, #tpu.memory_space<vmem>>
      tpu.enqueue_dma source(%dma_start3A_279 : memref<64x256xf32, #tpu.memory_space<vmem>>) target(%dma_start3A_275 : memref<64x256xf32, #tpu.memory_space<hbm>>) target_semaphore(%arg11 : memref<!tpu.dma_semaphore, #tpu.memory_space<semaphore_mem>>)
      %add3A_280 = arith.constant 0 : i32
      %add3A_281 = arith.addi %mul3A_160, %add3A_280 : i32
      %jit3A_282 = arith.constant 2 : i32
      %div3A_283 = arith.divsi %add3A_281, %jit3A_282 : i32
      %sign3A_284 = arith.constant 0 : i32
      %sign3A_285 = arith.cmpi sgt, %add3A_281, %sign3A_284 : i32
      %sign3A_286 = arith.extui %sign3A_285 : i1 to i32
      %sign3A_287 = arith.constant 0 : i32
      %sign3A_288 = arith.cmpi slt, %add3A_281, %sign3A_287 : i32
      %sign3A_289 = arith.extui %sign3A_288 : i1 to i32
      %sign3A_290 = arith.subi %sign3A_286, %sign3A_289 : i32
      %sign3A_291 = arith.constant 0 : i32
      %sign3A_292 = arith.cmpi sgt, %jit3A_282, %sign3A_291 : i32
      %sign3A_293 = arith.extui %sign3A_292 : i1 to i32
      %sign3A_294 = arith.constant 0 : i32
      %sign3A_295 = arith.cmpi slt, %jit3A_282, %sign3A_294 : i32
      %sign3A_296 = arith.extui %sign3A_295 : i1 to i32
      %sign3A_297 = arith.subi %sign3A_293, %sign3A_296 : i32
      %ne3A_298 = arith.cmpi ne, %sign3A_290, %sign3A_297 : i32
      %rem3A_299 = arith.remsi %add3A_281, %jit3A_282 : i32
      %ne3A_300 = arith.constant 0 : i32
      %ne3A_301 = arith.cmpi ne, %rem3A_299, %ne3A_300 : i32
      %and3A_302 = arith.andi %ne3A_298, %ne3A_301 : i1
      %sub3A_303 = arith.constant 1 : i32
      %sub3A_304 = arith.subi %div3A_283, %sub3A_303 : i32
      %select_n3A_305 = arith.select %and3A_302, %sub3A_304, %div3A_283 : i32
      %rem3A_306 = arith.constant 2 : i32
      %rem3A_307 = arith.remsi %add3A_281, %rem3A_306 : i32
      %mul3A_308 = arith.constant 256 : i32
      %mul3A_309 = arith.muli %rem3A_307, %mul3A_308 : i32
      %add3A_310 = arith.addi %mul3A_2, %mul3A_309 : i32
      %dma_wait3A_311 = arith.constant 0 : i32
      %dma_wait3A_312 = arith.constant 0 : i32
      %dma_wait3A_313 = arith.constant 0 : i32
      %dma_wait3A_314 = tpu.memref_slice %arg7[%dma_wait3A_311, %dma_wait3A_312, %dma_wait3A_313] : memref<2x64x256xf32, #tpu.memory_space<vmem>> -> memref<1x64x256xf32, #tpu.memory_space<vmem>>
      %dma_wait3A_315 = tpu.memref_squeeze %dma_wait3A_314 : memref<1x64x256xf32, #tpu.memory_space<vmem>> -> memref<64x256xf32, #tpu.memory_space<vmem>>
      %dma_wait3A_316 = arith.constant 0 : i32
      %dma_wait3A_317 = tpu.memref_slice %arg4[%select_n3A_305, %dma_wait3A_316, %add3A_310] : memref<50x64x16384xf32, #tpu.memory_space<hbm>> -> memref<1x64x256xf32, #tpu.memory_space<hbm>>
      %dma_wait3A_318 = tpu.memref_squeeze %dma_wait3A_317 : memref<1x64x256xf32, #tpu.memory_space<hbm>> -> memref<64x256xf32, #tpu.memory_space<hbm>>
      %dma_wait3A_319 = arith.constant 0 : i32
      %dma_wait3A_320 = tpu.memref_slice %arg4[%select_n3A_305, %dma_wait3A_319, %add3A_310] : memref<50x64x16384xf32, #tpu.memory_space<hbm>> -> memref<1x64x256xf32, #tpu.memory_space<hbm>>
      %dma_wait3A_321 = tpu.memref_squeeze %dma_wait3A_320 : memref<1x64x256xf32, #tpu.memory_space<hbm>> -> memref<64x256xf32, #tpu.memory_space<hbm>>
      %dma_wait3A_322 = arith.constant 0 : i32
      %dma_wait3A_323 = arith.constant 0 : i32
      %dma_wait3A_324 = tpu.memref_slice %arg7[%dma_wait3A_311, %dma_wait3A_322, %dma_wait3A_323] : memref<2x64x256xf32, #tpu.memory_space<vmem>> -> memref<1x64x256xf32, #tpu.memory_space<vmem>>
      %dma_wait3A_325 = tpu.memref_squeeze %dma_wait3A_324 : memref<1x64x256xf32, #tpu.memory_space<vmem>> -> memref<64x256xf32, #tpu.memory_space<vmem>>
      tpu.wait_dma2 semaphore(%arg10 : memref<!tpu.dma_semaphore, #tpu.memory_space<semaphore_mem>>) src(%dma_wait3A_325 : memref<64x256xf32, #tpu.memory_space<vmem>>) dst(%dma_wait3A_321 : memref<64x256xf32, #tpu.memory_space<hbm>>)
      %add3A_326 = arith.constant 2 : i32
      %add3A_327 = arith.addi %mul3A_160, %add3A_326 : i32
      %add3A_328 = arith.constant 0 : i32
      %add3A_329 = arith.addi %add3A_327, %add3A_328 : i32
      %jit3A_330 = arith.constant 2 : i32
      %div3A_331 = arith.divsi %add3A_329, %jit3A_330 : i32
      %sign3A_332 = arith.constant 0 : i32
      %sign3A_333 = arith.cmpi sgt, %add3A_329, %sign3A_332 : i32
      %sign3A_334 = arith.extui %sign3A_333 : i1 to i32
      %sign3A_335 = arith.constant 0 : i32
      %sign3A_336 = arith.cmpi slt, %add3A_329, %sign3A_335 : i32
      %sign3A_337 = arith.extui %sign3A_336 : i1 to i32
      %sign3A_338 = arith.subi %sign3A_334, %sign3A_337 : i32
      %sign3A_339 = arith.constant 0 : i32
      %sign3A_340 = arith.cmpi sgt, %jit3A_330, %sign3A_339 : i32
      %sign3A_341 = arith.extui %sign3A_340 : i1 to i32
      %sign3A_342 = arith.constant 0 : i32
      %sign3A_343 = arith.cmpi slt, %jit3A_330, %sign3A_342 : i32
      %sign3A_344 = arith.extui %sign3A_343 : i1 to i32
      %sign3A_345 = arith.subi %sign3A_341, %sign3A_344 : i32
      %ne3A_346 = arith.cmpi ne, %sign3A_338, %sign3A_345 : i32
      %rem3A_347 = arith.remsi %add3A_329, %jit3A_330 : i32
      %ne3A_348 = arith.constant 0 : i32
      %ne3A_349 = arith.cmpi ne, %rem3A_347, %ne3A_348 : i32
      %and3A_350 = arith.andi %ne3A_346, %ne3A_349 : i1
      %sub3A_351 = arith.constant 1 : i32
      %sub3A_352 = arith.subi %div3A_331, %sub3A_351 : i32
      %select_n3A_353 = arith.select %and3A_350, %sub3A_352, %div3A_331 : i32
      %rem3A_354 = arith.constant 2 : i32
      %rem3A_355 = arith.remsi %add3A_329, %rem3A_354 : i32
      %mul3A_356 = arith.constant 256 : i32
      %mul3A_357 = arith.muli %rem3A_355, %mul3A_356 : i32
      %dma_start3A_358 = arith.constant 0 : i32
      %dma_start3A_359 = arith.constant 0 : i32
      %dma_start3A_360 = arith.constant 0 : i32
      %dma_start3A_361 = tpu.memref_slice %arg6[%dma_start3A_358, %dma_start3A_359, %dma_start3A_360] : memref<2x256x64xf32, #tpu.memory_space<vmem>> -> memref<1x256x64xf32, #tpu.memory_space<vmem>>
      %dma_start3A_362 = tpu.memref_squeeze %dma_start3A_361 : memref<1x256x64xf32, #tpu.memory_space<vmem>> -> memref<256x64xf32, #tpu.memory_space<vmem>>
      %dma_start3A_363 = tpu.memref_slice %arg5[%select_n3A_353, %mul3A_357] : memref<50x512xi32, #tpu.memory_space<vmem>> -> memref<1x256xi32, #tpu.memory_space<vmem>>
      %dma_start3A_364 = tpu.memref_squeeze %dma_start3A_363 : memref<1x256xi32, #tpu.memory_space<vmem>> -> memref<256xi32, #tpu.memory_space<vmem>>
      %dma_start3A_365 = arith.constant 0 : i32
      %dma_start3A_366 = arith.constant 0 : i32
      %dma_start3A_367 = tpu.memref_slice %arg3[%dma_start3A_365, %dma_start3A_366] : memref<1000000x64xf32, #tpu.memory_space<hbm>> -> memref<1000000x64xf32, #tpu.memory_space<hbm>>
      tpu.enqueue_indirect_dma source(%dma_start3A_367 : memref<1000000x64xf32, #tpu.memory_space<hbm>>) target(%dma_start3A_362 : memref<256x64xf32, #tpu.memory_space<vmem>>) offsets(%dma_start3A_364 : memref<256xi32, #tpu.memory_space<vmem>>) semaphore(%arg8 : memref<!tpu.dma_semaphore, #tpu.memory_space<semaphore_mem>>)
      %add3A_368 = arith.constant 1 : i32
      %add3A_369 = arith.addi %mul3A_160, %add3A_368 : i32
      %jit3A_370 = arith.constant 2 : i32
      %div3A_371 = arith.divsi %add3A_369, %jit3A_370 : i32
      %sign3A_372 = arith.constant 0 : i32
      %sign3A_373 = arith.cmpi sgt, %add3A_369, %sign3A_372 : i32
      %sign3A_374 = arith.extui %sign3A_373 : i1 to i32
      %sign3A_375 = arith.constant 0 : i32
      %sign3A_376 = arith.cmpi slt, %add3A_369, %sign3A_375 : i32
      %sign3A_377 = arith.extui %sign3A_376 : i1 to i32
      %sign3A_378 = arith.subi %sign3A_374, %sign3A_377 : i32
      %sign3A_379 = arith.constant 0 : i32
      %sign3A_380 = arith.cmpi sgt, %jit3A_370, %sign3A_379 : i32
      %sign3A_381 = arith.extui %sign3A_380 : i1 to i32
      %sign3A_382 = arith.constant 0 : i32
      %sign3A_383 = arith.cmpi slt, %jit3A_370, %sign3A_382 : i32
      %sign3A_384 = arith.extui %sign3A_383 : i1 to i32
      %sign3A_385 = arith.subi %sign3A_381, %sign3A_384 : i32
      %ne3A_386 = arith.cmpi ne, %sign3A_378, %sign3A_385 : i32
      %rem3A_387 = arith.remsi %add3A_369, %jit3A_370 : i32
      %ne3A_388 = arith.constant 0 : i32
      %ne3A_389 = arith.cmpi ne, %rem3A_387, %ne3A_388 : i32
      %and3A_390 = arith.andi %ne3A_386, %ne3A_389 : i1
      %sub3A_391 = arith.constant 1 : i32
      %sub3A_392 = arith.subi %div3A_371, %sub3A_391 : i32
      %select_n3A_393 = arith.select %and3A_390, %sub3A_392, %div3A_371 : i32
      %rem3A_394 = arith.constant 2 : i32
      %rem3A_395 = arith.remsi %add3A_369, %rem3A_394 : i32
      %mul3A_396 = arith.constant 256 : i32
      %mul3A_397 = arith.muli %rem3A_395, %mul3A_396 : i32
      %add3A_398 = arith.addi %mul3A_2, %mul3A_397 : i32
      %dma_wait3A_399 = arith.constant 1 : i32
      %dma_wait3A_400 = arith.constant 0 : i32
      %dma_wait3A_401 = arith.constant 0 : i32
      %dma_wait3A_402 = tpu.memref_slice %arg7[%dma_wait3A_399, %dma_wait3A_400, %dma_wait3A_401] : memref<2x64x256xf32, #tpu.memory_space<vmem>> -> memref<1x64x256xf32, #tpu.memory_space<vmem>>
      %dma_wait3A_403 = tpu.memref_squeeze %dma_wait3A_402 : memref<1x64x256xf32, #tpu.memory_space<vmem>> -> memref<64x256xf32, #tpu.memory_space<vmem>>
      %dma_wait3A_404 = arith.constant 0 : i32
      %dma_wait3A_405 = tpu.memref_slice %arg4[%select_n3A_393, %dma_wait3A_404, %add3A_398] : memref<50x64x16384xf32, #tpu.memory_space<hbm>> -> memref<1x64x256xf32, #tpu.memory_space<hbm>>
      %dma_wait3A_406 = tpu.memref_squeeze %dma_wait3A_405 : memref<1x64x256xf32, #tpu.memory_space<hbm>> -> memref<64x256xf32, #tpu.memory_space<hbm>>
      %dma_wait3A_407 = arith.constant 0 : i32
      %dma_wait3A_408 = tpu.memref_slice %arg4[%select_n3A_393, %dma_wait3A_407, %add3A_398] : memref<50x64x16384xf32, #tpu.memory_space<hbm>> -> memref<1x64x256xf32, #tpu.memory_space<hbm>>
      %dma_wait3A_409 = tpu.memref_squeeze %dma_wait3A_408 : memref<1x64x256xf32, #tpu.memory_space<hbm>> -> memref<64x256xf32, #tpu.memory_space<hbm>>
      %dma_wait3A_410 = arith.constant 0 : i32
      %dma_wait3A_411 = arith.constant 0 : i32
      %dma_wait3A_412 = tpu.memref_slice %arg7[%dma_wait3A_399, %dma_wait3A_410, %dma_wait3A_411] : memref<2x64x256xf32, #tpu.memory_space<vmem>> -> memref<1x64x256xf32, #tpu.memory_space<vmem>>
      %dma_wait3A_413 = tpu.memref_squeeze %dma_wait3A_412 : memref<1x64x256xf32, #tpu.memory_space<vmem>> -> memref<64x256xf32, #tpu.memory_space<vmem>>
      tpu.wait_dma2 semaphore(%arg11 : memref<!tpu.dma_semaphore, #tpu.memory_space<semaphore_mem>>) src(%dma_wait3A_413 : memref<64x256xf32, #tpu.memory_space<vmem>>) dst(%dma_wait3A_409 : memref<64x256xf32, #tpu.memory_space<hbm>>)
      %add3A_414 = arith.constant 2 : i32
      %add3A_415 = arith.addi %mul3A_160, %add3A_414 : i32
      %add3A_416 = arith.constant 1 : i32
      %add3A_417 = arith.addi %add3A_415, %add3A_416 : i32
      %jit3A_418 = arith.constant 2 : i32
      %div3A_419 = arith.divsi %add3A_417, %jit3A_418 : i32
      %sign3A_420 = arith.constant 0 : i32
      %sign3A_421 = arith.cmpi sgt, %add3A_417, %sign3A_420 : i32
      %sign3A_422 = arith.extui %sign3A_421 : i1 to i32
      %sign3A_423 = arith.constant 0 : i32
      %sign3A_424 = arith.cmpi slt, %add3A_417, %sign3A_423 : i32
      %sign3A_425 = arith.extui %sign3A_424 : i1 to i32
      %sign3A_426 = arith.subi %sign3A_422, %sign3A_425 : i32
      %sign3A_427 = arith.constant 0 : i32
      %sign3A_428 = arith.cmpi sgt, %jit3A_418, %sign3A_427 : i32
      %sign3A_429 = arith.extui %sign3A_428 : i1 to i32
      %sign3A_430 = arith.constant 0 : i32
      %sign3A_431 = arith.cmpi slt, %jit3A_418, %sign3A_430 : i32
      %sign3A_432 = arith.extui %sign3A_431 : i1 to i32
      %sign3A_433 = arith.subi %sign3A_429, %sign3A_432 : i32
      %ne3A_434 = arith.cmpi ne, %sign3A_426, %sign3A_433 : i32
      %rem3A_435 = arith.remsi %add3A_417, %jit3A_418 : i32
      %ne3A_436 = arith.constant 0 : i32
      %ne3A_437 = arith.cmpi ne, %rem3A_435, %ne3A_436 : i32
      %and3A_438 = arith.andi %ne3A_434, %ne3A_437 : i1
      %sub3A_439 = arith.constant 1 : i32
      %sub3A_440 = arith.subi %div3A_419, %sub3A_439 : i32
      %select_n3A_441 = arith.select %and3A_438, %sub3A_440, %div3A_419 : i32
      %rem3A_442 = arith.constant 2 : i32
      %rem3A_443 = arith.remsi %add3A_417, %rem3A_442 : i32
      %mul3A_444 = arith.constant 256 : i32
      %mul3A_445 = arith.muli %rem3A_443, %mul3A_444 : i32
      %dma_start3A_446 = arith.constant 1 : i32
      %dma_start3A_447 = arith.constant 0 : i32
      %dma_start3A_448 = arith.constant 0 : i32
      %dma_start3A_449 = tpu.memref_slice %arg6[%dma_start3A_446, %dma_start3A_447, %dma_start3A_448] : memref<2x256x64xf32, #tpu.memory_space<vmem>> -> memref<1x256x64xf32, #tpu.memory_space<vmem>>
      %dma_start3A_450 = tpu.memref_squeeze %dma_start3A_449 : memref<1x256x64xf32, #tpu.memory_space<vmem>> -> memref<256x64xf32, #tpu.memory_space<vmem>>
      %dma_start3A_451 = tpu.memref_slice %arg5[%select_n3A_441, %mul3A_445] : memref<50x512xi32, #tpu.memory_space<vmem>> -> memref<1x256xi32, #tpu.memory_space<vmem>>
      %dma_start3A_452 = tpu.memref_squeeze %dma_start3A_451 : memref<1x256xi32, #tpu.memory_space<vmem>> -> memref<256xi32, #tpu.memory_space<vmem>>
      %dma_start3A_453 = arith.constant 0 : i32
      %dma_start3A_454 = arith.constant 0 : i32
      %dma_start3A_455 = tpu.memref_slice %arg3[%dma_start3A_453, %dma_start3A_454] : memref<1000000x64xf32, #tpu.memory_space<hbm>> -> memref<1000000x64xf32, #tpu.memory_space<hbm>>
      tpu.enqueue_indirect_dma source(%dma_start3A_455 : memref<1000000x64xf32, #tpu.memory_space<hbm>>) target(%dma_start3A_450 : memref<256x64xf32, #tpu.memory_space<vmem>>) offsets(%dma_start3A_452 : memref<256xi32, #tpu.memory_space<vmem>>) semaphore(%arg9 : memref<!tpu.dma_semaphore, #tpu.memory_space<semaphore_mem>>)
    }
    %scan3A_37 = arith.constant 49 : i32
    %rem3A_38 = arith.constant 98 : i32
    %rem3A_39 = arith.constant 2 : i32
    %rem3A_40 = arith.remsi %rem3A_38, %rem3A_39 : i32
    %dma_wait3A = arith.constant 0 : i32
    %dma_wait3A_41 = arith.constant 0 : i32
    %dma_wait3A_42 = arith.constant 0 : i32
    %dma_wait3A_43 = arith.constant 0 : i32
    %dma_wait3A_44 = tpu.memref_slice %arg6[%dma_wait3A_41, %dma_wait3A_42, %dma_wait3A_43] : memref<2x256x64xf32, #tpu.memory_space<vmem>> -> memref<1x256x64xf32, #tpu.memory_space<vmem>>
    %dma_wait3A_45 = tpu.memref_squeeze %dma_wait3A_44 : memref<1x256x64xf32, #tpu.memory_space<vmem>> -> memref<256x64xf32, #tpu.memory_space<vmem>>
    %dma_wait3A_46 = arith.constant 0 : i32
    %dma_wait3A_47 = tpu.memref_slice %arg5[%dma_wait3A, %dma_wait3A_46] : memref<50x512xi32, #tpu.memory_space<vmem>> -> memref<1x256xi32, #tpu.memory_space<vmem>>
    %dma_wait3A_48 = tpu.memref_squeeze %dma_wait3A_47 : memref<1x256xi32, #tpu.memory_space<vmem>> -> memref<256xi32, #tpu.memory_space<vmem>>
    %dma_wait3A_49 = arith.constant 0 : i32
    %dma_wait3A_50 = arith.constant 0 : i32
    %dma_wait3A_51 = tpu.memref_slice %arg3[%dma_wait3A_49, %dma_wait3A_50] : memref<1000000x64xf32, #tpu.memory_space<hbm>> -> memref<1000000x64xf32, #tpu.memory_space<hbm>>
    tpu.wait_indirect_dma semaphore(%arg8 : memref<!tpu.dma_semaphore, #tpu.memory_space<semaphore_mem>>) src(%dma_wait3A_51 : memref<1000000x64xf32, #tpu.memory_space<hbm>>) dst(%dma_wait3A_45 : memref<256x64xf32, #tpu.memory_space<vmem>>)
    %parallel_loop3A = arith.constant 0 : i32
    %parallel_loop3A_52 = arith.constant 256 : i32
    %parallel_loop3A_53 = arith.constant 1 : i32
    %parallel_loop3A_54 = arith.constant 0 : i32
    %parallel_loop3A_55 = arith.constant 0 : i32
    scf.for %parallel_loop3A_158 = %parallel_loop3A to %parallel_loop3A_52 step %parallel_loop3A_53  : i32 {
      %parallel_loop3A_159 = vector.broadcast %parallel_loop3A_158 : i32 to vector<16xi32>
      %parallel_loop3A_160 = tpu.iota {dimensions = array<i32: 0>} : vector<16xi32>
      %parallel_loop3A_161 = arith.constant 0 : i32
      %parallel_loop3A_162 = vector.broadcast %parallel_loop3A_161 : i32 to vector<16xi32>
      %parallel_loop3A_163 = arith.addi %parallel_loop3A_160, %parallel_loop3A_162 : vector<16xi32>
      %parallel_loop3A_164 = arith.constant 0 : i32
      %parallel_loop3A_165 = arith.constant 0 : i32
      %parallel_loop3A_166 = tpu.memref_slice %arg6[%parallel_loop3A_54, %parallel_loop3A_164, %parallel_loop3A_165] : memref<2x256x64xf32, #tpu.memory_space<vmem>> -> memref<1x256x64xf32, #tpu.memory_space<vmem>>
      %parallel_loop3A_167 = tpu.memref_squeeze %parallel_loop3A_166 : memref<1x256x64xf32, #tpu.memory_space<vmem>> -> memref<256x64xf32, #tpu.memory_space<vmem>>
      %parallel_loop3A_168 = arith.index_cast %parallel_loop3A_158 : i32 to index
      %parallel_loop3A_169 = arith.constant 0 : index
      %parallel_loop3A_170 = tpu.vector_load %parallel_loop3A_167[%parallel_loop3A_168, %parallel_loop3A_169] {strides = array<i32>} : memref<256x64xf32, #tpu.memory_space<vmem>>, vector<16xf32>,
      %parallel_loop3A_171 = arith.constant 0 : i32
      %parallel_loop3A_172 = arith.constant 0 : i32
      %parallel_loop3A_173 = tpu.memref_slice %arg7[%parallel_loop3A_55, %parallel_loop3A_171, %parallel_loop3A_172] : memref<2x64x256xf32, #tpu.memory_space<vmem>> -> memref<1x64x256xf32, #tpu.memory_space<vmem>>
      %parallel_loop3A_174 = tpu.memref_squeeze %parallel_loop3A_173 : memref<1x64x256xf32, #tpu.memory_space<vmem>> -> memref<64x256xf32, #tpu.memory_space<vmem>>
      tpu.vector_store_idx %parallel_loop3A_174[%parallel_loop3A_163, %parallel_loop3A_159], %parallel_loop3A_170 : memref<64x256xf32, #tpu.memory_space<vmem>>[vector<16xi32>, vector<16xi32>], vector<16xf32>,
      %parallel_loop3A_175 = tpu.iota {dimensions = array<i32: 0>} : vector<16xi32>
      %parallel_loop3A_176 = arith.constant 16 : i32
      %parallel_loop3A_177 = vector.broadcast %parallel_loop3A_176 : i32 to vector<16xi32>
      %parallel_loop3A_178 = arith.addi %parallel_loop3A_175, %parallel_loop3A_177 : vector<16xi32>
      %parallel_loop3A_179 = arith.constant 0 : i32
      %parallel_loop3A_180 = arith.constant 0 : i32
      %parallel_loop3A_181 = tpu.memref_slice %arg6[%parallel_loop3A_54, %parallel_loop3A_179, %parallel_loop3A_180] : memref<2x256x64xf32, #tpu.memory_space<vmem>> -> memref<1x256x64xf32, #tpu.memory_space<vmem>>
      %parallel_loop3A_182 = tpu.memref_squeeze %parallel_loop3A_181 : memref<1x256x64xf32, #tpu.memory_space<vmem>> -> memref<256x64xf32, #tpu.memory_space<vmem>>
      %parallel_loop3A_183 = arith.index_cast %parallel_loop3A_158 : i32 to index
      %parallel_loop3A_184 = arith.constant 16 : index
      %parallel_loop3A_185 = tpu.vector_load %parallel_loop3A_182[%parallel_loop3A_183, %parallel_loop3A_184] {strides = array<i32>} : memref<256x64xf32, #tpu.memory_space<vmem>>, vector<16xf32>,
      %parallel_loop3A_186 = arith.constant 0 : i32
      %parallel_loop3A_187 = arith.constant 0 : i32
      %parallel_loop3A_188 = tpu.memref_slice %arg7[%parallel_loop3A_55, %parallel_loop3A_186, %parallel_loop3A_187] : memref<2x64x256xf32, #tpu.memory_space<vmem>> -> memref<1x64x256xf32, #tpu.memory_space<vmem>>
      %parallel_loop3A_189 = tpu.memref_squeeze %parallel_loop3A_188 : memref<1x64x256xf32, #tpu.memory_space<vmem>> -> memref<64x256xf32, #tpu.memory_space<vmem>>
      tpu.vector_store_idx %parallel_loop3A_189[%parallel_loop3A_178, %parallel_loop3A_159], %parallel_loop3A_185 : memref<64x256xf32, #tpu.memory_space<vmem>>[vector<16xi32>, vector<16xi32>], vector<16xf32>,
      %parallel_loop3A_190 = tpu.iota {dimensions = array<i32: 0>} : vector<16xi32>
      %parallel_loop3A_191 = arith.constant 32 : i32
      %parallel_loop3A_192 = vector.broadcast %parallel_loop3A_191 : i32 to vector<16xi32>
      %parallel_loop3A_193 = arith.addi %parallel_loop3A_190, %parallel_loop3A_192 : vector<16xi32>
      %parallel_loop3A_194 = arith.constant 0 : i32
      %parallel_loop3A_195 = arith.constant 0 : i32
      %parallel_loop3A_196 = tpu.memref_slice %arg6[%parallel_loop3A_54, %parallel_loop3A_194, %parallel_loop3A_195] : memref<2x256x64xf32, #tpu.memory_space<vmem>> -> memref<1x256x64xf32, #tpu.memory_space<vmem>>
      %parallel_loop3A_197 = tpu.memref_squeeze %parallel_loop3A_196 : memref<1x256x64xf32, #tpu.memory_space<vmem>> -> memref<256x64xf32, #tpu.memory_space<vmem>>
      %parallel_loop3A_198 = arith.index_cast %parallel_loop3A_158 : i32 to index
      %parallel_loop3A_199 = arith.constant 32 : index
      %parallel_loop3A_200 = tpu.vector_load %parallel_loop3A_197[%parallel_loop3A_198, %parallel_loop3A_199] {strides = array<i32>} : memref<256x64xf32, #tpu.memory_space<vmem>>, vector<16xf32>,
      %parallel_loop3A_201 = arith.constant 0 : i32
      %parallel_loop3A_202 = arith.constant 0 : i32
      %parallel_loop3A_203 = tpu.memref_slice %arg7[%parallel_loop3A_55, %parallel_loop3A_201, %parallel_loop3A_202] : memref<2x64x256xf32, #tpu.memory_space<vmem>> -> memref<1x64x256xf32, #tpu.memory_space<vmem>>
      %parallel_loop3A_204 = tpu.memref_squeeze %parallel_loop3A_203 : memref<1x64x256xf32, #tpu.memory_space<vmem>> -> memref<64x256xf32, #tpu.memory_space<vmem>>
      tpu.vector_store_idx %parallel_loop3A_204[%parallel_loop3A_193, %parallel_loop3A_159], %parallel_loop3A_200 : memref<64x256xf32, #tpu.memory_space<vmem>>[vector<16xi32>, vector<16xi32>], vector<16xf32>,
      %parallel_loop3A_205 = tpu.iota {dimensions = array<i32: 0>} : vector<16xi32>
      %parallel_loop3A_206 = arith.constant 48 : i32
      %parallel_loop3A_207 = vector.broadcast %parallel_loop3A_206 : i32 to vector<16xi32>
      %parallel_loop3A_208 = arith.addi %parallel_loop3A_205, %parallel_loop3A_207 : vector<16xi32>
      %parallel_loop3A_209 = arith.constant 0 : i32
      %parallel_loop3A_210 = arith.constant 0 : i32
      %parallel_loop3A_211 = tpu.memref_slice %arg6[%parallel_loop3A_54, %parallel_loop3A_209, %parallel_loop3A_210] : memref<2x256x64xf32, #tpu.memory_space<vmem>> -> memref<1x256x64xf32, #tpu.memory_space<vmem>>
      %parallel_loop3A_212 = tpu.memref_squeeze %parallel_loop3A_211 : memref<1x256x64xf32, #tpu.memory_space<vmem>> -> memref<256x64xf32, #tpu.memory_space<vmem>>
      %parallel_loop3A_213 = arith.index_cast %parallel_loop3A_158 : i32 to index
      %parallel_loop3A_214 = arith.constant 48 : index
      %parallel_loop3A_215 = tpu.vector_load %parallel_loop3A_212[%parallel_loop3A_213, %parallel_loop3A_214] {strides = array<i32>} : memref<256x64xf32, #tpu.memory_space<vmem>>, vector<16xf32>,
      %parallel_loop3A_216 = arith.constant 0 : i32
      %parallel_loop3A_217 = arith.constant 0 : i32
      %parallel_loop3A_218 = tpu.memref_slice %arg7[%parallel_loop3A_55, %parallel_loop3A_216, %parallel_loop3A_217] : memref<2x64x256xf32, #tpu.memory_space<vmem>> -> memref<1x64x256xf32, #tpu.memory_space<vmem>>
      %parallel_loop3A_219 = tpu.memref_squeeze %parallel_loop3A_218 : memref<1x64x256xf32, #tpu.memory_space<vmem>> -> memref<64x256xf32, #tpu.memory_space<vmem>>
      tpu.vector_store_idx %parallel_loop3A_219[%parallel_loop3A_208, %parallel_loop3A_159], %parallel_loop3A_215 : memref<64x256xf32, #tpu.memory_space<vmem>>[vector<16xi32>, vector<16xi32>], vector<16xf32>,
    } {sc.loop_unroll_factor = 16 : i64, sc.parallel_access}
    %mul3A_56 = arith.constant 256 : i32
    %mul3A_57 = arith.muli %rem3A_40, %mul3A_56 : i32
    %add3A_58 = arith.addi %mul3A_2, %mul3A_57 : i32
    %dma_start3A_59 = arith.constant 0 : i32
    %dma_start3A_60 = arith.constant 49 : i32
    %dma_start3A_61 = arith.constant 0 : i32
    %dma_start3A_62 = arith.constant 0 : i32
    %dma_start3A_63 = tpu.memref_slice %arg7[%dma_start3A_59, %dma_start3A_61, %dma_start3A_62] : memref<2x64x256xf32, #tpu.memory_space<vmem>> -> memref<1x64x256xf32, #tpu.memory_space<vmem>>
    %dma_start3A_64 = tpu.memref_squeeze %dma_start3A_63 : memref<1x64x256xf32, #tpu.memory_space<vmem>> -> memref<64x256xf32, #tpu.memory_space<vmem>>
    %dma_start3A_65 = arith.constant 0 : i32
    %dma_start3A_66 = tpu.memref_slice %arg4[%dma_start3A_60, %dma_start3A_65, %add3A_58] : memref<50x64x16384xf32, #tpu.memory_space<hbm>> -> memref<1x64x256xf32, #tpu.memory_space<hbm>>
    %dma_start3A_67 = tpu.memref_squeeze %dma_start3A_66 : memref<1x64x256xf32, #tpu.memory_space<hbm>> -> memref<64x256xf32, #tpu.memory_space<hbm>>
    %dma_start3A_68 = arith.constant 0 : i32
    %dma_start3A_69 = tpu.memref_slice %arg4[%dma_start3A_60, %dma_start3A_68, %add3A_58] : memref<50x64x16384xf32, #tpu.memory_space<hbm>> -> memref<1x64x256xf32, #tpu.memory_space<hbm>>
    %dma_start3A_70 = tpu.memref_squeeze %dma_start3A_69 : memref<1x64x256xf32, #tpu.memory_space<hbm>> -> memref<64x256xf32, #tpu.memory_space<hbm>>
    %dma_start3A_71 = arith.constant 0 : i32
    %dma_start3A_72 = arith.constant 0 : i32
    %dma_start3A_73 = tpu.memref_slice %arg7[%dma_start3A_59, %dma_start3A_71, %dma_start3A_72] : memref<2x64x256xf32, #tpu.memory_space<vmem>> -> memref<1x64x256xf32, #tpu.memory_space<vmem>>
    %dma_start3A_74 = tpu.memref_squeeze %dma_start3A_73 : memref<1x64x256xf32, #tpu.memory_space<vmem>> -> memref<64x256xf32, #tpu.memory_space<vmem>>
    tpu.enqueue_dma source(%dma_start3A_74 : memref<64x256xf32, #tpu.memory_space<vmem>>) target(%dma_start3A_70 : memref<64x256xf32, #tpu.memory_space<hbm>>) target_semaphore(%arg10 : memref<!tpu.dma_semaphore, #tpu.memory_space<semaphore_mem>>)
    %rem3A_75 = arith.constant 99 : i32
    %rem3A_76 = arith.constant 2 : i32
    %rem3A_77 = arith.remsi %rem3A_75, %rem3A_76 : i32
    %dma_wait3A_78 = arith.constant 0 : i32
    %dma_wait3A_79 = arith.constant 1 : i32
    %dma_wait3A_80 = arith.constant 0 : i32
    %dma_wait3A_81 = arith.constant 0 : i32
    %dma_wait3A_82 = tpu.memref_slice %arg6[%dma_wait3A_79, %dma_wait3A_80, %dma_wait3A_81] : memref<2x256x64xf32, #tpu.memory_space<vmem>> -> memref<1x256x64xf32, #tpu.memory_space<vmem>>
    %dma_wait3A_83 = tpu.memref_squeeze %dma_wait3A_82 : memref<1x256x64xf32, #tpu.memory_space<vmem>> -> memref<256x64xf32, #tpu.memory_space<vmem>>
    %dma_wait3A_84 = arith.constant 0 : i32
    %dma_wait3A_85 = tpu.memref_slice %arg5[%dma_wait3A_78, %dma_wait3A_84] : memref<50x512xi32, #tpu.memory_space<vmem>> -> memref<1x256xi32, #tpu.memory_space<vmem>>
    %dma_wait3A_86 = tpu.memref_squeeze %dma_wait3A_85 : memref<1x256xi32, #tpu.memory_space<vmem>> -> memref<256xi32, #tpu.memory_space<vmem>>
    %dma_wait3A_87 = arith.constant 0 : i32
    %dma_wait3A_88 = arith.constant 0 : i32
    %dma_wait3A_89 = tpu.memref_slice %arg3[%dma_wait3A_87, %dma_wait3A_88] : memref<1000000x64xf32, #tpu.memory_space<hbm>> -> memref<1000000x64xf32, #tpu.memory_space<hbm>>
    tpu.wait_indirect_dma semaphore(%arg9 : memref<!tpu.dma_semaphore, #tpu.memory_space<semaphore_mem>>) src(%dma_wait3A_89 : memref<1000000x64xf32, #tpu.memory_space<hbm>>) dst(%dma_wait3A_83 : memref<256x64xf32, #tpu.memory_space<vmem>>)
    %parallel_loop3A_90 = arith.constant 0 : i32
    %parallel_loop3A_91 = arith.constant 256 : i32
    %parallel_loop3A_92 = arith.constant 1 : i32
    %parallel_loop3A_93 = arith.constant 1 : i32
    %parallel_loop3A_94 = arith.constant 1 : i32
    scf.for %parallel_loop3A_158 = %parallel_loop3A_90 to %parallel_loop3A_91 step %parallel_loop3A_92  : i32 {
      %parallel_loop3A_159 = vector.broadcast %parallel_loop3A_158 : i32 to vector<16xi32>
      %parallel_loop3A_160 = tpu.iota {dimensions = array<i32: 0>} : vector<16xi32>
      %parallel_loop3A_161 = arith.constant 0 : i32
      %parallel_loop3A_162 = vector.broadcast %parallel_loop3A_161 : i32 to vector<16xi32>
      %parallel_loop3A_163 = arith.addi %parallel_loop3A_160, %parallel_loop3A_162 : vector<16xi32>
      %parallel_loop3A_164 = arith.constant 0 : i32
      %parallel_loop3A_165 = arith.constant 0 : i32
      %parallel_loop3A_166 = tpu.memref_slice %arg6[%parallel_loop3A_93, %parallel_loop3A_164, %parallel_loop3A_165] : memref<2x256x64xf32, #tpu.memory_space<vmem>> -> memref<1x256x64xf32, #tpu.memory_space<vmem>>
      %parallel_loop3A_167 = tpu.memref_squeeze %parallel_loop3A_166 : memref<1x256x64xf32, #tpu.memory_space<vmem>> -> memref<256x64xf32, #tpu.memory_space<vmem>>
      %parallel_loop3A_168 = arith.index_cast %parallel_loop3A_158 : i32 to index
      %parallel_loop3A_169 = arith.constant 0 : index
      %parallel_loop3A_170 = tpu.vector_load %parallel_loop3A_167[%parallel_loop3A_168, %parallel_loop3A_169] {strides = array<i32>} : memref<256x64xf32, #tpu.memory_space<vmem>>, vector<16xf32>,
      %parallel_loop3A_171 = arith.constant 0 : i32
      %parallel_loop3A_172 = arith.constant 0 : i32
      %parallel_loop3A_173 = tpu.memref_slice %arg7[%parallel_loop3A_94, %parallel_loop3A_171, %parallel_loop3A_172] : memref<2x64x256xf32, #tpu.memory_space<vmem>> -> memref<1x64x256xf32, #tpu.memory_space<vmem>>
      %parallel_loop3A_174 = tpu.memref_squeeze %parallel_loop3A_173 : memref<1x64x256xf32, #tpu.memory_space<vmem>> -> memref<64x256xf32, #tpu.memory_space<vmem>>
      tpu.vector_store_idx %parallel_loop3A_174[%parallel_loop3A_163, %parallel_loop3A_159], %parallel_loop3A_170 : memref<64x256xf32, #tpu.memory_space<vmem>>[vector<16xi32>, vector<16xi32>], vector<16xf32>,
      %parallel_loop3A_175 = tpu.iota {dimensions = array<i32: 0>} : vector<16xi32>
      %parallel_loop3A_176 = arith.constant 16 : i32
      %parallel_loop3A_177 = vector.broadcast %parallel_loop3A_176 : i32 to vector<16xi32>
      %parallel_loop3A_178 = arith.addi %parallel_loop3A_175, %parallel_loop3A_177 : vector<16xi32>
      %parallel_loop3A_179 = arith.constant 0 : i32
      %parallel_loop3A_180 = arith.constant 0 : i32
      %parallel_loop3A_181 = tpu.memref_slice %arg6[%parallel_loop3A_93, %parallel_loop3A_179, %parallel_loop3A_180] : memref<2x256x64xf32, #tpu.memory_space<vmem>> -> memref<1x256x64xf32, #tpu.memory_space<vmem>>
      %parallel_loop3A_182 = tpu.memref_squeeze %parallel_loop3A_181 : memref<1x256x64xf32, #tpu.memory_space<vmem>> -> memref<256x64xf32, #tpu.memory_space<vmem>>
      %parallel_loop3A_183 = arith.index_cast %parallel_loop3A_158 : i32 to index
      %parallel_loop3A_184 = arith.constant 16 : index
      %parallel_loop3A_185 = tpu.vector_load %parallel_loop3A_182[%parallel_loop3A_183, %parallel_loop3A_184] {strides = array<i32>} : memref<256x64xf32, #tpu.memory_space<vmem>>, vector<16xf32>,
      %parallel_loop3A_186 = arith.constant 0 : i32
      %parallel_loop3A_187 = arith.constant 0 : i32
      %parallel_loop3A_188 = tpu.memref_slice %arg7[%parallel_loop3A_94, %parallel_loop3A_186, %parallel_loop3A_187] : memref<2x64x256xf32, #tpu.memory_space<vmem>> -> memref<1x64x256xf32, #tpu.memory_space<vmem>>
      %parallel_loop3A_189 = tpu.memref_squeeze %parallel_loop3A_188 : memref<1x64x256xf32, #tpu.memory_space<vmem>> -> memref<64x256xf32, #tpu.memory_space<vmem>>
      tpu.vector_store_idx %parallel_loop3A_189[%parallel_loop3A_178, %parallel_loop3A_159], %parallel_loop3A_185 : memref<64x256xf32, #tpu.memory_space<vmem>>[vector<16xi32>, vector<16xi32>], vector<16xf32>,
      %parallel_loop3A_190 = tpu.iota {dimensions = array<i32: 0>} : vector<16xi32>
      %parallel_loop3A_191 = arith.constant 32 : i32
      %parallel_loop3A_192 = vector.broadcast %parallel_loop3A_191 : i32 to vector<16xi32>
      %parallel_loop3A_193 = arith.addi %parallel_loop3A_190, %parallel_loop3A_192 : vector<16xi32>
      %parallel_loop3A_194 = arith.constant 0 : i32
      %parallel_loop3A_195 = arith.constant 0 : i32
      %parallel_loop3A_196 = tpu.memref_slice %arg6[%parallel_loop3A_93, %parallel_loop3A_194, %parallel_loop3A_195] : memref<2x256x64xf32, #tpu.memory_space<vmem>> -> memref<1x256x64xf32, #tpu.memory_space<vmem>>
      %parallel_loop3A_197 = tpu.memref_squeeze %parallel_loop3A_196 : memref<1x256x64xf32, #tpu.memory_space<vmem>> -> memref<256x64xf32, #tpu.memory_space<vmem>>
      %parallel_loop3A_198 = arith.index_cast %parallel_loop3A_158 : i32 to index
      %parallel_loop3A_199 = arith.constant 32 : index
      %parallel_loop3A_200 = tpu.vector_load %parallel_loop3A_197[%parallel_loop3A_198, %parallel_loop3A_199] {strides = array<i32>} : memref<256x64xf32, #tpu.memory_space<vmem>>, vector<16xf32>,
      %parallel_loop3A_201 = arith.constant 0 : i32
      %parallel_loop3A_202 = arith.constant 0 : i32
      %parallel_loop3A_203 = tpu.memref_slice %arg7[%parallel_loop3A_94, %parallel_loop3A_201, %parallel_loop3A_202] : memref<2x64x256xf32, #tpu.memory_space<vmem>> -> memref<1x64x256xf32, #tpu.memory_space<vmem>>
      %parallel_loop3A_204 = tpu.memref_squeeze %parallel_loop3A_203 : memref<1x64x256xf32, #tpu.memory_space<vmem>> -> memref<64x256xf32, #tpu.memory_space<vmem>>
      tpu.vector_store_idx %parallel_loop3A_204[%parallel_loop3A_193, %parallel_loop3A_159], %parallel_loop3A_200 : memref<64x256xf32, #tpu.memory_space<vmem>>[vector<16xi32>, vector<16xi32>], vector<16xf32>,
      %parallel_loop3A_205 = tpu.iota {dimensions = array<i32: 0>} : vector<16xi32>
      %parallel_loop3A_206 = arith.constant 48 : i32
      %parallel_loop3A_207 = vector.broadcast %parallel_loop3A_206 : i32 to vector<16xi32>
      %parallel_loop3A_208 = arith.addi %parallel_loop3A_205, %parallel_loop3A_207 : vector<16xi32>
      %parallel_loop3A_209 = arith.constant 0 : i32
      %parallel_loop3A_210 = arith.constant 0 : i32
      %parallel_loop3A_211 = tpu.memref_slice %arg6[%parallel_loop3A_93, %parallel_loop3A_209, %parallel_loop3A_210] : memref<2x256x64xf32, #tpu.memory_space<vmem>> -> memref<1x256x64xf32, #tpu.memory_space<vmem>>
      %parallel_loop3A_212 = tpu.memref_squeeze %parallel_loop3A_211 : memref<1x256x64xf32, #tpu.memory_space<vmem>> -> memref<256x64xf32, #tpu.memory_space<vmem>>
      %parallel_loop3A_213 = arith.index_cast %parallel_loop3A_158 : i32 to index
      %parallel_loop3A_214 = arith.constant 48 : index
      %parallel_loop3A_215 = tpu.vector_load %parallel_loop3A_212[%parallel_loop3A_213, %parallel_loop3A_214] {strides = array<i32>} : memref<256x64xf32, #tpu.memory_space<vmem>>, vector<16xf32>,
      %parallel_loop3A_216 = arith.constant 0 : i32
      %parallel_loop3A_217 = arith.constant 0 : i32
      %parallel_loop3A_218 = tpu.memref_slice %arg7[%parallel_loop3A_94, %parallel_loop3A_216, %parallel_loop3A_217] : memref<2x64x256xf32, #tpu.memory_space<vmem>> -> memref<1x64x256xf32, #tpu.memory_space<vmem>>
      %parallel_loop3A_219 = tpu.memref_squeeze %parallel_loop3A_218 : memref<1x64x256xf32, #tpu.memory_space<vmem>> -> memref<64x256xf32, #tpu.memory_space<vmem>>
      tpu.vector_store_idx %parallel_loop3A_219[%parallel_loop3A_208, %parallel_loop3A_159], %parallel_loop3A_215 : memref<64x256xf32, #tpu.memory_space<vmem>>[vector<16xi32>, vector<16xi32>], vector<16xf32>,
    } {sc.loop_unroll_factor = 16 : i64, sc.parallel_access}
    %mul3A_95 = arith.constant 256 : i32
    %mul3A_96 = arith.muli %rem3A_77, %mul3A_95 : i32
    %add3A_97 = arith.addi %mul3A_2, %mul3A_96 : i32
    %dma_start3A_98 = arith.constant 1 : i32
    %dma_start3A_99 = arith.constant 49 : i32
    %dma_start3A_100 = arith.constant 0 : i32
    %dma_start3A_101 = arith.constant 0 : i32
    %dma_start3A_102 = tpu.memref_slice %arg7[%dma_start3A_98, %dma_start3A_100, %dma_start3A_101] : memref<2x64x256xf32, #tpu.memory_space<vmem>> -> memref<1x64x256xf32, #tpu.memory_space<vmem>>
    %dma_start3A_103 = tpu.memref_squeeze %dma_start3A_102 : memref<1x64x256xf32, #tpu.memory_space<vmem>> -> memref<64x256xf32, #tpu.memory_space<vmem>>
    %dma_start3A_104 = arith.constant 0 : i32
    %dma_start3A_105 = tpu.memref_slice %arg4[%dma_start3A_99, %dma_start3A_104, %add3A_97] : memref<50x64x16384xf32, #tpu.memory_space<hbm>> -> memref<1x64x256xf32, #tpu.memory_space<hbm>>
    %dma_start3A_106 = tpu.memref_squeeze %dma_start3A_105 : memref<1x64x256xf32, #tpu.memory_space<hbm>> -> memref<64x256xf32, #tpu.memory_space<hbm>>
    %dma_start3A_107 = arith.constant 0 : i32
    %dma_start3A_108 = tpu.memref_slice %arg4[%dma_start3A_99, %dma_start3A_107, %add3A_97] : memref<50x64x16384xf32, #tpu.memory_space<hbm>> -> memref<1x64x256xf32, #tpu.memory_space<hbm>>
    %dma_start3A_109 = tpu.memref_squeeze %dma_start3A_108 : memref<1x64x256xf32, #tpu.memory_space<hbm>> -> memref<64x256xf32, #tpu.memory_space<hbm>>
    %dma_start3A_110 = arith.constant 0 : i32
    %dma_start3A_111 = arith.constant 0 : i32
    %dma_start3A_112 = tpu.memref_slice %arg7[%dma_start3A_98, %dma_start3A_110, %dma_start3A_111] : memref<2x64x256xf32, #tpu.memory_space<vmem>> -> memref<1x64x256xf32, #tpu.memory_space<vmem>>
    %dma_start3A_113 = tpu.memref_squeeze %dma_start3A_112 : memref<1x64x256xf32, #tpu.memory_space<vmem>> -> memref<64x256xf32, #tpu.memory_space<vmem>>
    tpu.enqueue_dma source(%dma_start3A_113 : memref<64x256xf32, #tpu.memory_space<vmem>>) target(%dma_start3A_109 : memref<64x256xf32, #tpu.memory_space<hbm>>) target_semaphore(%arg11 : memref<!tpu.dma_semaphore, #tpu.memory_space<semaphore_mem>>)
    %rem3A_114 = arith.constant 98 : i32
    %rem3A_115 = arith.constant 2 : i32
    %rem3A_116 = arith.remsi %rem3A_114, %rem3A_115 : i32
    %mul3A_117 = arith.constant 256 : i32
    %mul3A_118 = arith.muli %rem3A_116, %mul3A_117 : i32
    %add3A_119 = arith.addi %mul3A_2, %mul3A_118 : i32
    %dma_wait3A_120 = arith.constant 0 : i32
    %dma_wait3A_121 = arith.constant 49 : i32
    %dma_wait3A_122 = arith.constant 0 : i32
    %dma_wait3A_123 = arith.constant 0 : i32
    %dma_wait3A_124 = tpu.memref_slice %arg7[%dma_wait3A_120, %dma_wait3A_122, %dma_wait3A_123] : memref<2x64x256xf32, #tpu.memory_space<vmem>> -> memref<1x64x256xf32, #tpu.memory_space<vmem>>
    %dma_wait3A_125 = tpu.memref_squeeze %dma_wait3A_124 : memref<1x64x256xf32, #tpu.memory_space<vmem>> -> memref<64x256xf32, #tpu.memory_space<vmem>>
    %dma_wait3A_126 = arith.constant 0 : i32
    %dma_wait3A_127 = tpu.memref_slice %arg4[%dma_wait3A_121, %dma_wait3A_126, %add3A_119] : memref<50x64x16384xf32, #tpu.memory_space<hbm>> -> memref<1x64x256xf32, #tpu.memory_space<hbm>>
    %dma_wait3A_128 = tpu.memref_squeeze %dma_wait3A_127 : memref<1x64x256xf32, #tpu.memory_space<hbm>> -> memref<64x256xf32, #tpu.memory_space<hbm>>
    %dma_wait3A_129 = arith.constant 0 : i32
    %dma_wait3A_130 = tpu.memref_slice %arg4[%dma_wait3A_121, %dma_wait3A_129, %add3A_119] : memref<50x64x16384xf32, #tpu.memory_space<hbm>> -> memref<1x64x256xf32, #tpu.memory_space<hbm>>
    %dma_wait3A_131 = tpu.memref_squeeze %dma_wait3A_130 : memref<1x64x256xf32, #tpu.memory_space<hbm>> -> memref<64x256xf32, #tpu.memory_space<hbm>>
    %dma_wait3A_132 = arith.constant 0 : i32
    %dma_wait3A_133 = arith.constant 0 : i32
    %dma_wait3A_134 = tpu.memref_slice %arg7[%dma_wait3A_120, %dma_wait3A_132, %dma_wait3A_133] : memref<2x64x256xf32, #tpu.memory_space<vmem>> -> memref<1x64x256xf32, #tpu.memory_space<vmem>>
    %dma_wait3A_135 = tpu.memref_squeeze %dma_wait3A_134 : memref<1x64x256xf32, #tpu.memory_space<vmem>> -> memref<64x256xf32, #tpu.memory_space<vmem>>
    tpu.wait_dma2 semaphore(%arg10 : memref<!tpu.dma_semaphore, #tpu.memory_space<semaphore_mem>>) src(%dma_wait3A_135 : memref<64x256xf32, #tpu.memory_space<vmem>>) dst(%dma_wait3A_131 : memref<64x256xf32, #tpu.memory_space<hbm>>)
    %rem3A_136 = arith.constant 99 : i32
    %rem3A_137 = arith.constant 2 : i32
    %rem3A_138 = arith.remsi %rem3A_136, %rem3A_137 : i32
    %mul3A_139 = arith.constant 256 : i32
    %mul3A_140 = arith.muli %rem3A_138, %mul3A_139 : i32
    %add3A_141 = arith.addi %mul3A_2, %mul3A_140 : i32
    %dma_wait3A_142 = arith.constant 1 : i32
    %dma_wait3A_143 = arith.constant 49 : i32
    %dma_wait3A_144 = arith.constant 0 : i32
    %dma_wait3A_145 = arith.constant 0 : i32
    %dma_wait3A_146 = tpu.memref_slice %arg7[%dma_wait3A_142, %dma_wait3A_144, %dma_wait3A_145] : memref<2x64x256xf32, #tpu.memory_space<vmem>> -> memref<1x64x256xf32, #tpu.memory_space<vmem>>
    %dma_wait3A_147 = tpu.memref_squeeze %dma_wait3A_146 : memref<1x64x256xf32, #tpu.memory_space<vmem>> -> memref<64x256xf32, #tpu.memory_space<vmem>>
    %dma_wait3A_148 = arith.constant 0 : i32
    %dma_wait3A_149 = tpu.memref_slice %arg4[%dma_wait3A_143, %dma_wait3A_148, %add3A_141] : memref<50x64x16384xf32, #tpu.memory_space<hbm>> -> memref<1x64x256xf32, #tpu.memory_space<hbm>>
    %dma_wait3A_150 = tpu.memref_squeeze %dma_wait3A_149 : memref<1x64x256xf32, #tpu.memory_space<hbm>> -> memref<64x256xf32, #tpu.memory_space<hbm>>
    %dma_wait3A_151 = arith.constant 0 : i32
    %dma_wait3A_152 = tpu.memref_slice %arg4[%dma_wait3A_143, %dma_wait3A_151, %add3A_141] : memref<50x64x16384xf32, #tpu.memory_space<hbm>> -> memref<1x64x256xf32, #tpu.memory_space<hbm>>
    %dma_wait3A_153 = tpu.memref_squeeze %dma_wait3A_152 : memref<1x64x256xf32, #tpu.memory_space<hbm>> -> memref<64x256xf32, #tpu.memory_space<hbm>>
    %dma_wait3A_154 = arith.constant 0 : i32
    %dma_wait3A_155 = arith.constant 0 : i32
    %dma_wait3A_156 = tpu.memref_slice %arg7[%dma_wait3A_142, %dma_wait3A_154, %dma_wait3A_155] : memref<2x64x256xf32, #tpu.memory_space<vmem>> -> memref<1x64x256xf32, #tpu.memory_space<vmem>>
    %dma_wait3A_157 = tpu.memref_squeeze %dma_wait3A_156 : memref<1x64x256xf32, #tpu.memory_space<vmem>> -> memref<64x256xf32, #tpu.memory_space<vmem>>
    tpu.wait_dma2 semaphore(%arg11 : memref<!tpu.dma_semaphore, #tpu.memory_space<semaphore_mem>>) src(%dma_wait3A_157 : memref<64x256xf32, #tpu.memory_space<vmem>>) dst(%dma_wait3A_153 : memref<64x256xf32, #tpu.memory_space<hbm>>)
    return
  }
}

</mosaic_0001>

<sc_bundles>
// kernel: kernel.3.cloned.1.call-start
scs
__scs_entry_jumppad:
0x0: {  	(pc) =	sbr.rel $0x88, $3  }
0x1: {  	(tag) =	ssettag $0x0;
	lr =	simm.s32 $0x1  }
0x2: {  	[smem:$0x3F9F] =	sst lr;
	_ =	strace $0xD0000000  }
0x3: {  	_ = 	snop  }
0x4: {  	_ = 	snop  }
0x5: {  	_ = 	snop  }
0x6: {  	_ = 	snop  }
0x7: {  	_ = 	snop  }
__scs_overlays_trampoline_lowered:
0x8: {  	[smem:$0x3FAE] =	sst s0  }
0x9: {  	[smem:$0x3FAF] =	sst s1  }
0xa: {  	[smem:$0x3FB0] =	sst s2  }
0xb: {  	[smem:$0x3FB1] =	sst s3  }
0xc: {  	[smem:$0x3FB2] =	sst s4  }
0xd: {  	[smem:$0x3FB3] =	sst s5  }
0xe: {  	[smem:$0x3FB4] =	sst s6  }
0xf: {  	[smem:$0x3FB5] =	sst s7  }
0x10: {  	[smem:$0x3FB6] =	sst s8  }
0x11: {  	[smem:$0x3FB7] =	sst s9;
	s0 =	simm.s32 @!p0 $0x0  }
0x12: {  	s1 =	sld [smem:$0x3F9D];
	s0 =	simm.s32 @p0 $0x1  }
0x13: {  	[smem:$0x3FB8] =	sst s0;
	s0 =	simm.s32 @!p1 $0x0  }
0x14: {  	s2 =	sld [smem:$0x3F9C];
	s0 =	simm.s32 @p1 $0x1  }
0x15: {  	[smem:$0x3FB9] =	sst s0;
	s0 =	simm.s32 @!p2 $0x0  }
0x16: {  	s3 =	sld [smem:$0x3FDB];
	s0 =	simm.s32 @p2 $0x1  }
0x17: {  	s4 =	simm.s32 $0x1BF5;
	[smem:$0x3FBB] =	sst s0  }
0x18: {  	s0 =	sld [smem:$0x3F9E];
	_ =	swait.ge [sflag:s4], $0x0  }
0x19: {  	s7 =	sld [smem:$0x3F9F]  }
0x1a: {  	s8 =	sadd.s32 $0xFFFFE003, lr  }
0x1b: {  	s9 =	sadd.s32 $0xFFFFFEF7, lr;
	s5 =	simm.s32 $0xFFFFFFFF;
	p2 =	slt.u32 s8, $0xFFFFF086  }
0x1c: {  	p1 =	slt.u32 s9, $0xF7A;
	s5 =	simm.s32 @!p2 $0x0  }
0x1d: {  	s5 =	simm.s32 @p1 $0x1;
	p0 =	seq.s32 s7, s2  }
0x1e: {  	s7 =	smul.u32 @!p0 $0xF7A, s2;
	p2 =	seq.s32 @!p0 s5, $0x0  }
0x1f: {  	s9 =	smul.u32 $0xF7A, s1;
	s8 =	simm.s32 @!p0 $0x1BF5;
	p2 =	por !p2, p0  }
0x20: {  	[sflag:s8] =	ssyncset.s32 @!p0 $0xFFFFF086;
	s6 =	sadd.s32 @!p0 s3, s7;
	s7 =	simm.s32 @!p0 $0x108  }
0x21: {  	s3 =	sadd.s32 s3, s9;
	s6 =	sadd.s32 @!p0 $0x88, s6;
	s7 =	simm.s32 @p2 $0x1082  }
0x22: {  	[simem:s7], [sflag:s8] =	dma.local @!p0 [hbm:s6], $0xF7A  }
0x23: {  	s9 =	sor.u32 $0xD0000000, s2;
	s6 =	simm.s32 $0x108;
	_ =	swait.ge @!p0 [sflag:s8], $0x0  }
0x24: {  	s3 =	sadd.s32 $0x88, s3;
	s6 =	simm.s32 @!p1 $0x1082;
	[sflag:s4] =	ssyncset.s32 $0xFFFFF086  }
0x25: {  	[simem:s6], [sflag:s4] =	dma.local [hbm:s3], $0xF7A  }
0x26: {  	[smem:$0x3F9F] =	sst s1;
	(tag) =	ssettag s2;
	_ =	strace s9  }
0x27: {  	s1 =	sld [smem:$0x3FAF]  }
0x28: {  	s2 =	sld [smem:$0x3FB0]  }
0x29: {  	s4 =	sld [smem:$0x3FB2]  }
0x2a: {  	p0 =	seq.s32 s5, $0x0;
	s5 =	sld [smem:$0x3FB3]  }
0x2b: {  	s6 =	sld [smem:$0x3FB4]  }
0x2c: {  	s7 =	sld [smem:$0x3FB5]  }
0x2d: {  	s3 =	simm.s32 $0x108;
	s8 =	sld [smem:$0x3FB6]  }
0x2e: {  	s3 =	simm.s32 @!p0 $0x1082;
	s9 =	sld [smem:$0x3FB7]  }
0x2f: {  	lr =	sadd.s32 s0, s3;
	s0 =	sld [smem:$0x3FAE]  }
0x30: {  	s3 =	sld [smem:$0x3FB1]  }
0x31: {  	[smem:$0x3FBA] =	sst s10  }
0x32: {  	s10 =	sld [smem:$0x3FB8];
	_ =	sdelay $0x3  }
0x33: {  	p0 =	seq.s32 s10, $0x1;
	s10 =	sld [smem:$0x3FBA];
	_ =	sdelay $0x3  }
0x34: {  	[smem:$0x3FBA] =	sst s10  }
0x35: {  	s10 =	sld [smem:$0x3FB9];
	_ =	sdelay $0x3  }
0x36: {  	p1 =	seq.s32 s10, $0x1;
	s10 =	sld [smem:$0x3FBA];
	_ =	sdelay $0x3  }
0x37: {  	[smem:$0x3FBA] =	sst s10  }
0x38: {  	s10 =	sld [smem:$0x3FBB]  }
0x39: {  	_ = 	snop;
	(pc) =	sbr.ind lr, $3  }
0x3a: {  	_ = 	snop  }
0x3b: {  	_ = 	snop  }
0x3c: {  	p2 =	seq.s32 s10, $0x1;
	s10 =	sld [smem:$0x3FBA]  }
0x3d: {  	_ =	shalt  }
0x3e: {  	_ =	shalt  }
0x3f: {  	_ =	shalt  }
0x40: {  	_ =	shalt  }
0x41: {  	_ =	shalt  }
0x42: {  	_ =	shalt  }
0x43: {  	_ =	shalt  }
0x44: {  	_ =	shalt  }
0x45: {  	_ =	shalt  }
0x46: {  	_ =	shalt  }
0x47: {  	_ =	shalt  }
0x48: {  	_ =	shalt  }
0x49: {  	_ =	shalt  }
0x4a: {  	_ =	shalt  }
0x4b: {  	_ =	shalt  }
0x4c: {  	_ =	shalt  }
0x4d: {  	_ =	shalt  }
0x4e: {  	_ =	shalt  }
0x4f: {  	_ =	shalt  }
0x50: {  	_ =	shalt  }
0x51: {  	_ =	shalt  }
0x52: {  	_ =	shalt  }
0x53: {  	_ =	shalt  }
0x54: {  	_ =	shalt  }
0x55: {  	_ =	shalt  }
0x56: {  	_ =	shalt  }
0x57: {  	_ =	shalt  }
0x58: {  	_ =	shalt  }
0x59: {  	_ =	shalt  }
0x5a: {  	_ =	shalt  }
0x5b: {  	_ =	shalt  }
0x5c: {  	_ =	shalt  }
0x5d: {  	_ =	shalt  }
0x5e: {  	_ =	shalt  }
0x5f: {  	_ =	shalt  }
0x60: {  	_ =	shalt  }
0x61: {  	_ =	shalt  }
0x62: {  	_ =	shalt  }
0x63: {  	_ =	shalt  }
0x64: {  	_ =	shalt  }
0x65: {  	_ =	shalt  }
0x66: {  	_ =	shalt  }
0x67: {  	_ =	shalt  }
0x68: {  	_ =	shalt  }
0x69: {  	_ =	shalt  }
0x6a: {  	_ =	shalt  }
0x6b: {  	_ =	shalt  }
0x6c: {  	_ =	shalt  }
0x6d: {  	_ =	shalt  }
0x6e: {  	_ =	shalt  }
0x6f: {  	_ =	shalt  }
0x70: {  	_ =	shalt  }
0x71: {  	_ =	shalt  }
0x72: {  	_ =	shalt  }
0x73: {  	_ =	shalt  }
0x74: {  	_ =	shalt  }
0x75: {  	_ =	shalt  }
0x76: {  	_ =	shalt  }
0x77: {  	_ =	shalt  }
0x78: {  	_ =	shalt  }
0x79: {  	_ =	shalt  }
0x7a: {  	_ =	shalt  }
0x7b: {  	_ =	shalt  }
0x7c: {  	_ =	shalt  }
0x7d: {  	_ =	shalt  }
0x7e: {  	_ =	shalt  }
0x7f: {  	_ =	shalt  }
0x80: {  	_ =	shalt  }
0x81: {  	_ =	shalt  }
0x82: {  	_ =	shalt  }
0x83: {  	_ =	shalt  }
0x84: {  	_ =	shalt  }
0x85: {  	_ =	shalt  }
0x86: {  	_ =	shalt  }
0x87: {  	_ =	shalt  }
.Lfunc_end0:
.L_simem_size_0:
called_computation_lowered:
.L_overlay_start_0:
0x88: {  	s2 =	sld [smem:$0x3FD9]  }
0x89: {  	s3 =	sld [smem:$0x3FFE];
	_ =	sdelay $0x1  }
0x8a: {  	s1 =	srdreg.scid  }
0x8b: {  	s0 =	sand.u32 $0x1, s1  }
0x8c: {  	s17 =	sshll.u32 s0, $0xA;
	s2 =	sadd.s32 s3, s2  }
0x8d: {  	s2 =	sadd.s32 s2, s17  }
0x8e: {  	[smem:$0x3FC6] =	sst s2  }
0x8f: {  	_ = 	snop  }
0x90: {  	s2 =	sld [smem:$0x3FD0];
	(tm) =	ssettm $0x1  }
0x91: {  	s18 =	sld [smem:$0x3FFB];
	_ =	sdelay $0x3  }
0x92: {  	_ =	strace s18  }
0x93: {  	s3 =	sld [smem:$0x3FFC];
	_ =	sdelay $0x3  }
0x94: {  	_ =	strace s3  }
0x95: {  	s3 =	sld [smem:$0x3FFD];
	_ =	sdelay $0x3  }
0x96: {  	_ =	strace s3  }
0x97: {  	_ =	strace $0x8FFFFFFF  }
0x98: {  	s19 =	sld [smem:$0x3FDB];
	_ =	sdelay $0x1  }
0x99: {  	s4 =	simm.s32 $_scs_section_size  }
0x9a: {  	s5 =	simm.s32 $_size__tile_overlayer_lowered;
	s6 =	simm.s32 $_tile_overlayer_lowered  }
0x9b: {  	s22 =	simm.s32 $0x1BFF;
	s21 =	sshll.u32 s6, $0x1;
	s3 =	sadd.s32 s4, s19  }
0x9c: {  	s7 =	simm.s32 $0x0;
	s20 =	sshll.u32 s5, $0x1;
	s5 =	sadd.s32 s21, s3  }
0x9d: {  	[timem:s7], [sflag:s22] =	dma.local [hbm:s5], s20  }
0x9e: {  	_ =	swait.ge [sflag:s22], s20  }
0x9f: {  	s4 =	ssub.s32 $0x0, s20;
	[sflag:s22] =	ssyncset.done $0x0  }
0xa0: {  	[sflag:s22] =	ssyncadd.s32 s4;
	_ =	sdelay $0x1  }
0xa1: {  	s23 =	simm.s32 $0x1B8B  }
0xa2: {  	_ =	swait.ge [sflag:s23], $0x1  }
0xa3: {  	[sflag:s23] =	ssyncset.done $0x0  }
0xa4: {  	s25 =	simm.s32 $0x1B8E;
	s24 =	sld [smem:$0x3FFE];
	[sflag:s23] =	ssyncadd.s32 $0xFFFFFFFF  }
0xa5: {  	s26 =	simm.s32 $execute0_lowered;
	[smem:$0x3FD2] =	sst s25  }
0xa6: {  	s5 =	sshll.u32 s26, $0x1;
	_ =	strace $0x80000046;
	[dreg:$0x1] =	wrdreg $0xFFFFFFFF  }
0xa7: {  	s28 =	simm.s32 $_size_execute0_lowered;
	s3 =	sadd.s32 s3, s5;
	[dreg:$0x0] =	wrdreg $0x0  }
0xa8: {  	s5 =	sshll.u32 s28, $0x1;
	[dreg:$0x2] =	wrdreg s3  }
0xa9: {  	[dreg:$0x3] =	wrdreg s5  }
0xaa: {  	[dreg:$0x4] =	wrdreg $0xC0  }
0xab: {  	_ =	task [dreg:s7], $0x5FFFF  }
0xac: {  	[dreg:$0x1] =	wrdreg $0xFFFFFFFF  }
0xad: {  	[dreg:$0x0] =	wrdreg $0x60  }
0xae: {  	[dreg:$0x2] =	wrdreg s2  }
0xaf: {  	[dreg:$0x3] =	wrdreg s24  }
0xb0: {  	[dreg:$0x4] =	wrdreg $0x9  }
0xb1: {  	_ =	task.clear_ibuf [dreg:s7], $0x5FFFF;
	_ =	strace $0x90000046  }
0xb2: {  	s29 =	simm.s32 $0x9;
	_ =	strace $0x80000048  }
0xb3: {  	_ =	swait.ge [sflag:s29], $0x1  }
0xb4: {  	[sflag:s29] =	ssyncadd.s32 $0xFFFFFFFF  }
0xb5: {  	_ =	strace $0x90000048  }
0xb6: {  	_ =	sfence  }
0xb7: {  	s30 =	sld [smem:$0x0];
	_ =	sdelay $0x2  }
0xb8: {  	s31 =	sshll.u32 s1, $0xD;
	s1 =	sshrl.u32 s1, $0x2  }
0xb9: {  	s3 =	sand.u32 $0x4000, s31;
	s1 =	sadd.s32 s1, s30  }
0xba: {  	s0 =	sor.u32 s3, s0;
	s1 =	sshll.u32 s1, $0x11  }
0xbb: {  	s0 =	sor.u32 s1, s0  }
0xbc: {  	s0 =	sadd.s32 $0x8F2B, s0  }
0xbd: {  	[sflag:s0] =	ssyncadd.remote.s32 $0x1  }
0xbe: {  	_ =	sfence.sel $0xFFFF  }
0xbf: {  	[dreg:$0x0] =	wrdreg $0xFFFFFFFF;
	(pc) =	sbr.abs _section_cstart, $3  }
0xc0: {  	[dreg:$0x1] =	wrdreg $0xFFFFFFFF  }
0xc1: {  	_ =	task.clear_ibuf [dreg:s7], $0x2FFFF;
	_ =	strace $0x9FFFFFFF  }
0xc2: {  	(tm) =	ssettm $0x7FFFFFFF  }
0xc3: {  	_ =	shalt  }
tec
execute0_lowered:
.L_overlay_start_1:
0x0: {  	(tag) =	ssettag $0x1  }
0x1: {  	v0 =	vlaneseq.u32  }
0x2: {  	v12 =	vmul.u32 $0x100, v0  }
0x3: {  	s6 =	rddreg [dreg:$0x0]  }
0x4: {  	s5 =	rddreg [dreg:$0x1];
	s2 =	simm.s32 $0x0;
	v0 =	vor.u32 $0x1000, v12  }
0x5: {  	[smem:$0x7FF] =	sst s2;
	[tilespmem:$0x1FEF0] =	vst v0;
	v0 =	vor.u32 $0x3006, v12  }
0x6: {  	s0 =	rddreg [dreg:$0x2];
	v54 =	vor.u32 $0x1007, v12;
	_ =	strace $0x80000047;
	[tilespmem:$0x1FF00] =	vst v0  }
0x7: {  	v55 =	vor.u32 $0x2007, v12;
	[tilespmem:$0x1FF10] =	vst v54  }
0x8: {  	v56 =	vor.u32 $0x3007, v12;
	[tilespmem:$0x1FF20] =	vst v55  }
0x9: {  	v57 =	vor.u32 $0x3004, v12;
	[tilespmem:$0x1FF30] =	vst v56  }
0xa: {  	v32 =	vor.u32 $0x7, v12;
	[tilespmem:$0x1FF40] =	vst v57  }
0xb: {  	v60 =	vor.u32 $0x3003, v12;
	[tilespmem:$0x1FF50] =	vst v32  }
0xc: {  	s3 =	srdreg.scid;
	s1 =	stileid.u32;
	s11 =	simm.s32 $0x4000;
	v59 =	vor.u32 $0x3002, v12;
	[tilespmem:$0x1FF60] =	vst v60  }
0xd: {  	s12 =	simm.s32 $0x5;
	s13 =	simm.s32 $0x100;
	s14 =	simm.s32 $0x6400;
	v61 =	vor.u32 $0x3005, v12;
	[tilespmem:$0x1FF70] =	vst v59  }
0xe: {  	v1 =	vimm.s32 $0x0;
	vm0 =	vcmask $0x300;
	s15 =	simm.s32 $0xA400;
	s16 =	simm.s32 $0x1;
	s17 =	simm.s32 $0xE400;
	v8 =	vor.u32 $0x3001, v12;
	[tilespmem:$0x1FF80] =	vst v61  }
0xf: {  	s18 =	simm.s32 $0x2;
	s19 =	simm.s32 $0x12400;
	s20 =	simm.s32 $0x3;
	v1 =	vsel vm0, $0x3, v1;
	v14 =	vor.u32 $0x2000, v12;
	v9 =	vor.u32 $0x3000, v12;
	[tilespmem:$0x1FF90] =	vst v8  }
0x10: {  	s21 =	simm.s32 $0x4;
	s22 =	simm.s32 $0x0;
	s7 =	sand.u32 $0x1, s3;
	v16 =	vor.u32 $0x1, v12;
	v23 =	vor.u32 $0x1001, v12;
	v31 =	vor.u32 $0x6, v12;
	[tilespmem:$0x1FFA0] =	vst v9  }
0x11: {  	s31 =	sshll.u32 s1, $0xA;
	s4 =	sshll.u32 s7, $0x9;
	s7 =	ssub.s32 $0x2, s7;
	v18 =	vor.u32 $0x2001, v12;
	v20 =	vor.u32 $0x2, v12;
	v63 =	vor.u32 $0x1006, v12;
	[tilespmem:$0x1FFB0] =	vst v31  }
0x12: {  	s3 =	sor.u32 s4, s31;
	s4 =	sadd.s32 $0x600, s5;
	v21 =	vor.u32 $0x1002, v12;
	v22 =	vor.u32 $0x2002, v12;
	s9 =	sshrl.u32 s7, $0x1;
	v15 =	vor.u32 $0x2006, v12;
	[tilespmem:$0x1FFC0] =	vst v63  }
0x13: {  	s5 =	sadd.s32 $0xF42A00, s5;
	v25 =	vor.u32 $0x1003, v12;
	v26 =	vor.u32 $0x2003, v12;
	v13 =	vor.u32 $0x5, v12;
	s8 =	sshrl.u32 s3, $0x3;
	s9 =	ssub.s32 s7, s9;
	[tilespmem:$0x1FFD0] =	vst v15  }
0x14: {  	v29 =	vor.u32 $0x1004, v12;
	v30 =	vor.u32 $0x2004, v12;
	v62 =	vor.u32 $0x2005, v12;
	s10 =	sadd.s32 s8, s4;
	s6 =	sadd.s32 s6, s8;
	s9 =	smax.u32 s9, $0x1;
	[tilespmem:$0x1FFE0] =	vst v13  }
0x15: {  	v24 =	vor.u32 $0x3, v12;
	v28 =	vor.u32 $0x4, v12;
	v19 =	vor.u32 $0x1005, v12;
	[tilespmem:$0x1FFF0] =	vst v62;
	s7 =	sadd.s32 $0x620000, s10;
	s8 =	sadd.s32 $0x620020, s10;
	s10 =	simm.s32 $0x200  }
.LBB2_1:
0x16: {  	[tilespmem:s2], [sflag:$0x5] =	stream.strided.gather [hbm4b:s6+s10], $0x6400, s11, s10, $0x38;
	[tilespmem:$0x16400] =	vst v63  }
0x17: {  	_ =	swait.ge [sflag:s12], $0x6400  }
0x18: {  	[sflag:s12] =	ssyncset.done $0x0  }
0x19: {  	[sflag:s12] =	ssyncadd.s32 $0xFFFF9C00  }
0x1a: {  	[tilespmem:s14], [sflag:$0x1] =	stream.indirect.gather [hbm4b:s5+s13], $0x40, s2, s13, $0xb8;
	[tilespmem:$0x16400] =	vst v63  }
0x1b: {  	s23 =	simm.s32 $0x0  }
0x1c: {  	[tilespmem:s15], [sflag:$0x2] =	stream.indirect.gather [hbm4b:s5+s13], $0x40, s13, s13, $0xb8;
	[tilespmem:$0x16400] =	vst v63  }
.LBB2_2:
0x1d: {  	s24 =	simm.s32 $0x0;
	s30 =	simm.s32 $0x1;
	s31 =	simm.s32 $0x2  }
0x1e: {  	s25 =	simm.s32 $0x3;
	s26 =	simm.s32 $0x4;
	s28 =	simm.s32 $0x7;
	v33 =	vmov s24;
	v34 =	vmov s30;
	v35 =	vmov s31  }
0x1f: {  	s29 =	simm.s32 $0x8;
	v36 =	vmov s25;
	s25 =	simm.s32 $0x5;
	v37 =	vmov s26;
	v40 =	vmov s28  }
0x20: {  	s26 =	simm.s32 $0x6;
	s30 =	simm.s32 $0x9;
	s31 =	simm.s32 $0xA;
	v41 =	vmov s29;
	v33 =	vshrl.u32 v33, $0x3;
	v38 =	vmov s25  }
0x21: {  	s28 =	simm.s32 $0xD;
	v39 =	vmov s26;
	v42 =	vmov s30;
	v43 =	vmov s31  }
0x22: {  	v49 =	vmov s28;
	v34 =	vshrl.u32 v34, $0x3;
	v35 =	vshrl.u32 v35, $0x3  }
0x23: {  	s25 =	simm.s32 $0xB;
	v36 =	vshrl.u32 v36, $0x3;
	v37 =	vshrl.u32 v37, $0x3;
	v52 =	vshrl.u32 v40, $0x3  }
0x24: {  	s30 =	simm.s32 $0xF;
	v53 =	vshrl.u32 v41, $0x3;
	v44 =	vmov s25;
	v33 =	vshll.u32 v33, v1  }
0x25: {  	_ =	swait.ge [sflag:s16], $0x4000;
	v0 =	vmovc v54;
	v45 =	vmov s30;
	v38 =	vshrl.u32 v38, $0x3;
	v54 =	vshrl.u32 v42, $0x3  }
0x26: {  	v3 =	vmovc v56;
	[sflag:s16] =	ssyncset.done $0x0;
	v56 =	vshrl.u32 v43, $0x3;
	v34 =	vshll.u32 v34, v1;
	v33 =	vbroadcast v33, $0x0  }
0x27: {  	s24 =	simm.s32 $0x6600;
	[sflag:s16] =	ssyncadd.s32 $0xFFFFC000;
	v7 =	vshll.u32 v35, v1;
	v45 =	vshrl.u32 v45, $0x3;
	v47 =	vbroadcast v34, $0x0  }
0x28: {  	v42 =	vld [tilespmem:s24+$0xFFFFFE00];
	v46 =	vbroadcast v7, $0x0;
	v6 =	vshll.u32 v45, v1;
	v43 =	vor.u32 v12, v33  }
0x29: {  	v2 =	vmovc v55;
	v4 =	vmovc v57;
	v10 =	vshll.u32 v36, v1;
	v36 =	vld [tilespmem:s24+$0xFFFFFE40];
	v55 =	vbroadcast v6, $0x0;
	v57 =	vor.u32 v16, v47  }
0x2a: {  	v51 =	vshrl.u32 v39, $0x3;
	v11 =	vshll.u32 v37, v1;
	v37 =	vld [tilespmem:s24+$0xFFFFFE80];
	v58 =	vor.u32 v20, v46  }
0x2b: {  	v35 =	vld [tilespmem:s24+$0x1C0];
	v27 =	vbroadcast v11, $0x0;
	v45 =	vbroadcast v10, $0x0;
	v41 =	vor.u32 v32, v55  }
0x2c: {  	v5 =	vmovc v60;
	v34 =	vshrl.u32 v44, $0x3;
	v38 =	vshll.u32 v38, v1;
	v40 =	vshll.u32 v51, v1  }
0x2d: {  	s29 =	simm.s32 $0xE;
	v44 =	vld [tilespmem:s24+$0xFFFFFEC0];
	v39 =	vbroadcast v38, $0x0;
	v10 =	vbroadcast v40, $0x0;
	v6 =	vmovc v59;
	v59 =	vor.u32 v24, v45;
	[tilespmem:v43+s17+$0x0] =	vst.idx.msk $0xffff, v42  }
0x2e: {  	s26 =	simm.s32 $0xC;
	v50 =	vmov s29;
	v60 =	vld [tilespmem:s24+$0xFFFFFF00];
	v34 =	vshll.u32 v34, v1;
	v7 =	vmovc v61;
	v61 =	vor.u32 v28, v27;
	[tilespmem:v57+s17+$0x0] =	vst.idx.msk $0xffff, v36  }
0x2f: {  	v48 =	vmov s26;
	v36 =	vld [tilespmem:s24+$0xFFFFFF40];
	v57 =	vor.u32 v13, v39;
	v42 =	vshll.u32 v53, v1;
	[tilespmem:v58+s17+$0x0] =	vst.idx.msk $0xffff, v37  }
0x30: {  	v50 =	vshrl.u32 v50, $0x3;
	v38 =	vmovc v23;
	v37 =	vld [tilespmem:s24+$0xFFFFFF80];
	v53 =	vor.u32 v31, v10;
	v23 =	vbroadcast v42, $0x0;
	[tilespmem:v41+s17+$0x0] =	vst.idx.msk $0xffff, v35  }
0x31: {  	v43 =	vshll.u32 v54, v1;
	v41 =	vshll.u32 v52, v1;
	v52 =	vor.u32 v0, v55;
	v51 =	vld [tilespmem:s24+$0x1D0]  }
0x32: {  	v11 =	vbroadcast v43, $0x0;
	[tilespmem:v59+s17+$0x0] =	vst.idx.msk $0xffff, v44;
	v35 =	vshrl.u32 v49, $0x3;
	v49 =	vld [tilespmem:s24+$0x0];
	v59 =	vor.u32 v12, v23  }
0x33: {  	v48 =	vshrl.u32 v48, $0x3;
	v40 =	vmovc v19;
	[tilespmem:v61+s17+$0x0] =	vst.idx.msk $0xffff, v60;
	v44 =	vshll.u32 v56, v1;
	v17 =	vbroadcast v41, $0x0  }
0x34: {  	v61 =	vshll.u32 v48, v1;
	v56 =	vld [tilespmem:s24+$0x40];
	v60 =	vor.u32 v16, v11;
	v19 =	vbroadcast v44, $0x0;
	[tilespmem:v57+s17+$0x0] =	vst.idx.msk $0xffff, v36  }
0x35: {  	v54 =	vld [tilespmem:s24+$0xFFFFFFC0];
	v43 =	vshll.u32 v50, v1;
	v58 =	vor.u32 v32, v17;
	[tilespmem:v53+s17+$0x0] =	vst.idx.msk $0xffff, v37;
	v36 =	vbroadcast v61, $0x0  }
0x36: {  	v35 =	vshll.u32 v35, v1;
	v41 =	vor.u32 v20, v19;
	[tilespmem:v52+s17+$0x0] =	vst.idx.msk $0xffff, v51;
	v52 =	vld [tilespmem:s24+$0x80]  }
0x37: {  	v37 =	vbroadcast v35, $0x0;
	v35 =	vbroadcast v43, $0x0;
	v50 =	vor.u32 v28, v36;
	[tilespmem:v59+s17+$0x0] =	vst.idx.msk $0xffff, v49;
	v49 =	vld [tilespmem:s24+$0x100]  }
0x38: {  	v34 =	vbroadcast v34, $0x0;
	v51 =	vor.u32 v2, v55;
	v48 =	vld [tilespmem:s24+$0x1E0]  }
0x39: {  	v42 =	vld [tilespmem:s24+$0x180];
	v43 =	vor.u32 v31, v35;
	[tilespmem:v60+s17+$0x0] =	vst.idx.msk $0xffff, v56  }
0x3a: {  	v57 =	vor.u32 v24, v34;
	[tilespmem:v58+s17+$0x0] =	vst.idx.msk $0xffff, v54;
	v54 =	vld [tilespmem:s24+$0xC0]  }
0x3b: {  	v44 =	vor.u32 v13, v37;
	v56 =	vld [tilespmem:s24+$0x140];
	[tilespmem:v41+s17+$0x0] =	vst.idx.msk $0xffff, v52  }
0x3c: {  	v52 =	vld [tilespmem:s24+$0xFFFFFE50];
	v41 =	vor.u32 v38, v47;
	[tilespmem:v50+s17+$0x0] =	vst.idx.msk $0xffff, v49  }
0x3d: {  	v61 =	vor.u32 v25, v45;
	v49 =	vld [tilespmem:s24+$0xFFFFFED0];
	[tilespmem:v51+s17+$0x0] =	vst.idx.msk $0xffff, v48  }
0x3e: {  	[tilespmem:v43+s17+$0x0] =	vst.idx.msk $0xffff, v42;
	v51 =	vor.u32 v3, v55;
	v48 =	vld [tilespmem:s24+$0x1F0]  }
0x3f: {  	v55 =	vor.u32 v21, v46;
	[tilespmem:v57+s17+$0x0] =	vst.idx.msk $0xffff, v54;
	v54 =	vld [tilespmem:s24+$0xFFFFFE90]  }
0x40: {  	[tilespmem:v44+s17+$0x0] =	vst.idx.msk $0xffff, v56  }
0x41: {  	v56 =	vld [tilespmem:s24+$0xFFFFFF10];
	v44 =	vor.u32 v29, v27;
	[tilespmem:v41+s17+$0x0] =	vst.idx.msk $0xffff, v52  }
0x42: {  	v42 =	vld [tilespmem:s24+$0xFFFFFF50];
	v43 =	vor.u32 v40, v39;
	[tilespmem:v61+s17+$0x0] =	vst.idx.msk $0xffff, v49  }
0x43: {  	v53 =	vor.u32 v0, v17;
	v52 =	vld [tilespmem:s24+$0xFFFFFFD0];
	[tilespmem:v51+s17+$0x0] =	vst.idx.msk $0xffff, v48  }
0x44: {  	v41 =	vor.u32 v63, v10;
	v48 =	vld [tilespmem:s24+$0xFFFFFF90];
	[tilespmem:v55+s17+$0x0] =	vst.idx.msk $0xffff, v54  }
0x45: {  	v13 =	vld [tilespmem:$0x1FEF0]  }
0x46: {  	v54 =	vld [tilespmem:s24+$0x50];
	[tilespmem:v44+s17+$0x0] =	vst.idx.msk $0xffff, v56;
	v44 =	vor.u32 v38, v11  }
0x47: {  	[tilespmem:v43+s17+$0x0] =	vst.idx.msk $0xffff, v42;
	v42 =	vld [tilespmem:s24+$0x90];
	v43 =	vor.u32 v21, v19  }
0x48: {  	[tilespmem:v53+s17+$0x0] =	vst.idx.msk $0xffff, v52;
	v52 =	vld [tilespmem:s24+$0x110];
	v53 =	vor.u32 v29, v36  }
0x49: {  	[tilespmem:v41+s17+$0x0] =	vst.idx.msk $0xffff, v48;
	v48 =	vld [tilespmem:s24+$0xD0];
	v41 =	vor.u32 v25, v34  }
0x4a: {  	v60 =	vld [tilespmem:s24+$0x10];
	v61 =	vor.u32 v13, v23  }
0x4b: {  	v55 =	vor.u32 v63, v35;
	[tilespmem:v44+s17+$0x0] =	vst.idx.msk $0xffff, v54;
	v54 =	vld [tilespmem:s24+$0x190]  }
0x4c: {  	v58 =	vld [tilespmem:s24+$0xFFFFFE10];
	v44 =	vor.u32 v13, v33;
	[tilespmem:v43+s17+$0x0] =	vst.idx.msk $0xffff, v42  }
0x4d: {  	v42 =	vld [tilespmem:s24+$0xFFFFFE60];
	v43 =	vor.u32 v18, v47;
	[tilespmem:v53+s17+$0x0] =	vst.idx.msk $0xffff, v52  }
0x4e: {  	[tilespmem:v41+s17+$0x0] =	vst.idx.msk $0xffff, v48;
	v48 =	vld [tilespmem:s24+$0xFFFFFEA0];
	v41 =	vor.u32 v22, v46  }
0x4f: {  	[tilespmem:v61+s17+$0x0] =	vst.idx.msk $0xffff, v60;
	v60 =	vld [tilespmem:s24+$0x150];
	v61 =	vor.u32 v40, v37  }
0x50: {  	v63 =	vor.u32 v26, v45;
	v52 =	vld [tilespmem:s24+$0xFFFFFEE0];
	[tilespmem:v55+s17+$0x0] =	vst.idx.msk $0xffff, v54  }
0x51: {  	[tilespmem:v44+s17+$0x0] =	vst.idx.msk $0xffff, v58;
	v54 =	vld [tilespmem:s24+$0xFFFFFF60];
	v44 =	vor.u32 v62, v39  }
0x52: {  	[tilespmem:v43+s17+$0x0] =	vst.idx.msk $0xffff, v42;
	v42 =	vld [tilespmem:s24+$0xFFFFFFA0];
	v43 =	vor.u32 v15, v10  }
0x53: {  	[tilespmem:v41+s17+$0x0] =	vst.idx.msk $0xffff, v48;
	v48 =	vld [tilespmem:s24+$0xFFFFFFE0];
	v41 =	vor.u32 v2, v17  }
0x54: {  	[tilespmem:v61+s17+$0x0] =	vst.idx.msk $0xffff, v60;
	v60 =	vld [tilespmem:s24+$0xFFFFFF20];
	v61 =	vor.u32 v30, v27  }
0x55: {  	[tilespmem:v63+s17+$0x0] =	vst.idx.msk $0xffff, v52;
	v52 =	vld [tilespmem:s24+$0x20];
	v63 =	vor.u32 v14, v23  }
0x56: {  	[tilespmem:v44+s17+$0x0] =	vst.idx.msk $0xffff, v54;
	v54 =	vld [tilespmem:s24+$0xA0];
	v44 =	vor.u32 v22, v19  }
0x57: {  	[tilespmem:v43+s17+$0x0] =	vst.idx.msk $0xffff, v42;
	v42 =	vld [tilespmem:s24+$0xE0];
	v43 =	vor.u32 v26, v34  }
0x58: {  	[tilespmem:v41+s17+$0x0] =	vst.idx.msk $0xffff, v48;
	v48 =	vld [tilespmem:s24+$0x120];
	v41 =	vor.u32 v30, v36  }
0x59: {  	[tilespmem:v61+s17+$0x0] =	vst.idx.msk $0xffff, v60;
	v60 =	vld [tilespmem:s24+$0x60];
	v61 =	vor.u32 v18, v11  }
0x5a: {  	[tilespmem:v63+s17+$0x0] =	vst.idx.msk $0xffff, v52  }
0x5b: {  	v58 =	vor.u32 v62, v37;
	v53 =	vld [tilespmem:s24+$0x160];
	[tilespmem:v44+s17+$0x0] =	vst.idx.msk $0xffff, v54  }
0x5c: {  	s28 =	simm.s32 $0x12;
	v50 =	vor.u32 v15, v35;
	v49 =	vld [tilespmem:s24+$0x1A0];
	[tilespmem:v43+s17+$0x0] =	vst.idx.msk $0xffff, v42  }
0x5d: {  	v47 =	vor.u32 v8, v47;
	v55 =	vmov s28;
	s28 =	simm.s32 $0x16;
	v54 =	vld [tilespmem:s24+$0xFFFFFE70];
	[tilespmem:v41+s17+$0x0] =	vst.idx.msk $0xffff, v48  }
0x5e: {  	v62 =	vor.u32 v14, v33;
	v0 =	vmov s28;
	[tilespmem:v61+s17+$0x0] =	vst.idx.msk $0xffff, v60;
	v61 =	vld [tilespmem:s24+$0xFFFFFE20]  }
0x5f: {  	v56 =	vld [tilespmem:s24+$0xFFFFFEB0];
	[tilespmem:$0x1FEE0] =	vst v0  }
0x60: {  	v44 =	vor.u32 v6, v46;
	[tilespmem:v58+s17+$0x0] =	vst.idx.msk $0xffff, v53  }
0x61: {  	v42 =	vor.u32 v5, v45;
	v43 =	vld [tilespmem:s24+$0xFFFFFEF0];
	[tilespmem:v50+s17+$0x0] =	vst.idx.msk $0xffff, v49  }
0x62: {  	v4 =	vor.u32 v4, v27;
	v31 =	vmov v40;
	v40 =	vld [tilespmem:s24+$0xFFFFFF30];
	[tilespmem:v47+s17+$0x0] =	vst.idx.msk $0xffff, v54  }
0x63: {  	v39 =	vor.u32 v7, v39;
	v5 =	vld [tilespmem:s24+$0xFFFFFF70];
	[tilespmem:v62+s17+$0x0] =	vst.idx.msk $0xffff, v61  }
0x64: {  	v0 =	vld [tilespmem:$0x1FF00]  }
0x65: {  	s31 =	simm.s32 $0x10;
	s29 =	simm.s32 $0x13;
	[tilespmem:v44+s17+$0x0] =	vst.idx.msk $0xffff, v56  }
0x66: {  	v2 =	vmov s29;
	s29 =	simm.s32 $0x17;
	v63 =	vmov s31;
	[tilespmem:v42+s17+$0x0] =	vst.idx.msk $0xffff, v43  }
0x67: {  	s26 =	simm.s32 $0x11;
	v55 =	vshrl.u32 v55, $0x3;
	s31 =	simm.s32 $0x15;
	v52 =	vmov s29;
	s29 =	simm.s32 $0x1C;
	v59 =	vshrl.u32 v63, $0x3;
	[tilespmem:v4+s17+$0x0] =	vst.idx.msk $0xffff, v40  }
0x68: {  	s30 =	simm.s32 $0x14;
	v63 =	vmov s26;
	v15 =	vmov s31;
	s31 =	simm.s32 $0x19;
	v51 =	vmov s29;
	[tilespmem:v39+s17+$0x0] =	vst.idx.msk $0xffff, v5  }
0x69: {  	s26 =	simm.s32 $0x1A;
	v45 =	vmov s31;
	v60 =	vmov s30;
	v61 =	vor.u32 v0, v10;
	v0 =	vld [tilespmem:$0x1FEE0]  }
0x6a: {  	v32 =	vmovc v17;
	s28 =	simm.s32 $0x1B;
	v17 =	vmovc v38;
	v46 =	vmov s26;
	v41 =	vshrl.u32 v15, $0x3;
	s30 =	simm.s32 $0x18;
	v38 =	vshrl.u32 v60, $0x3;
	v57 =	vld [tilespmem:s24+$0xFFFFFFB0]  }
0x6b: {  	s31 =	simm.s32 $0x1E;
	v60 =	vor.u32 v8, v11;
	v53 =	vmov s30;
	v50 =	vmov s28;
	s30 =	simm.s32 $0x1D;
	v58 =	vld [tilespmem:s24+$0xFFFFFFF0]  }
0x6c: {  	v54 =	vshll.u32 v59, v1;
	v49 =	vmov s31;
	v59 =	vld [tilespmem:s24+$0x30];
	v48 =	vmov s30  }
0x6d: {  	v62 =	vor.u32 v3, v32;
	v56 =	vshrl.u32 v63, $0x3;
	v63 =	vor.u32 v9, v23;
	v42 =	vld [tilespmem:s24+$0x70]  }
0x6e: {  	s25 =	simm.s32 $0x20;
	s26 =	simm.s32 $0x1F;
	v44 =	vor.u32 v6, v19;
	v40 =	vshrl.u32 v2, $0x3;
	v43 =	vld [tilespmem:s24+$0xB0];
	v39 =	vshrl.u32 v0, $0x3  }
.LBB2_3:
0x6f: {  	v5 =	vld [tilespmem:s24+$0xF0]  }
0x70: {  	v8 =	vld [tilespmem:$0x1FF60]  }
0x71: {  	v9 =	vld [tilespmem:$0x1FF40]  }
0x72: {  	v11 =	vld [tilespmem:$0x1FF80]  }
0x73: {  	v27 =	vld [tilespmem:$0x1FF00]  }
0x74: {  	v7 =	vshll.u32 v56, v1;
	v56 =	vld [tilespmem:s24+$0xFFFFFE30]  }
0x75: {  	v32 =	vld [tilespmem:$0x1FFA0]  }
0x76: {  	v2 =	vld [tilespmem:$0x1FF50]  }
0x77: {  	v0 =	vld [tilespmem:$0x1FF10]  }
0x78: {  	v3 =	vld [tilespmem:$0x1FFB0]  }
0x79: {  	v15 =	vld [tilespmem:$0x1FF30]  }
0x7a: {  	v4 =	vmov s26;
	v23 =	vld [tilespmem:$0x1FF90];
	[tilespmem:v61+s17+$0x0] =	vst.idx.msk $0xffff, v57;
	v34 =	vor.u32 v8, v34  }
0x7b: {  	v47 =	vshrl.u32 v52, $0x3;
	v52 =	vshrl.u32 v4, $0x3;
	[tilespmem:v62+s17+$0x0] =	vst.idx.msk $0xffff, v58;
	v58 =	vld [tilespmem:s24+$0x130];
	v36 =	vor.u32 v9, v36  }
0x7c: {  	v6 =	vshll.u32 v52, v1;
	v52 =	vld [tilespmem:s24+$0x170];
	[tilespmem:v63+s17+$0x0] =	vst.idx.msk $0xffff, v59;
	v37 =	vor.u32 v11, v37  }
0x7d: {  	v10 =	vshll.u32 v55, v1;
	v62 =	vbroadcast v6, $0x0;
	[tilespmem:v60+s17+$0x0] =	vst.idx.msk $0xffff, v42;
	v42 =	vld [tilespmem:s24+$0x1B0];
	v35 =	vor.u32 v27, v35  }
0x7e: {  	v19 =	vld [tilespmem:$0x1FF70];
	v61 =	vshrl.u32 v45, $0x3;
	[tilespmem:v44+s17+$0x0] =	vst.idx.msk $0xffff, v43;
	s24 =	sadd.s32 $0x400, s24;
	v45 =	vbroadcast v7, $0x0;
	v60 =	vor.u32 v32, v33  }
0x7f: {  	v40 =	vshll.u32 v40, v1;
	v33 =	vbroadcast v54, $0x0;
	v44 =	vld [tilespmem:s24+$0x1C0];
	v63 =	vor.u32 v2, v62;
	[tilespmem:v34+s17+$0x0] =	vst.idx.msk $0xffff, v5  }
0x80: {  	v59 =	vshrl.u32 v46, $0x3;
	v46 =	vbroadcast v10, $0x0;
	v6 =	vld [tilespmem:s24+$0xFFFFFE40];
	v7 =	vor.u32 v16, v45;
	[tilespmem:v36+s17+$0x0] =	vst.idx.msk $0xffff, v58  }
0x81: {  	v40 =	vbroadcast v40, $0x0;
	v4 =	vld [tilespmem:s24+$0xFFFFFE00];
	v5 =	vor.u32 v12, v33;
	[tilespmem:v37+s17+$0x0] =	vst.idx.msk $0xffff, v52  }
0x82: {  	v38 =	vshll.u32 v38, v1;
	v37 =	vld [tilespmem:s24+$0xFFFFFE80];
	v52 =	vor.u32 v20, v46;
	[tilespmem:v35+s17+$0x0] =	vst.idx.msk $0xffff, v42  }
0x83: {  	v38 =	vbroadcast v38, $0x0;
	v10 =	vor.u32 v24, v40;
	v35 =	vld [tilespmem:s24+$0xFFFFFEC0];
	[tilespmem:v60+s17+$0x0] =	vst.idx.msk $0xffff, v56  }
0x84: {  	v39 =	vshll.u32 v39, v1;
	v56 =	vld [tilespmem:s24+$0xFFFFFF00];
	[tilespmem:v63+s17+$0x0] =	vst.idx.msk $0xffff, v44  }
0x85: {  	v39 =	vbroadcast v39, $0x0;
	v58 =	vor.u32 v28, v38;
	v44 =	vshll.u32 v47, v1;
	[tilespmem:v7+s17+$0x0] =	vst.idx.msk $0xffff, v6;
	v54 =	vld [tilespmem:s24+$0x1D0]  }
0x86: {  	v53 =	vshrl.u32 v53, $0x3;
	v55 =	vor.u32 v0, v62;
	v42 =	vbroadcast v44, $0x0;
	[tilespmem:v5+s17+$0x0] =	vst.idx.msk $0xffff, v4;
	v4 =	vld [tilespmem:$0x1FFE0]  }
0x87: {  	v47 =	vshll.u32 v53, v1;
	v63 =	vor.u32 v3, v39;
	[tilespmem:v52+s17+$0x0] =	vst.idx.msk $0xffff, v37;
	v37 =	vld [tilespmem:s24+$0xFFFFFF80]  }
0x88: {  	v7 =	vshll.u32 v61, v1;
	v43 =	vbroadcast v47, $0x0;
	[tilespmem:v10+s17+$0x0] =	vst.idx.msk $0xffff, v35;
	v10 =	vor.u32 v2, v42;
	v2 =	vld [tilespmem:$0x1FF20]  }
0x89: {  	v50 =	vshrl.u32 v50, $0x3;
	v41 =	vshll.u32 v41, v1;
	v44 =	vbroadcast v7, $0x0;
	v35 =	vld [tilespmem:s24+$0xFFFFFFC0]  }
0x8a: {  	v51 =	vshrl.u32 v51, $0x3;
	v41 =	vbroadcast v41, $0x0;
	v57 =	vor.u32 v12, v43;
	[tilespmem:v58+s17+$0x0] =	vst.idx.msk $0xffff, v56;
	v56 =	vld [tilespmem:s24+$0x0]  }
0x8b: {  	v48 =	vshrl.u32 v48, $0x3;
	v6 =	vor.u32 v16, v44;
	v5 =	vshll.u32 v59, v1;
	v58 =	vld [tilespmem:s24+$0x40]  }
0x8c: {  	v50 =	vshll.u32 v50, v1;
	v36 =	vld [tilespmem:s24+$0xFFFFFF40];
	v47 =	vbroadcast v5, $0x0;
	[tilespmem:v55+s17+$0x0] =	vst.idx.msk $0xffff, v54;
	v60 =	vor.u32 v4, v41  }
0x8d: {  	v34 =	vbroadcast v50, $0x0;
	v61 =	vshll.u32 v51, v1;
	v50 =	vld [tilespmem:s24+$0x1E0];
	v51 =	vor.u32 v2, v62;
	[tilespmem:v63+s17+$0x0] =	vst.idx.msk $0xffff, v37  }
0x8e: {  	v7 =	vshll.u32 v48, v1;
	v5 =	vor.u32 v20, v47;
	v63 =	vld [tilespmem:s24+$0x80];
	[tilespmem:v10+s17+$0x0] =	vst.idx.msk $0xffff, v35  }
0x8f: {  	v48 =	vld [tilespmem:s24+$0xC0];
	v37 =	vbroadcast v7, $0x0;
	[tilespmem:v57+s17+$0x0] =	vst.idx.msk $0xffff, v56  }
0x90: {  	v10 =	vor.u32 v24, v34;
	[tilespmem:v6+s17+$0x0] =	vst.idx.msk $0xffff, v58;
	v56 =	vld [tilespmem:s24+$0x140]  }
0x91: {  	v6 =	vld [tilespmem:s24+$0x180];
	v57 =	vor.u32 v4, v37;
	[tilespmem:v60+s17+$0x0] =	vst.idx.msk $0xffff, v36  }
0x92: {  	v49 =	vshrl.u32 v49, $0x3;
	v4 =	vld [tilespmem:s24+$0xFFFFFE50];
	[tilespmem:v51+s17+$0x0] =	vst.idx.msk $0xffff, v50  }
0x93: {  	v60 =	vshll.u32 v49, v1;
	v49 =	vld [tilespmem:s24+$0x100];
	[tilespmem:v5+s17+$0x0] =	vst.idx.msk $0xffff, v63;
	v5 =	vor.u32 v17, v45  }
0x94: {  	v63 =	vor.u32 v15, v62;
	v50 =	vld [tilespmem:s24+$0x1F0]  }
0x95: {  	v36 =	vbroadcast v61, $0x0;
	[tilespmem:v10+s17+$0x0] =	vst.idx.msk $0xffff, v48;
	v10 =	vld [tilespmem:s24+$0xFFFFFE90];
	v35 =	vbroadcast v60, $0x0;
	v60 =	vor.u32 v21, v46  }
0x96: {  	[tilespmem:v57+s17+$0x0] =	vst.idx.msk $0xffff, v56;
	v56 =	vld [tilespmem:s24+$0xFFFFFF10]  }
0x97: {  	v61 =	vor.u32 v28, v36;
	v7 =	vor.u32 v3, v35;
	v3 =	vld [tilespmem:$0x1FFC0]  }
0x98: {  	[tilespmem:v5+s17+$0x0] =	vst.idx.msk $0xffff, v4;
	v4 =	vld [tilespmem:s24+$0x50]  }
0x99: {  	[tilespmem:v63+s17+$0x0] =	vst.idx.msk $0xffff, v50;
	v50 =	vld [tilespmem:s24+$0xFFFFFF90]  }
0x9a: {  	v57 =	vor.u32 v29, v38;
	[tilespmem:v60+s17+$0x0] =	vst.idx.msk $0xffff, v10;
	v10 =	vld [tilespmem:s24+$0xFFFFFFD0]  }
0x9b: {  	v5 =	vor.u32 v17, v44;
	v60 =	vor.u32 v0, v42;
	v0 =	vld [tilespmem:$0x1FFD0]  }
0x9c: {  	[tilespmem:v61+s17+$0x0] =	vst.idx.msk $0xffff, v49;
	v61 =	vld [tilespmem:s24+$0xFFFFFED0]  }
0x9d: {  	v62 =	vor.u32 v25, v40;
	[tilespmem:v7+s17+$0x0] =	vst.idx.msk $0xffff, v6;
	v6 =	vld [tilespmem:s24+$0xFFFFFF50]  }
0x9e: {  	v7 =	vor.u32 v31, v41;
	v63 =	vor.u32 v3, v39;
	v55 =	vor.u32 v3, v35;
	v3 =	vld [tilespmem:$0x1FFF0]  }
0x9f: {  	[tilespmem:v57+s17+$0x0] =	vst.idx.msk $0xffff, v56;
	v54 =	vld [tilespmem:s24+$0x190]  }
0xa0: {  	[tilespmem:v5+s17+$0x0] =	vst.idx.msk $0xffff, v4;
	v4 =	vld [tilespmem:s24+$0xFFFFFE10]  }
0xa1: {  	v5 =	vor.u32 v13, v33;
	[tilespmem:v60+s17+$0x0] =	vst.idx.msk $0xffff, v10;
	v10 =	vld [tilespmem:s24+$0x110]  }
0xa2: {  	v60 =	vor.u32 v29, v36;
	[tilespmem:v62+s17+$0x0] =	vst.idx.msk $0xffff, v61;
	v61 =	vld [tilespmem:s24+$0x10]  }
0xa3: {  	v62 =	vor.u32 v13, v43;
	[tilespmem:v7+s17+$0x0] =	vst.idx.msk $0xffff, v6;
	v6 =	vld [tilespmem:s24+$0x90]  }
0xa4: {  	v7 =	vor.u32 v21, v47;
	[tilespmem:v63+s17+$0x0] =	vst.idx.msk $0xffff, v50;
	v50 =	vld [tilespmem:s24+$0xD0]  }
0xa5: {  	v63 =	vor.u32 v25, v34;
	[tilespmem:v55+s17+$0x0] =	vst.idx.msk $0xffff, v54;
	v54 =	vld [tilespmem:s24+$0xFFFFFF60]  }
0xa6: {  	[tilespmem:v5+s17+$0x0] =	vst.idx.msk $0xffff, v4;
	v5 =	vor.u32 v3, v41;
	v49 =	vld [tilespmem:s24+$0x1A0]  }
0xa7: {  	[tilespmem:v60+s17+$0x0] =	vst.idx.msk $0xffff, v10;
	v10 =	vld [tilespmem:s24+$0xFFFFFEE0];
	v60 =	vor.u32 v26, v40  }
0xa8: {  	[tilespmem:v62+s17+$0x0] =	vst.idx.msk $0xffff, v61;
	v61 =	vld [tilespmem:s24+$0x150];
	v62 =	vor.u32 v31, v37  }
0xa9: {  	[tilespmem:v7+s17+$0x0] =	vst.idx.msk $0xffff, v6;
	v6 =	vld [tilespmem:s24+$0xFFFFFE60];
	v7 =	vor.u32 v18, v45  }
0xaa: {  	[tilespmem:v63+s17+$0x0] =	vst.idx.msk $0xffff, v50;
	v50 =	vld [tilespmem:s24+$0xFFFFFEA0];
	v63 =	vor.u32 v22, v46  }
0xab: {  	v59 =	vor.u32 v0, v35;
	v4 =	vld [tilespmem:s24+$0xA0];
	[tilespmem:v5+s17+$0x0] =	vst.idx.msk $0xffff, v54  }
0xac: {  	v5 =	vor.u32 v22, v47;
	[tilespmem:v60+s17+$0x0] =	vst.idx.msk $0xffff, v10;
	v10 =	vld [tilespmem:s24+$0x20]  }
0xad: {  	v60 =	vor.u32 v14, v43;
	[tilespmem:v62+s17+$0x0] =	vst.idx.msk $0xffff, v61;
	v61 =	vld [tilespmem:s24+$0xFFFFFF20]  }
0xae: {  	v62 =	vor.u32 v30, v38;
	[tilespmem:v7+s17+$0x0] =	vst.idx.msk $0xffff, v6;
	v6 =	vld [tilespmem:s24+$0xFFFFFFA0]  }
0xaf: {  	v7 =	vor.u32 v0, v39;
	[tilespmem:v63+s17+$0x0] =	vst.idx.msk $0xffff, v50;
	v50 =	vld [tilespmem:s24+$0xFFFFFFE0]  }
0xb0: {  	[tilespmem:v59+s17+$0x0] =	vst.idx.msk $0xffff, v49;
	v63 =	vor.u32 v2, v42;
	v48 =	vld [tilespmem:s24+$0x160]  }
0xb1: {  	v2 =	vor.u32 v23, v45;
	v54 =	vld [tilespmem:s24+$0xFFFFFE70];
	[tilespmem:v5+s17+$0x0] =	vst.idx.msk $0xffff, v4  }
0xb2: {  	v56 =	vld [tilespmem:s24+$0xFFFFFEB0];
	v5 =	vor.u32 v19, v46;
	[tilespmem:v60+s17+$0x0] =	vst.idx.msk $0xffff, v10  }
0xb3: {  	v10 =	vor.u32 v3, v37;
	[tilespmem:v62+s17+$0x0] =	vst.idx.msk $0xffff, v61;
	v61 =	vld [tilespmem:s24+$0x60]  }
0xb4: {  	s29 =	sadd.s32 $0x2, s25;
	v9 =	vor.u32 v9, v38;
	v62 =	vor.u32 v18, v44;
	v59 =	vld [tilespmem:s24+$0x30];
	[tilespmem:v7+s17+$0x0] =	vst.idx.msk $0xffff, v6  }
0xb5: {  	s31 =	sadd.s32 $0x5, s25;
	v11 =	vor.u32 v11, v41;
	v55 =	vmov s29;
	v6 =	vld [tilespmem:s24+$0xE0];
	v7 =	vor.u32 v26, v34;
	[tilespmem:v63+s17+$0x0] =	vst.idx.msk $0xffff, v50  }
0xb6: {  	s30 =	sadd.s32 $0x4, s25;
	v51 =	vor.u32 v30, v36;
	v55 =	vshrl.u32 v55, $0x3;
	v4 =	vmov s31;
	s31 =	sadd.s32 $0x8, s25;
	v50 =	vld [tilespmem:s24+$0x120];
	[tilespmem:v2+s17+$0x0] =	vst.idx.msk $0xffff, v54  }
0xb7: {  	v40 =	vor.u32 v8, v40;
	v3 =	vmov s30;
	s30 =	sadd.s32 $0x7, s25;
	v53 =	vmov s31;
	v8 =	vld [tilespmem:s24+$0xFFFFFF30];
	[tilespmem:v5+s17+$0x0] =	vst.idx.msk $0xffff, v56  }
0xb8: {  	s28 =	sadd.s32 $0x1, s25;
	v41 =	vshrl.u32 v4, $0x3;
	v52 =	vmov s30;
	v63 =	vmov s25;
	[tilespmem:v10+s17+$0x0] =	vst.idx.msk $0xffff, v48;
	v10 =	vld [tilespmem:s24+$0xFFFFFF70]  }
0xb9: {  	s30 =	sadd.s32 $0xA, s25;
	v60 =	vshrl.u32 v63, $0x3;
	v63 =	vmov s28;
	s28 =	sadd.s32 $0x3, s25;
	[tilespmem:v62+s17+$0x0] =	vst.idx.msk $0xffff, v61;
	v61 =	vld [tilespmem:s24+$0xFFFFFE20];
	v62 =	vor.u32 v14, v33  }
0xba: {  	p0 =	slt.u32 s25, $0xF0;
	v38 =	vshrl.u32 v3, $0x3;
	v46 =	vmov s30;
	v0 =	vmov s28;
	[tilespmem:v7+s17+$0x0] =	vst.idx.msk $0xffff, v6;
	v7 =	vld [tilespmem:s24+$0xFFFFFEF0]  }
.Ltmp0:
0xbb: {  	s29 =	sadd.s32 $0x6, s25;
	v57 =	vld [tilespmem:s24+$0xFFFFFFB0];
	v54 =	vshll.u32 v60, v1;
	v56 =	vshrl.u32 v63, $0x3;
	v63 =	vor.u32 v32, v43;
	[tilespmem:v51+s17+$0x0] =	vst.idx.msk $0xffff, v50;
	(pc) =	sbr.rel @p0 .LBB2_3-.Ltmp0, $4  }
0xbc: {  	s31 =	sadd.s32 $0xB, s25;
	s30 =	sadd.s32 $0xD, s25;
	v58 =	vld [tilespmem:s24+$0xFFFFFFF0];
	v60 =	vor.u32 v23, v44;
	v44 =	vor.u32 v19, v47;
	v6 =	vmov s29;
	s29 =	sadd.s32 $0x9, s25;
	[tilespmem:v9+s17+$0x0] =	vst.idx.msk $0xffff, v8  }
0xbd: {  	v48 =	vmov s30;
	v50 =	vmov s31;
	s31 =	sadd.s32 $0xE, s25;
	v45 =	vmov s29;
	s29 =	sadd.s32 $0xC, s25;
	[tilespmem:v11+s17+$0x0] =	vst.idx.msk $0xffff, v10  }
0xbe: {  	v43 =	vld [tilespmem:s24+$0xB0];
	v49 =	vmov s31;
	v51 =	vmov s29;
	[tilespmem:v62+s17+$0x0] =	vst.idx.msk $0xffff, v61;
	v61 =	vor.u32 v27, v39  }
0xbf: {  	s26 =	sadd.s32 $0xF, s25;
	s25 =	sadd.s32 $0x10, s25;
	v62 =	vor.u32 v15, v42;
	v42 =	vld [tilespmem:s24+$0x70];
	v39 =	vshrl.u32 v6, $0x3;
	[tilespmem:v40+s17+$0x0] =	vst.idx.msk $0xffff, v7;
	v40 =	vshrl.u32 v0, $0x3  }
0xc0: {  	_ =	sdelay $0x3  }
0xc1: {  	[tilespmem:v61+s17+$0x0] =	vst.idx.msk $0xffff, v57  }
0xc2: {  	v57 =	vld [tilespmem:$0x1FF60]  }
0xc3: {  	v2 =	vld [tilespmem:s24+$0xF0];
	[tilespmem:v62+s17+$0x0] =	vst.idx.msk $0xffff, v58  }
0xc4: {  	v62 =	vld [tilespmem:$0x1FF40];
	[tilespmem:v63+s17+$0x0] =	vst.idx.msk $0xffff, v59  }
0xc5: {  	v19 =	vld [tilespmem:$0x1FF80];
	[tilespmem:v60+s17+$0x0] =	vst.idx.msk $0xffff, v42  }
0xc6: {  	v60 =	vld [tilespmem:$0x1FF00];
	[tilespmem:v44+s17+$0x0] =	vst.idx.msk $0xffff, v43  }
0xc7: {  	v0 =	vmov s26;
	v3 =	vor.u32 v57, v34;
	v34 =	vbroadcast v54, $0x0;
	v54 =	vld [tilespmem:$0x1FF50]  }
0xc8: {  	v0 =	vshrl.u32 v0, $0x3;
	v23 =	vld [tilespmem:$0x1FFA0]  }
0xc9: {  	v4 =	vld [tilespmem:s24+$0x130];
	v0 =	vshll.u32 v0, v1;
	v6 =	vor.u32 v62, v36  }
0xca: {  	v7 =	vld [tilespmem:s24+$0x170];
	v0 =	vbroadcast v0, $0x0;
	v9 =	vor.u32 v19, v37  }
0xcb: {  	v10 =	vld [tilespmem:s24+$0x1B0];
	s31 =	sadd.s32 $0x400, s24;
	v42 =	vor.u32 v60, v35  }
0xcc: {  	v43 =	vld [tilespmem:s31+$0x1C0];
	v61 =	vor.u32 v54, v0  }
0xcd: {  	v11 =	vshrl.u32 v45, $0x3;
	v45 =	vshrl.u32 v46, $0x3;
	v46 =	vld [tilespmem:s24+$0xFFFFFE30];
	v47 =	vor.u32 v23, v33;
	[tilespmem:v3+s17+$0x0] =	vst.idx.msk $0xffff, v2  }
0xce: {  	[tilespmem:v6+s17+$0x0] =	vst.idx.msk $0xffff, v4  }
0xcf: {  	v59 =	vshll.u32 v56, v1;
	[tilespmem:v9+s17+$0x0] =	vst.idx.msk $0xffff, v7  }
0xd0: {  	v33 =	vbroadcast v59, $0x0;
	[tilespmem:v42+s17+$0x0] =	vst.idx.msk $0xffff, v10  }
0xd1: {  	v2 =	vld [tilespmem:s31+$0xFFFFFE00];
	v3 =	vor.u32 v12, v34;
	[tilespmem:v61+s17+$0x0] =	vst.idx.msk $0xffff, v43  }
0xd2: {  	v55 =	vshll.u32 v55, v1;
	v58 =	vld [tilespmem:s31+$0xFFFFFE40];
	v59 =	vor.u32 v16, v33;
	[tilespmem:v47+s17+$0x0] =	vst.idx.msk $0xffff, v46  }
0xd3: {  	v56 =	vshll.u32 v40, v1;
	v35 =	vbroadcast v55, $0x0;
	v27 =	vld [tilespmem:$0x1FF10]  }
0xd4: {  	v5 =	vshrl.u32 v52, $0x3;
	v52 =	vld [tilespmem:s31+$0xFFFFFF00];
	v63 =	vshll.u32 v38, v1;
	v36 =	vbroadcast v56, $0x0  }
0xd5: {  	v37 =	vbroadcast v63, $0x0;
	v32 =	vor.u32 v20, v35;
	v7 =	vld [tilespmem:s31+$0xFFFFFE80]  }
0xd6: {  	v10 =	vld [tilespmem:s31+$0xFFFFFEC0];
	v42 =	vor.u32 v24, v36;
	[tilespmem:v3+s17+$0x0] =	vst.idx.msk $0xffff, v2  }
0xd7: {  	v61 =	vor.u32 v28, v37;
	v43 =	vld [tilespmem:s31+$0x1D0];
	[tilespmem:v59+s17+$0x0] =	vst.idx.msk $0xffff, v58  }
0xd8: {  	v8 =	vshrl.u32 v53, $0x3;
	v56 =	vld [tilespmem:$0x1FFE0];
	v53 =	vor.u32 v27, v0;
	_ =	sdelay $0x1  }
0xd9: {  	v41 =	vshll.u32 v41, v1;
	[tilespmem:v32+s17+$0x0] =	vst.idx.msk $0xffff, v7  }
0xda: {  	v38 =	vbroadcast v41, $0x0;
	v2 =	vshll.u32 v5, v1;
	v32 =	vld [tilespmem:$0x1FFB0];
	[tilespmem:v42+s17+$0x0] =	vst.idx.msk $0xffff, v10  }
0xdb: {  	v3 =	vld [tilespmem:s31+$0xFFFFFF40];
	v40 =	vbroadcast v2, $0x0;
	v2 =	vshll.u32 v8, v1;
	[tilespmem:v61+s17+$0x0] =	vst.idx.msk $0xffff, v52  }
0xdc: {  	v41 =	vbroadcast v2, $0x0;
	v2 =	vshll.u32 v11, v1;
	v7 =	vld [tilespmem:s31+$0xFFFFFFC0];
	v63 =	vor.u32 v56, v38;
	[tilespmem:v53+s17+$0x0] =	vst.idx.msk $0xffff, v43  }
0xdd: {  	v39 =	vshll.u32 v39, v1;
	v8 =	vor.u32 v54, v40;
	v42 =	vbroadcast v2, $0x0;
	v53 =	vld [tilespmem:$0x1FF20]  }
0xde: {  	v39 =	vbroadcast v39, $0x0;
	v55 =	vshll.u32 v45, v1;
	v9 =	vld [tilespmem:s31+$0x0];
	v10 =	vor.u32 v12, v41  }
0xdf: {  	v2 =	vshrl.u32 v48, $0x3;
	v48 =	vld [tilespmem:s31+$0x40];
	v61 =	vor.u32 v16, v42;
	v43 =	vbroadcast v55, $0x0  }
0xe0: {  	v5 =	vld [tilespmem:s31+$0xFFFFFF80];
	v6 =	vor.u32 v32, v39  }
0xe1: {  	[tilespmem:v63+s17+$0x0] =	vst.idx.msk $0xffff, v3;
	v63 =	vld [tilespmem:s31+$0x80];
	v55 =	vor.u32 v20, v43  }
0xe2: {  	v47 =	vshrl.u32 v49, $0x3;
	v49 =	vld [tilespmem:s31+$0x1E0];
	[tilespmem:v8+s17+$0x0] =	vst.idx.msk $0xffff, v7;
	v59 =	vor.u32 v53, v0  }
0xe3: {  	[tilespmem:v10+s17+$0x0] =	vst.idx.msk $0xffff, v9  }
0xe4: {  	v50 =	vshrl.u32 v50, $0x3;
	[tilespmem:v61+s17+$0x0] =	vst.idx.msk $0xffff, v48  }
0xe5: {  	v51 =	vshrl.u32 v51, $0x3;
	v58 =	vshll.u32 v50, v1;
	[tilespmem:v6+s17+$0x0] =	vst.idx.msk $0xffff, v5  }
0xe6: {  	v44 =	vbroadcast v58, $0x0;
	v3 =	vshll.u32 v51, v1;
	[tilespmem:v55+s17+$0x0] =	vst.idx.msk $0xffff, v63  }
0xe7: {  	v2 =	vshll.u32 v2, v1;
	v45 =	vbroadcast v3, $0x0;
	v3 =	vld [tilespmem:s31+$0xC0];
	[tilespmem:v59+s17+$0x0] =	vst.idx.msk $0xffff, v49  }
0xe8: {  	v46 =	vbroadcast v2, $0x0;
	v6 =	vor.u32 v24, v44;
	v61 =	vld [tilespmem:$0x1FF30]  }
0xe9: {  	v2 =	vshll.u32 v47, v1;
	v7 =	vld [tilespmem:s31+$0x100];
	v8 =	vor.u32 v28, v45  }
0xea: {  	v47 =	vbroadcast v2, $0x0;
	v2 =	vld [tilespmem:s31+$0x140];
	v9 =	vor.u32 v56, v46  }
0xeb: {  	v55 =	vld [tilespmem:s31+$0xFFFFFE50];
	v63 =	vor.u32 v17, v33  }
0xec: {  	v58 =	vld [tilespmem:s31+$0x180];
	v59 =	vor.u32 v32, v47  }
0xed: {  	v52 =	vld [tilespmem:s31+$0x1F0];
	[tilespmem:v6+s17+$0x0] =	vst.idx.msk $0xffff, v3;
	v0 =	vor.u32 v61, v0  }
0xee: {  	[tilespmem:v8+s17+$0x0] =	vst.idx.msk $0xffff, v7  }
0xef: {  	[tilespmem:v9+s17+$0x0] =	vst.idx.msk $0xffff, v2  }
0xf0: {  	v49 =	vor.u32 v21, v35;
	v3 =	vld [tilespmem:s31+$0xFFFFFE90];
	[tilespmem:v63+s17+$0x0] =	vst.idx.msk $0xffff, v55  }
0xf1: {  	v50 =	vor.u32 v25, v36;
	v7 =	vld [tilespmem:s31+$0xFFFFFED0];
	[tilespmem:v59+s17+$0x0] =	vst.idx.msk $0xffff, v58  }
0xf2: {  	v2 =	vld [tilespmem:s31+$0xFFFFFF10];
	v9 =	vor.u32 v29, v37;
	[tilespmem:v0+s17+$0x0] =	vst.idx.msk $0xffff, v52  }
0xf3: {  	v52 =	vld [tilespmem:$0x1FFC0]  }
0xf4: {  	v58 =	vld [tilespmem:s31+$0xFFFFFF50];
	v59 =	vor.u32 v31, v38  }
0xf5: {  	v48 =	vld [tilespmem:s31+$0xFFFFFFD0];
	[tilespmem:v49+s17+$0x0] =	vst.idx.msk $0xffff, v3;
	v3 =	vor.u32 v27, v40  }
0xf6: {  	v49 =	vld [tilespmem:s31+$0x10];
	[tilespmem:v50+s17+$0x0] =	vst.idx.msk $0xffff, v7;
	v50 =	vor.u32 v13, v41  }
0xf7: {  	v51 =	vld [tilespmem:s31+$0x50];
	[tilespmem:v9+s17+$0x0] =	vst.idx.msk $0xffff, v2;
	v2 =	vor.u32 v17, v42  }
0xf8: {  	v0 =	vld [tilespmem:s31+$0xFFFFFF90];
	v63 =	vor.u32 v52, v39  }
0xf9: {  	v55 =	vor.u32 v21, v43;
	v9 =	vld [tilespmem:s31+$0x90];
	[tilespmem:v59+s17+$0x0] =	vst.idx.msk $0xffff, v58  }
0xfa: {  	v58 =	vld [tilespmem:s31+$0xFFFFFE10];
	v59 =	vor.u32 v13, v34;
	[tilespmem:v3+s17+$0x0] =	vst.idx.msk $0xffff, v48  }
0xfb: {  	v4 =	vld [tilespmem:s31+$0x110];
	v3 =	vor.u32 v29, v45;
	[tilespmem:v50+s17+$0x0] =	vst.idx.msk $0xffff, v49  }
0xfc: {  	v7 =	vld [tilespmem:s31+$0x190];
	[tilespmem:v2+s17+$0x0] =	vst.idx.msk $0xffff, v51;
	v2 =	vor.u32 v52, v47  }
0xfd: {  	v11 =	vld [tilespmem:s31+$0xD0];
	[tilespmem:v63+s17+$0x0] =	vst.idx.msk $0xffff, v0;
	v0 =	vor.u32 v25, v44  }
0xfe: {  	v5 =	vld [tilespmem:s31+$0x150];
	[tilespmem:v55+s17+$0x0] =	vst.idx.msk $0xffff, v9;
	v63 =	vor.u32 v31, v46  }
0xff: {  	[tilespmem:v59+s17+$0x0] =	vst.idx.msk $0xffff, v58  }
0x100: {  	[tilespmem:v3+s17+$0x0] =	vst.idx.msk $0xffff, v4  }
0x101: {  	[tilespmem:v2+s17+$0x0] =	vst.idx.msk $0xffff, v7  }
0x102: {  	v55 =	vld [tilespmem:s31+$0xFFFFFE60];
	v49 =	vor.u32 v18, v33;
	[tilespmem:v0+s17+$0x0] =	vst.idx.msk $0xffff, v11  }
0x103: {  	[tilespmem:v63+s17+$0x0] =	vst.idx.msk $0xffff, v5  }
0x104: {  	v58 =	vld [tilespmem:$0x1FFF0]  }
0x105: {  	v51 =	vor.u32 v26, v36;
	v3 =	vld [tilespmem:s31+$0xFFFFFEE0]  }
0x106: {  	v50 =	vor.u32 v22, v35;
	v0 =	vld [tilespmem:s31+$0xFFFFFEA0]  }
0x107: {  	v5 =	vld [tilespmem:s31+$0xFFFFFF20];
	[tilespmem:v49+s17+$0x0] =	vst.idx.msk $0xffff, v55  }
0x108: {  	v63 =	vor.u32 v30, v37;
	v55 =	vld [tilespmem:$0x1FFD0]  }
0x109: {  	v2 =	vld [tilespmem:s31+$0xFFFFFF60];
	v7 =	vor.u32 v58, v38  }
0x10a: {  	v59 =	vor.u32 v18, v42;
	[tilespmem:v51+s17+$0x0] =	vst.idx.msk $0xffff, v3;
	v51 =	vld [tilespmem:s31+$0x60]  }
0x10b: {  	v49 =	vld [tilespmem:s31+$0xFFFFFFE0];
	[tilespmem:v50+s17+$0x0] =	vst.idx.msk $0xffff, v0;
	v0 =	vor.u32 v53, v40  }
0x10c: {  	v3 =	vor.u32 v14, v41;
	v50 =	vld [tilespmem:s31+$0x20]  }
0x10d: {  	v8 =	vld [tilespmem:s31+$0xFFFFFFA0];
	[tilespmem:v63+s17+$0x0] =	vst.idx.msk $0xffff, v5;
	v48 =	vor.u32 v55, v39  }
0x10e: {  	v63 =	vld [tilespmem:s31+$0xA0];
	[tilespmem:v7+s17+$0x0] =	vst.idx.msk $0xffff, v2;
	v2 =	vor.u32 v22, v43  }
0x10f: {  	[tilespmem:v59+s17+$0x0] =	vst.idx.msk $0xffff, v51  }
0x110: {  	[tilespmem:v0+s17+$0x0] =	vst.idx.msk $0xffff, v49  }
0x111: {  	v9 =	vld [tilespmem:s31+$0x120];
	[tilespmem:v3+s17+$0x0] =	vst.idx.msk $0xffff, v50  }
0x112: {  	v7 =	vld [tilespmem:s31+$0xE0];
	[tilespmem:v48+s17+$0x0] =	vst.idx.msk $0xffff, v8;
	v8 =	vor.u32 v26, v44  }
0x113: {  	v11 =	vld [tilespmem:s31+$0x1A0];
	[tilespmem:v2+s17+$0x0] =	vst.idx.msk $0xffff, v63  }
0x114: {  	v0 =	vor.u32 v30, v45;
	v63 =	vld [tilespmem:$0x1FF90]  }
0x115: {  	v10 =	vld [tilespmem:s31+$0x160];
	v3 =	vor.u32 v58, v46  }
0x116: {  	v5 =	vld [tilespmem:s31+$0xFFFFFE20];
	v59 =	vor.u32 v55, v47  }
0x117: {  	v50 =	vor.u32 v57, v36;
	v36 =	vld [tilespmem:s31+$0xFFFFFFF0];
	v48 =	vor.u32 v14, v34;
	[tilespmem:v8+s17+$0x0] =	vst.idx.msk $0xffff, v7  }
0x118: {  	v51 =	vor.u32 v62, v37;
	v37 =	vor.u32 v61, v40;
	v15 =	vld [tilespmem:$0x1FF70]  }
0x119: {  	v2 =	vld [tilespmem:s31+$0xFFFFFE70];
	[tilespmem:v0+s17+$0x0] =	vst.idx.msk $0xffff, v9;
	v6 =	vor.u32 v63, v33  }
0x11a: {  	v0 =	vld [tilespmem:s31+$0xFFFFFEF0];
	[tilespmem:v3+s17+$0x0] =	vst.idx.msk $0xffff, v10  }
0x11b: {  	v3 =	vld [tilespmem:s31+$0xFFFFFF30];
	[tilespmem:v59+s17+$0x0] =	vst.idx.msk $0xffff, v11  }
0x11c: {  	v59 =	vld [tilespmem:s31+$0xFFFFFF70];
	[tilespmem:v48+s17+$0x0] =	vst.idx.msk $0xffff, v5;
	v33 =	vor.u32 v19, v38  }
0x11d: {  	v7 =	vld [tilespmem:s31+$0xFFFFFEB0];
	[tilespmem:v37+s17+$0x0] =	vst.idx.msk $0xffff, v36;
	v49 =	vor.u32 v15, v35  }
0x11e: {  	v35 =	vld [tilespmem:s31+$0xFFFFFFB0];
	[tilespmem:v6+s17+$0x0] =	vst.idx.msk $0xffff, v2;
	v2 =	vor.u32 v60, v39  }
0x11f: {  	v38 =	vld [tilespmem:s31+$0x30];
	[tilespmem:v50+s17+$0x0] =	vst.idx.msk $0xffff, v0;
	v0 =	vor.u32 v23, v41  }
0x120: {  	v40 =	vld [tilespmem:s31+$0xB0];
	[tilespmem:v51+s17+$0x0] =	vst.idx.msk $0xffff, v3;
	v41 =	vor.u32 v15, v43  }
0x121: {  	v3 =	vor.u32 v63, v42;
	v39 =	vld [tilespmem:s31+$0x70];
	[tilespmem:v33+s17+$0x0] =	vst.idx.msk $0xffff, v59  }
0x122: {  	v8 =	vld [tilespmem:s31+$0x1B0];
	v33 =	vor.u32 v60, v47;
	[tilespmem:v49+s17+$0x0] =	vst.idx.msk $0xffff, v7  }
0x123: {  	v42 =	vld [tilespmem:s31+$0xF0];
	[tilespmem:v2+s17+$0x0] =	vst.idx.msk $0xffff, v35;
	v2 =	vor.u32 v57, v44  }
0x124: {  	s28 =	simm.s32 $0x4;
	v43 =	vld [tilespmem:s31+$0x130];
	[tilespmem:v0+s17+$0x0] =	vst.idx.msk $0xffff, v38;
	v44 =	vor.u32 v62, v45  }
0x125: {  	s30 =	simm.s32 $0x2;
	v9 =	vor.u32 v23, v34;
	v50 =	vmov s28;
	s28 =	simm.s32 $0x7;
	v0 =	vor.u32 v19, v46;
	[tilespmem:v41+s17+$0x0] =	vst.idx.msk $0xffff, v40;
	v45 =	vld [tilespmem:s31+$0x170]  }
0x126: {  	s25 =	simm.s32 $0x0;
	v48 =	vmov s30;
	s30 =	simm.s32 $0x8;
	v51 =	vmov s28;
	v50 =	vshrl.u32 v50, $0x3;
	[tilespmem:v3+s17+$0x0] =	vst.idx.msk $0xffff, v39;
	v3 =	vld [tilespmem:s31+$0xFFFFFE30]  }
0x127: {  	s26 =	sshll.u32 s23, $0x14;
	s28 =	simm.s32 $0xA;
	v36 =	vshrl.u32 v51, $0x3;
	v47 =	vmov s25;
	v59 =	vmov s30;
	[tilespmem:v33+s17+$0x0] =	vst.idx.msk $0xffff, v8  }
0x128: {  	s29 =	simm.s32 $0x1;
	s26 =	sor.u32 s3, s26;
	v34 =	vshrl.u32 v47, $0x3;
	v41 =	vmov s28;
	v6 =	vshrl.u32 v59, $0x3;
	s31 =	simm.s32 $0x3;
	[tilespmem:v2+s17+$0x0] =	vst.idx.msk $0xffff, v42  }
0x129: {  	s30 =	simm.s32 $0xE;
	v47 =	vshll.u32 v34, v1;
	v35 =	vmov s29;
	s29 =	simm.s32 $0x6;
	v49 =	vmov s31;
	s31 =	simm.s32 $0x9;
	[tilespmem:v44+s17+$0x0] =	vst.idx.msk $0xffff, v43  }
0x12a: {  	s24 =	sshrl.u32 s26, $0x3;
	v34 =	vmov s30;
	v5 =	vmov s29;
	v40 =	vmov s31;
	s31 =	simm.s32 $0xF;
	[tilespmem:v0+s17+$0x0] =	vst.idx.msk $0xffff, v45  }
0x12b: {  	s26 =	sadd.s32 s4, s24;
	s29 =	simm.s32 $0xC;
	[tilespmem:v9+s17+$0x0] =	vst.idx.msk $0xffff, v3;
	v3 =	vshrl.u32 v48, $0x3;
	v48 =	vshrl.u32 v49, $0x3;
	v49 =	vmov s31  }
0x12c: {  	v37 =	vshrl.u32 v41, $0x3;
	v33 =	vbroadcast v47, $0x0;
	[hbm4b:s26+s13] =	stream.strided.scatter [tilespmem:s17], [sflag:$0x3], $0x4000, s11, s13, $0x38;
	v9 =	vshrl.u32 v49, $0x3;
	[tilespmem:$0x16400] =	vst v63  }
0x12d: {  	s25 =	simm.s32 $0x5;
	v35 =	vshrl.u32 v35, $0x3;
	v7 =	vmov s29;
	_ =	swait.ge [sflag:s18], $0x4000;
	v9 =	vshll.u32 v9, v1  }
0x12e: {  	v5 =	vshrl.u32 v5, $0x3;
	v2 =	vmov s25;
	s25 =	simm.s32 $0xB;
	[sflag:s18] =	ssyncset.done $0x0;
	v9 =	vbroadcast v9, $0x0  }
0x12f: {  	v51 =	vshll.u32 v35, v1;
	v41 =	vor.u32 v12, v33;
	v0 =	vmov s25;
	s25 =	simm.s32 $0xA7F0;
	[sflag:s18] =	ssyncadd.s32 $0xFFFFC000  }
0x130: {  	v47 =	vbroadcast v51, $0x0;
	v3 =	vshll.u32 v3, v1;
	v8 =	vld [tilespmem:s25+$0xFFFFFFD0];
	v35 =	vor.u32 v54, v9  }
0x131: {  	v11 =	vshrl.u32 v40, $0x3;
	v46 =	vbroadcast v3, $0x0;
	v3 =	vshll.u32 v48, v1;
	v38 =	vld [tilespmem:s25+$0xFFFFFC10]  }
0x132: {  	v7 =	vshrl.u32 v7, $0x3;
	v42 =	vor.u32 v16, v47;
	v45 =	vbroadcast v3, $0x0;
	v4 =	vld [tilespmem:s25+$0xFFFFFC50]  }
0x133: {  	v2 =	vshrl.u32 v2, $0x3;
	v3 =	vshll.u32 v50, v1;
	v59 =	vor.u32 v20, v46;
	v10 =	vld [tilespmem:s25+$0xFFFFFC90]  }
0x134: {  	v2 =	vshll.u32 v2, v1;
	v39 =	vbroadcast v3, $0x0;
	v3 =	vld [tilespmem:s25+$0xFFFFFCD0];
	v48 =	vor.u32 v24, v45  }
0x135: {  	s28 =	simm.s32 $0xD;
	v0 =	vshrl.u32 v0, $0x3;
	v40 =	vbroadcast v2, $0x0;
	v2 =	vshll.u32 v5, v1;
	[tilespmem:v35+s19+$0x0] =	vst.idx.msk $0xffff, v8  }
0x136: {  	v44 =	vmov s28;
	v0 =	vshll.u32 v0, v1;
	v49 =	vld [tilespmem:s25+$0xFFFFFD10];
	v50 =	vor.u32 v28, v39;
	[tilespmem:v41+s19+$0x0] =	vst.idx.msk $0xffff, v38  }
0x137: {  	v38 =	vbroadcast v2, $0x0;
	v2 =	vshll.u32 v36, v1;
	[tilespmem:v42+s19+$0x0] =	vst.idx.msk $0xffff, v4;
	v4 =	vld [tilespmem:s25+$0xFFFFFD50];
	v35 =	vor.u32 v56, v40  }
0x138: {  	v8 =	vor.u32 v27, v9;
	[tilespmem:v59+s19+$0x0] =	vst.idx.msk $0xffff, v10;
	v5 =	vld [tilespmem:s25+$0xFFFFFFE0];
	v41 =	vbroadcast v2, $0x0;
	v2 =	vshll.u32 v6, v1  }
0x139: {  	[tilespmem:v48+s19+$0x0] =	vst.idx.msk $0xffff, v3;
	v3 =	vld [tilespmem:s25+$0xFFFFFDD0];
	v59 =	vor.u32 v32, v38;
	v42 =	vbroadcast v2, $0x0;
	v2 =	vshll.u32 v11, v1  }
0x13a: {  	v6 =	vld [tilespmem:s25+$0xFFFFFD90];
	v11 =	vor.u32 v54, v41;
	v43 =	vbroadcast v2, $0x0;
	v2 =	vshrl.u32 v44, $0x3  }
0x13b: {  	v48 =	vld [tilespmem:s25+$0xFFFFFE10];
	[tilespmem:v50+s19+$0x0] =	vst.idx.msk $0xffff, v49;
	v44 =	vshll.u32 v37, v1;
	v37 =	vshrl.u32 v34, $0x3;
	v34 =	vbroadcast v0, $0x0  }
0x13c: {  	v50 =	vld [tilespmem:s25+$0xFFFFFE50];
	v0 =	vshll.u32 v7, v1;
	v49 =	vor.u32 v12, v42;
	v44 =	vbroadcast v44, $0x0;
	[tilespmem:v35+s19+$0x0] =	vst.idx.msk $0xffff, v4  }
0x13d: {  	v54 =	vor.u32 v16, v43;
	v35 =	vbroadcast v0, $0x0;
	v0 =	vshll.u32 v2, v1;
	v2 =	vld [tilespmem:s25+$0xFFFFFED0];
	[tilespmem:v8+s19+$0x0] =	vst.idx.msk $0xffff, v5  }
0x13e: {  	v5 =	vor.u32 v53, v9;
	v4 =	vld [tilespmem:s25+$0xFFFFFFF0]  }
0x13f: {  	[tilespmem:v59+s19+$0x0] =	vst.idx.msk $0xffff, v6;
	v6 =	vld [tilespmem:s25+$0xFFFFFE90];
	v59 =	vor.u32 v20, v44  }
0x140: {  	v36 =	vbroadcast v0, $0x0;
	v0 =	vshll.u32 v37, v1;
	v8 =	vld [tilespmem:s25+$0xFFFFFF10];
	v10 =	vor.u32 v28, v35;
	[tilespmem:v11+s19+$0x0] =	vst.idx.msk $0xffff, v3  }
0x141: {  	v37 =	vbroadcast v0, $0x0;
	v0 =	vld [tilespmem:s25+$0xFFFFFF50];
	v3 =	vor.u32 v24, v34;
	[tilespmem:v49+s19+$0x0] =	vst.idx.msk $0xffff, v48  }
0x142: {  	v11 =	vor.u32 v56, v36;
	[tilespmem:v54+s19+$0x0] =	vst.idx.msk $0xffff, v50;
	v54 =	vld [tilespmem:s25+$0xFFFFFF90]  }
0x143: {  	v56 =	vor.u32 v32, v37;
	v49 =	vld [tilespmem:s25+$0xFFFFFE20];
	[tilespmem:v5+s19+$0x0] =	vst.idx.msk $0xffff, v4  }
0x144: {  	v50 =	vor.u32 v13, v42;
	[tilespmem:v59+s19+$0x0] =	vst.idx.msk $0xffff, v6;
	v59 =	vld [tilespmem:s25+$0xFFFFFC60]  }
0x145: {  	v32 =	vor.u32 v17, v47;
	[tilespmem:v10+s19+$0x0] =	vst.idx.msk $0xffff, v8;
	v8 =	vld [tilespmem:s25+$0xFFFFFCE0]  }
0x146: {  	v5 =	vor.u32 v61, v9;
	v9 =	vor.u32 v25, v45;
	v4 =	vld [tilespmem:s25+$0x0];
	[tilespmem:v3+s19+$0x0] =	vst.idx.msk $0xffff, v2  }
0x147: {  	v2 =	vld [tilespmem:s25+$0xFFFFFCA0];
	v3 =	vor.u32 v21, v46;
	[tilespmem:v11+s19+$0x0] =	vst.idx.msk $0xffff, v0  }
0x148: {  	v10 =	vor.u32 v29, v39;
	v0 =	vld [tilespmem:s25+$0xFFFFFD20];
	[tilespmem:v56+s19+$0x0] =	vst.idx.msk $0xffff, v54  }
0x149: {  	v48 =	vor.u32 v13, v33;
	v11 =	vld [tilespmem:s25+$0xFFFFFC20];
	[tilespmem:v50+s19+$0x0] =	vst.idx.msk $0xffff, v49  }
0x14a: {  	v54 =	vld [tilespmem:s25+$0xFFFFFD60];
	[tilespmem:v32+s19+$0x0] =	vst.idx.msk $0xffff, v59  }
0x14b: {  	v56 =	vor.u32 v31, v40;
	v59 =	vld [tilespmem:s25+$0xFFFFFDA0];
	[tilespmem:v9+s19+$0x0] =	vst.idx.msk $0xffff, v8  }
0x14c: {  	v32 =	vor.u32 v52, v38;
	v9 =	vld [tilespmem:s25+$0xFFFFFEA0];
	[tilespmem:v3+s19+$0x0] =	vst.idx.msk $0xffff, v2  }
0x14d: {  	v2 =	vld [tilespmem:s25+$0xFFFFFDE0];
	v3 =	vor.u32 v27, v41;
	[tilespmem:v10+s19+$0x0] =	vst.idx.msk $0xffff, v0  }
0x14e: {  	v51 =	vor.u32 v17, v43;
	v0 =	vld [tilespmem:s25+$0xFFFFFE60];
	[tilespmem:v48+s19+$0x0] =	vst.idx.msk $0xffff, v11  }
0x14f: {  	[tilespmem:v5+s19+$0x0] =	vst.idx.msk $0xffff, v4;
	v10 =	vor.u32 v21, v44;
	v48 =	vld [tilespmem:s25+$0xFFFFFC30]  }
0x150: {  	[tilespmem:v56+s19+$0x0] =	vst.idx.msk $0xffff, v54;
	v54 =	vld [tilespmem:s25+$0xFFFFFEE0];
	v56 =	vor.u32 v25, v34  }
0x151: {  	[tilespmem:v32+s19+$0x0] =	vst.idx.msk $0xffff, v59;
	v59 =	vld [tilespmem:s25+$0xFFFFFF60];
	v32 =	vor.u32 v31, v36  }
0x152: {  	[tilespmem:v3+s19+$0x0] =	vst.idx.msk $0xffff, v2;
	v2 =	vld [tilespmem:s25+$0xFFFFFF20];
	v3 =	vor.u32 v29, v35  }
0x153: {  	v8 =	vor.u32 v52, v37;
	[tilespmem:v51+s19+$0x0] =	vst.idx.msk $0xffff, v0;
	v0 =	vld [tilespmem:s25+$0xFFFFFFA0]  }
0x154: {  	v52 =	vor.u32 v18, v47;
	[tilespmem:v10+s19+$0x0] =	vst.idx.msk $0xffff, v9;
	v51 =	vld [tilespmem:s25+$0xFFFFFC70]  }
0x155: {  	[tilespmem:v56+s19+$0x0] =	vst.idx.msk $0xffff, v54;
	v54 =	vld [tilespmem:s25+$0xFFFFFCB0];
	v56 =	vor.u32 v22, v46  }
0x156: {  	v10 =	vor.u32 v26, v34;
	v9 =	vld [tilespmem:s25+$0xFFFFFEF0];
	[tilespmem:v32+s19+$0x0] =	vst.idx.msk $0xffff, v59  }
0x157: {  	v59 =	vld [tilespmem:s25+$0xFFFFFD30];
	v32 =	vor.u32 v30, v39;
	[tilespmem:v3+s19+$0x0] =	vst.idx.msk $0xffff, v2  }
0x158: {  	v2 =	vld [tilespmem:s25+$0xFFFFFCF0];
	v3 =	vor.u32 v26, v45;
	[tilespmem:v8+s19+$0x0] =	vst.idx.msk $0xffff, v0  }
0x159: {  	v49 =	vor.u32 v58, v40;
	v0 =	vld [tilespmem:s25+$0xFFFFFD70];
	[tilespmem:v52+s19+$0x0] =	vst.idx.msk $0xffff, v51  }
0x15a: {  	v50 =	vld [tilespmem:s25+$0xFFFFFDB0];
	v51 =	vor.u32 v55, v38;
	[tilespmem:v56+s19+$0x0] =	vst.idx.msk $0xffff, v54  }
0x15b: {  	v53 =	vor.u32 v53, v41;
	v52 =	vld [tilespmem:s25+$0xFFFFFDF0];
	[tilespmem:v10+s19+$0x0] =	vst.idx.msk $0xffff, v9  }
0x15c: {  	v5 =	vor.u32 v30, v35;
	v4 =	vld [tilespmem:s25+$0xFFFFFF30];
	[tilespmem:v32+s19+$0x0] =	vst.idx.msk $0xffff, v59  }
0x15d: {  	[tilespmem:v3+s19+$0x0] =	vst.idx.msk $0xffff, v2;
	v2 =	vld [tilespmem:s25+$0xFFFFFE30];
	v3 =	vor.u32 v14, v42  }
0x15e: {  	v7 =	vor.u32 v55, v37;
	v6 =	vld [tilespmem:s25+$0xFFFFFFB0];
	[tilespmem:v49+s19+$0x0] =	vst.idx.msk $0xffff, v0  }
0x15f: {  	v54 =	vld [tilespmem:s25+$0xFFFFFE70];
	v56 =	vor.u32 v18, v43;
	[tilespmem:v51+s19+$0x0] =	vst.idx.msk $0xffff, v50  }
0x160: {  	v32 =	vor.u32 v14, v33;
	v0 =	vld [tilespmem:s25+$0xFFFFFEB0];
	[tilespmem:v53+s19+$0x0] =	vst.idx.msk $0xffff, v52  }
0x161: {  	s29 =	simm.s32 $0x10;
	v60 =	vor.u32 v60, v38;
	v8 =	vor.u32 v22, v44;
	[tilespmem:v5+s19+$0x0] =	vst.idx.msk $0xffff, v4;
	v5 =	vld [tilespmem:s25+$0xFFFFFD00]  }
0x162: {  	v61 =	vor.u32 v61, v41;
	v59 =	vmov s29;
	[tilespmem:v3+s19+$0x0] =	vst.idx.msk $0xffff, v2;
	v2 =	vld [tilespmem:s25+$0xFFFFFF70];
	v3 =	vor.u32 v58, v36  }
0x163: {  	s30 =	simm.s32 $0x11;
	v47 =	vor.u32 v63, v47;
	v11 =	vshrl.u32 v59, $0x3;
	v59 =	vor.u32 v57, v45;
	[tilespmem:v7+s19+$0x0] =	vst.idx.msk $0xffff, v6;
	v6 =	vld [tilespmem:s25+$0xFFFFFD80]  }
0x164: {  	v63 =	vor.u32 v63, v43;
	v55 =	vmov s30;
	s30 =	simm.s32 $0x16;
	v44 =	vor.u32 v15, v44;
	s29 =	simm.s32 $0x14;
	[tilespmem:v56+s19+$0x0] =	vst.idx.msk $0xffff, v54;
	v54 =	vld [tilespmem:s25+$0xFFFFFC80]  }
0x165: {  	s28 =	simm.s32 $0x13;
	v9 =	vmov s29;
	v4 =	vmov s30;
	v57 =	vld [tilespmem:s25+$0xFFFFFDC0];
	[tilespmem:v32+s19+$0x0] =	vst.idx.msk $0xffff, v48;
	v32 =	vor.u32 v19, v40  }
0x166: {  	s30 =	simm.s32 $0x1C;
	v38 =	vshrl.u32 v9, $0x3;
	v56 =	vld [tilespmem:s25+$0xFFFFFCC0];
	[tilespmem:v8+s19+$0x0] =	vst.idx.msk $0xffff, v0;
	v8 =	vmov s28;
	s28 =	simm.s32 $0x15;
	v58 =	vor.u32 v15, v46  }
0x167: {  	s31 =	simm.s32 $0x12;
	s29 =	simm.s32 $0x1A;
	v51 =	vmov s30;
	v10 =	vmov s28;
	s28 =	simm.s32 $0x17;
	[tilespmem:v3+s19+$0x0] =	vst.idx.msk $0xffff, v2;
	v2 =	vld [tilespmem:s25+$0xFFFFFD40];
	v3 =	vor.u32 v62, v39  }
0x168: {  	v0 =	vmov s31;
	s31 =	simm.s32 $0x18;
	v46 =	vmov s29;
	[tilespmem:v59+s19+$0x0] =	vst.idx.msk $0xffff, v5;
	v52 =	vmov s28;
	s28 =	simm.s32 $0x19  }
0x169: {  	v53 =	vmov s31;
	s31 =	simm.s32 $0x1E;
	v59 =	vld [tilespmem:s25+$0xFFFFFE40];
	v40 =	vshrl.u32 v8, $0x3;
	[tilespmem:v47+s19+$0x0] =	vst.idx.msk $0xffff, v54;
	v45 =	vmov s28;
	s28 =	simm.s32 $0x1B  }
0x16a: {  	v43 =	vld [tilespmem:s25+$0xFFFFFEC0];
	v54 =	vshll.u32 v11, v1;
	v49 =	vmov s31;
	v50 =	vmov s28;
	s28 =	simm.s32 $0x1D;
	[tilespmem:v32+s19+$0x0] =	vst.idx.msk $0xffff, v6  }
0x16b: {  	v41 =	vshrl.u32 v10, $0x3;
	v48 =	vmov s28;
	[tilespmem:v58+s19+$0x0] =	vst.idx.msk $0xffff, v56;
	v58 =	vld [tilespmem:s25+$0xFFFFFE00];
	v56 =	vshrl.u32 v55, $0x3  }
0x16c: {  	s26 =	simm.s32 $0x20;
	v55 =	vshrl.u32 v0, $0x3;
	v62 =	vor.u32 v23, v42;
	v42 =	vld [tilespmem:s25+$0xFFFFFE80];
	v39 =	vshrl.u32 v4, $0x3;
	s28 =	simm.s32 $0x1F;
	[tilespmem:v3+s19+$0x0] =	vst.idx.msk $0xffff, v2  }
.LBB2_5:
0x16d: {  	v3 =	vld [tilespmem:s25+$0xFFFFFF00]  }
0x16e: {  	v6 =	vld [tilespmem:s25+$0xFFFFFF40]  }
0x16f: {  	v9 =	vld [tilespmem:s25+$0xFFFFFF80]  }
0x170: {  	v27 =	vld [tilespmem:$0x1FF00]  }
0x171: {  	v32 =	vld [tilespmem:$0x1FFA0]  }
0x172: {  	v15 =	vld [tilespmem:$0x1FF50]  }
0x173: {  	[tilespmem:v60+s19+$0x0] =	vst.idx.msk $0xffff, v57;
	v60 =	vld [tilespmem:$0x1FF60]  }
0x174: {  	v57 =	vld [tilespmem:$0x1FF40]  }
0x175: {  	v23 =	vld [tilespmem:$0x1FFE0]  }
0x176: {  	v19 =	vld [tilespmem:$0x1FFB0]  }
0x177: {  	v0 =	vshrl.u32 v52, $0x3;
	v2 =	vmov s28;
	[tilespmem:v61+s19+$0x0] =	vst.idx.msk $0xffff, v58;
	v61 =	vld [tilespmem:$0x1FF80]  }
0x178: {  	v2 =	vshrl.u32 v2, $0x3;
	[tilespmem:v62+s19+$0x0] =	vst.idx.msk $0xffff, v59;
	v59 =	vor.u32 v27, v37;
	v37 =	vld [tilespmem:s25+$0xFFFFFC40];
	v4 =	vor.u32 v60, v34  }
0x179: {  	v5 =	vshrl.u32 v53, $0x3;
	v2 =	vshll.u32 v2, v1;
	[tilespmem:v63+s19+$0x0] =	vst.idx.msk $0xffff, v42;
	v7 =	vor.u32 v57, v35;
	v34 =	vld [tilespmem:s25+$0xFFFFFFC0];
	s25 =	sadd.s32 $0x400, s25  }
0x17a: {  	v11 =	vshrl.u32 v46, $0x3;
	v2 =	vbroadcast v2, $0x0;
	[tilespmem:v44+s19+$0x0] =	vst.idx.msk $0xffff, v43;
	v63 =	vshll.u32 v55, v1;
	v43 =	vld [tilespmem:s25+$0xFFFFFFD0]  }
0x17b: {  	v62 =	vshll.u32 v56, v1;
	v42 =	vor.u32 v32, v33;
	v46 =	vbroadcast v63, $0x0;
	v56 =	vld [tilespmem:s25+$0xFFFFFC90]  }
0x17c: {  	v39 =	vshll.u32 v39, v1;
	v0 =	vshll.u32 v0, v1;
	v52 =	vor.u32 v15, v2;
	v63 =	vld [tilespmem:s25+$0xFFFFFD10]  }
0x17d: {  	v55 =	vshll.u32 v38, v1;
	v33 =	vbroadcast v54, $0x0;
	v58 =	vor.u32 v20, v46;
	[tilespmem:v4+s19+$0x0] =	vst.idx.msk $0xffff, v3;
	v3 =	vld [tilespmem:s25+$0xFFFFFC10]  }
0x17e: {  	v8 =	vshrl.u32 v45, $0x3;
	v54 =	vshll.u32 v40, v1;
	v10 =	vor.u32 v61, v36;
	[tilespmem:v7+s19+$0x0] =	vst.idx.msk $0xffff, v6;
	v6 =	vld [tilespmem:s25+$0xFFFFFC50]  }
0x17f: {  	v45 =	vbroadcast v62, $0x0;
	v40 =	vbroadcast v54, $0x0;
	v53 =	vor.u32 v12, v33;
	[tilespmem:v59+s19+$0x0] =	vst.idx.msk $0xffff, v34;
	v59 =	vld [tilespmem:s25+$0xFFFFFCD0]  }
0x180: {  	v38 =	vbroadcast v55, $0x0;
	[tilespmem:v42+s19+$0x0] =	vst.idx.msk $0xffff, v37;
	v42 =	vbroadcast v0, $0x0;
	v0 =	vshll.u32 v5, v1;
	v5 =	vld [tilespmem:s25+$0xFFFFFD90]  }
0x181: {  	v62 =	vor.u32 v24, v40;
	[tilespmem:v52+s19+$0x0] =	vst.idx.msk $0xffff, v43;
	v43 =	vbroadcast v0, $0x0;
	v0 =	vshll.u32 v8, v1;
	v8 =	vld [tilespmem:s25+$0xFFFFFDD0]  }
0x182: {  	v39 =	vbroadcast v39, $0x0;
	v47 =	vor.u32 v28, v38;
	[tilespmem:v58+s19+$0x0] =	vst.idx.msk $0xffff, v56;
	v58 =	vld [tilespmem:s25+$0xFFFFFE10]  }
0x183: {  	v7 =	vor.u32 v16, v45;
	[tilespmem:v10+s19+$0x0] =	vst.idx.msk $0xffff, v9;
	v56 =	vor.u32 v15, v42;
	v15 =	vld [tilespmem:$0x1FF30]  }
0x184: {  	v41 =	vshll.u32 v41, v1;
	v49 =	vshrl.u32 v49, $0x3;
	v9 =	vor.u32 v19, v39;
	[tilespmem:v53+s19+$0x0] =	vst.idx.msk $0xffff, v3;
	v53 =	vld [tilespmem:$0x1FF10]  }
0x185: {  	v36 =	vshrl.u32 v50, $0x3;
	v44 =	vbroadcast v0, $0x0;
	v0 =	vshrl.u32 v48, $0x3;
	v48 =	vld [tilespmem:$0x1FFF0]  }
0x186: {  	v41 =	vbroadcast v41, $0x0;
	v36 =	vshll.u32 v36, v1;
	v3 =	vld [tilespmem:s25+$0xFFFFFFE0];
	[tilespmem:v62+s19+$0x0] =	vst.idx.msk $0xffff, v59;
	v59 =	vor.u32 v12, v43  }
0x187: {  	v11 =	vshll.u32 v11, v1;
	v34 =	vbroadcast v36, $0x0;
	[tilespmem:v47+s19+$0x0] =	vst.idx.msk $0xffff, v63;
	v63 =	vor.u32 v16, v44;
	v62 =	vld [tilespmem:s25+$0xFFFFFE50]  }
0x188: {  	v47 =	vbroadcast v11, $0x0;
	v0 =	vshll.u32 v0, v1;
	[tilespmem:v7+s19+$0x0] =	vst.idx.msk $0xffff, v6;
	v6 =	vld [tilespmem:s25+$0xFFFFFD50];
	v7 =	vor.u32 v23, v41  }
0x189: {  	v36 =	vbroadcast v0, $0x0;
	v0 =	vshll.u32 v49, v1;
	[tilespmem:v9+s19+$0x0] =	vst.idx.msk $0xffff, v5;
	v5 =	vld [tilespmem:s25+$0xFFFFFE90];
	v4 =	vor.u32 v53, v2  }
0x18a: {  	v54 =	vor.u32 v20, v47;
	v37 =	vbroadcast v0, $0x0;
	v0 =	vld [tilespmem:s25+$0xFFFFFF50];
	[tilespmem:v56+s19+$0x0] =	vst.idx.msk $0xffff, v8  }
0x18b: {  	v52 =	vld [tilespmem:s25+$0xFFFFFC60];
	[tilespmem:v59+s19+$0x0] =	vst.idx.msk $0xffff, v58;
	v59 =	vor.u32 v23, v36  }
0x18c: {  	[tilespmem:v63+s19+$0x0] =	vst.idx.msk $0xffff, v62;
	v62 =	vld [tilespmem:s25+$0xFFFFFF90];
	v63 =	vor.u32 v19, v37  }
0x18d: {  	v50 =	vshrl.u32 v51, $0x3;
	v56 =	vld [tilespmem:s25+$0xFFFFFF10];
	[tilespmem:v7+s19+$0x0] =	vst.idx.msk $0xffff, v6  }
0x18e: {  	[tilespmem:v4+s19+$0x0] =	vst.idx.msk $0xffff, v3;
	v3 =	vshll.u32 v50, v1;
	v50 =	vld [tilespmem:$0x1FF20]  }
0x18f: {  	[tilespmem:v54+s19+$0x0] =	vst.idx.msk $0xffff, v5;
	v54 =	vor.u32 v17, v45;
	v19 =	vld [tilespmem:$0x1FFC0]  }
0x190: {  	[tilespmem:v59+s19+$0x0] =	vst.idx.msk $0xffff, v0;
	v0 =	vld [tilespmem:s25+$0xFFFFFD20];
	v59 =	vor.u32 v29, v38  }
0x191: {  	[tilespmem:v63+s19+$0x0] =	vst.idx.msk $0xffff, v62;
	v62 =	vld [tilespmem:s25+$0xFFFFFD60];
	v63 =	vor.u32 v31, v41  }
0x192: {  	v55 =	vor.u32 v24, v34;
	v35 =	vbroadcast v3, $0x0;
	v3 =	vld [tilespmem:s25+$0xFFFFFED0]  }
0x193: {  	v4 =	vld [tilespmem:s25+$0xFFFFFFF0];
	v6 =	vor.u32 v50, v2  }
0x194: {  	v23 =	vld [tilespmem:$0x1FF90];
	[tilespmem:v54+s19+$0x0] =	vst.idx.msk $0xffff, v52  }
0x195: {  	v51 =	vor.u32 v53, v42;
	v53 =	vor.u32 v13, v43;
	v52 =	vld [tilespmem:s25+$0xFFFFFE20];
	[tilespmem:v59+s19+$0x0] =	vst.idx.msk $0xffff, v0  }
0x196: {  	v0 =	vld [tilespmem:s25+$0xFFFFFE60];
	[tilespmem:v63+s19+$0x0] =	vst.idx.msk $0xffff, v62  }
0x197: {  	v58 =	vor.u32 v28, v35;
	v62 =	vld [tilespmem:s25+$0xFFFFFF60];
	[tilespmem:v55+s19+$0x0] =	vst.idx.msk $0xffff, v3  }
0x198: {  	v3 =	vld [tilespmem:s25+$0xFFFFFCA0];
	v55 =	vor.u32 v21, v46;
	[tilespmem:v6+s19+$0x0] =	vst.idx.msk $0xffff, v4  }
0x199: {  	v2 =	vor.u32 v15, v2;
	v4 =	vld [tilespmem:s25+$0x0]  }
0x19a: {  	v54 =	vor.u32 v17, v44;
	[tilespmem:v53+s19+$0x0] =	vst.idx.msk $0xffff, v52;
	v53 =	vld [tilespmem:s25+$0xFFFFFC20]  }
0x19b: {  	v49 =	vor.u32 v19, v39;
	v63 =	vor.u32 v31, v36;
	v52 =	vor.u32 v19, v37;
	v19 =	vld [tilespmem:$0x1FFD0]  }
0x19c: {  	[tilespmem:v58+s19+$0x0] =	vst.idx.msk $0xffff, v56;
	v56 =	vld [tilespmem:s25+$0xFFFFFCE0];
	v58 =	vor.u32 v25, v40  }
0x19d: {  	[tilespmem:v55+s19+$0x0] =	vst.idx.msk $0xffff, v3;
	v3 =	vld [tilespmem:s25+$0xFFFFFDE0]  }
0x19e: {  	[tilespmem:v2+s19+$0x0] =	vst.idx.msk $0xffff, v4;
	v2 =	vld [tilespmem:s25+$0xFFFFFDA0]  }
0x19f: {  	[tilespmem:v54+s19+$0x0] =	vst.idx.msk $0xffff, v0;
	v0 =	vld [tilespmem:s25+$0xFFFFFFA0]  }
0x1a0: {  	v54 =	vor.u32 v13, v33;
	[tilespmem:v63+s19+$0x0] =	vst.idx.msk $0xffff, v62;
	v62 =	vld [tilespmem:s25+$0xFFFFFD30]  }
0x1a1: {  	v55 =	vld [tilespmem:s25+$0xFFFFFEA0];
	[tilespmem:v58+s19+$0x0] =	vst.idx.msk $0xffff, v56;
	v56 =	vor.u32 v21, v47  }
0x1a2: {  	v59 =	vor.u32 v29, v35;
	[tilespmem:v51+s19+$0x0] =	vst.idx.msk $0xffff, v3;
	v3 =	vld [tilespmem:s25+$0xFFFFFF20]  }
0x1a3: {  	v58 =	vor.u32 v25, v34;
	[tilespmem:v49+s19+$0x0] =	vst.idx.msk $0xffff, v2;
	v2 =	vld [tilespmem:s25+$0xFFFFFEE0]  }
0x1a4: {  	v63 =	vor.u32 v30, v38;
	[tilespmem:v52+s19+$0x0] =	vst.idx.msk $0xffff, v0;
	v0 =	vld [tilespmem:s25+$0xFFFFFD70]  }
0x1a5: {  	v7 =	vor.u32 v19, v37;
	[tilespmem:v54+s19+$0x0] =	vst.idx.msk $0xffff, v53;
	v6 =	vld [tilespmem:s25+$0xFFFFFFB0]  }
0x1a6: {  	[tilespmem:v56+s19+$0x0] =	vst.idx.msk $0xffff, v55;
	v55 =	vld [tilespmem:s25+$0xFFFFFC70];
	v56 =	vor.u32 v18, v45  }
0x1a7: {  	[tilespmem:v59+s19+$0x0] =	vst.idx.msk $0xffff, v3;
	v3 =	vld [tilespmem:s25+$0xFFFFFCF0];
	v59 =	vor.u32 v26, v40  }
0x1a8: {  	[tilespmem:v58+s19+$0x0] =	vst.idx.msk $0xffff, v2;
	v2 =	vld [tilespmem:s25+$0xFFFFFCB0];
	v58 =	vor.u32 v22, v46  }
0x1a9: {  	v52 =	vor.u32 v19, v39;
	[tilespmem:v63+s19+$0x0] =	vst.idx.msk $0xffff, v62;
	v19 =	vld [tilespmem:$0x1FF70];
	v49 =	vor.u32 v48, v41  }
0x1aa: {  	[tilespmem:v7+s19+$0x0] =	vst.idx.msk $0xffff, v6;
	v51 =	vld [tilespmem:s25+$0xFFFFFDB0]  }
0x1ab: {  	[tilespmem:v56+s19+$0x0] =	vst.idx.msk $0xffff, v55;
	v55 =	vld [tilespmem:s25+$0xFFFFFE70];
	v56 =	vor.u32 v18, v44  }
0x1ac: {  	v54 =	vor.u32 v14, v43;
	[tilespmem:v59+s19+$0x0] =	vst.idx.msk $0xffff, v3;
	v3 =	vld [tilespmem:s25+$0xFFFFFE30]  }
0x1ad: {  	v53 =	vor.u32 v50, v42;
	[tilespmem:v58+s19+$0x0] =	vst.idx.msk $0xffff, v2;
	v2 =	vld [tilespmem:s25+$0xFFFFFDF0]  }
0x1ae: {  	v63 =	vor.u32 v23, v45;
	v62 =	vld [tilespmem:s25+$0xFFFFFC80];
	[tilespmem:v49+s19+$0x0] =	vst.idx.msk $0xffff, v0  }
0x1af: {  	v10 =	vor.u32 v26, v34;
	[tilespmem:v52+s19+$0x0] =	vst.idx.msk $0xffff, v51;
	v9 =	vld [tilespmem:s25+$0xFFFFFEF0]  }
0x1b0: {  	v0 =	vld [tilespmem:s25+$0xFFFFFEB0];
	[tilespmem:v56+s19+$0x0] =	vst.idx.msk $0xffff, v55;
	v58 =	vor.u32 v22, v47  }
0x1b1: {  	s29 =	sadd.s32 $0x3, s26;
	v5 =	vor.u32 v48, v36;
	v4 =	vor.u32 v30, v35;
	[tilespmem:v54+s19+$0x0] =	vst.idx.msk $0xffff, v3;
	v3 =	vld [tilespmem:s25+$0xFFFFFF70]  }
0x1b2: {  	v8 =	vmov s29;
	v40 =	vor.u32 v60, v40;
	v7 =	vor.u32 v61, v41;
	[tilespmem:v53+s19+$0x0] =	vst.idx.msk $0xffff, v2;
	v2 =	vld [tilespmem:s25+$0xFFFFFF30]  }
0x1b3: {  	s30 =	sadd.s32 $0x7, s26;
	v48 =	vld [tilespmem:s25+$0xFFFFFC30];
	v60 =	vor.u32 v27, v39;
	v59 =	vmov s26;
	v49 =	vor.u32 v14, v33;
	[tilespmem:v63+s19+$0x0] =	vst.idx.msk $0xffff, v62  }
0x1b4: {  	s28 =	sadd.s32 $0x1, s26;
	v61 =	vor.u32 v15, v42;
	v11 =	vshrl.u32 v59, $0x3;
	v52 =	vmov s30;
	s30 =	sadd.s32 $0xB, s26;
	v6 =	vld [tilespmem:s25+$0xFFFFFD80];
	[tilespmem:v10+s19+$0x0] =	vst.idx.msk $0xffff, v9  }
0x1b5: {  	v59 =	vor.u32 v19, v46;
	v55 =	vmov s28;
	s28 =	sadd.s32 $0x2, s26;
	v50 =	vmov s30;
	[tilespmem:v58+s19+$0x0] =	vst.idx.msk $0xffff, v0;
	v58 =	vld [tilespmem:s25+$0xFFFFFCC0]  }
0x1b6: {  	v56 =	vshrl.u32 v55, $0x3;
	v0 =	vmov s28;
	s28 =	sadd.s32 $0x4, s26;
	[tilespmem:v5+s19+$0x0] =	vst.idx.msk $0xffff, v3;
	v3 =	vld [tilespmem:s25+$0xFFFFFD40];
	v5 =	vor.u32 v57, v38  }
0x1b7: {  	p0 =	slt.u32 s26, $0xF0;
	s31 =	sadd.s32 $0x5, s26;
	v62 =	vor.u32 v32, v43;
	v63 =	vor.u32 v23, v44;
	v9 =	vmov s28;
	s28 =	sadd.s32 $0x6, s26;
	[tilespmem:v4+s19+$0x0] =	vst.idx.msk $0xffff, v2;
	v4 =	vld [tilespmem:s25+$0xFFFFFD00]  }
.Ltmp1:
0x1b8: {  	v42 =	vld [tilespmem:s25+$0xFFFFFE80];
	v44 =	vor.u32 v19, v47;
	[tilespmem:v49+s19+$0x0] =	vst.idx.msk $0xffff, v48;
	v10 =	vmov s31;
	s31 =	sadd.s32 $0x9, s26;
	v2 =	vmov s28;
	s28 =	sadd.s32 $0x8, s26;
	(pc) =	sbr.rel @p0 .LBB2_5-.Ltmp1, $4  }
0x1b9: {  	v54 =	vshll.u32 v11, v1;
	[tilespmem:v7+s19+$0x0] =	vst.idx.msk $0xffff, v6;
	v45 =	vmov s31;
	s31 =	sadd.s32 $0xD, s26;
	v57 =	vld [tilespmem:s25+$0xFFFFFDC0];
	v53 =	vmov s28;
	s28 =	sadd.s32 $0xA, s26  }
0x1ba: {  	v41 =	vshrl.u32 v10, $0x3;
	v48 =	vmov s31;
	v43 =	vld [tilespmem:s25+$0xFFFFFEC0];
	[tilespmem:v59+s19+$0x0] =	vst.idx.msk $0xffff, v58;
	v46 =	vmov s28;
	s28 =	sadd.s32 $0xC, s26  }
0x1bb: {  	v55 =	vshrl.u32 v0, $0x3;
	v38 =	vshrl.u32 v9, $0x3;
	v58 =	vld [tilespmem:s25+$0xFFFFFE00];
	[tilespmem:v5+s19+$0x0] =	vst.idx.msk $0xffff, v3;
	v51 =	vmov s28;
	s28 =	sadd.s32 $0xE, s26  }
0x1bc: {  	v59 =	vld [tilespmem:s25+$0xFFFFFE40];
	v39 =	vshrl.u32 v2, $0x3;
	v49 =	vmov s28;
	s28 =	sadd.s32 $0xF, s26;
	s26 =	sadd.s32 $0x10, s26;
	[tilespmem:v40+s19+$0x0] =	vst.idx.msk $0xffff, v4;
	v40 =	vshrl.u32 v8, $0x3  }
0x1bd: {  	_ =	sdelay $0x3  }
0x1be: {  	v3 =	vld [tilespmem:s25+$0xFFFFFF00];
	[tilespmem:v60+s19+$0x0] =	vst.idx.msk $0xffff, v57  }
0x1bf: {  	v60 =	vld [tilespmem:$0x1FF60];
	[tilespmem:v61+s19+$0x0] =	vst.idx.msk $0xffff, v58  }
0x1c0: {  	v57 =	vld [tilespmem:$0x1FF40];
	[tilespmem:v62+s19+$0x0] =	vst.idx.msk $0xffff, v59  }
0x1c1: {  	v61 =	vld [tilespmem:$0x1FF80];
	[tilespmem:v63+s19+$0x0] =	vst.idx.msk $0xffff, v42  }
0x1c2: {  	v27 =	vld [tilespmem:$0x1FF00]  }
0x1c3: {  	v23 =	vld [tilespmem:$0x1FFA0];
	[tilespmem:v44+s19+$0x0] =	vst.idx.msk $0xffff, v43  }
0x1c4: {  	v2 =	vmov s28;
	v4 =	vor.u32 v60, v34;
	v58 =	vld [tilespmem:$0x1FF50]  }
0x1c5: {  	v6 =	vld [tilespmem:s25+$0xFFFFFF40];
	v2 =	vshrl.u32 v2, $0x3;
	v7 =	vor.u32 v57, v35  }
0x1c6: {  	v0 =	vshrl.u32 v52, $0x3;
	v9 =	vld [tilespmem:s25+$0xFFFFFF80];
	v2 =	vshll.u32 v2, v1;
	v10 =	vor.u32 v61, v36  }
0x1c7: {  	v11 =	vshrl.u32 v46, $0x3;
	v2 =	vbroadcast v2, $0x0;
	v42 =	vld [tilespmem:s25+$0xFFFFFFC0];
	v52 =	vor.u32 v27, v37  }
0x1c8: {  	v46 =	vld [tilespmem:s25+$0xFFFFFC40];
	s29 =	sadd.s32 $0x400, s25;
	v34 =	vbroadcast v54, $0x0;
	v54 =	vshll.u32 v56, v1;
	v47 =	vor.u32 v23, v33  }
0x1c9: {  	v43 =	vld [tilespmem:s29+$0xFFFFFFD0];
	v33 =	vbroadcast v54, $0x0;
	v62 =	vor.u32 v58, v2;
	[tilespmem:v4+s19+$0x0] =	vst.idx.msk $0xffff, v3  }
0x1ca: {  	v63 =	vor.u32 v12, v34;
	v3 =	vld [tilespmem:s29+$0xFFFFFC10];
	[tilespmem:v7+s19+$0x0] =	vst.idx.msk $0xffff, v6  }
0x1cb: {  	v6 =	vld [tilespmem:s29+$0xFFFFFC50];
	v7 =	vor.u32 v16, v33;
	[tilespmem:v10+s19+$0x0] =	vst.idx.msk $0xffff, v9  }
0x1cc: {  	[tilespmem:v52+s19+$0x0] =	vst.idx.msk $0xffff, v42  }
0x1cd: {  	v55 =	vshll.u32 v55, v1;
	[tilespmem:v47+s19+$0x0] =	vst.idx.msk $0xffff, v46  }
0x1ce: {  	v35 =	vbroadcast v55, $0x0;
	[tilespmem:v62+s19+$0x0] =	vst.idx.msk $0xffff, v43  }
0x1cf: {  	v5 =	vshrl.u32 v53, $0x3;
	v54 =	vshll.u32 v38, v1;
	v9 =	vld [tilespmem:s29+$0xFFFFFC90];
	[tilespmem:v63+s19+$0x0] =	vst.idx.msk $0xffff, v3  }
0x1d0: {  	v53 =	vshll.u32 v40, v1;
	v37 =	vbroadcast v54, $0x0;
	v10 =	vor.u32 v20, v35;
	v54 =	vld [tilespmem:$0x1FF10];
	[tilespmem:v7+s19+$0x0] =	vst.idx.msk $0xffff, v6  }
0x1d1: {  	v36 =	vbroadcast v53, $0x0;
	v62 =	vld [tilespmem:$0x1FFE0]  }
0x1d2: {  	v42 =	vld [tilespmem:s29+$0xFFFFFCD0]  }
0x1d3: {  	v8 =	vshrl.u32 v45, $0x3;
	v55 =	vshll.u32 v41, v1;
	v45 =	vor.u32 v24, v36;
	v46 =	vld [tilespmem:s29+$0xFFFFFD10]  }
0x1d4: {  	v38 =	vbroadcast v55, $0x0;
	v47 =	vor.u32 v28, v37;
	v3 =	vld [tilespmem:s29+$0xFFFFFFE0]  }
0x1d5: {  	v6 =	vld [tilespmem:s29+$0xFFFFFD50];
	[tilespmem:v10+s19+$0x0] =	vst.idx.msk $0xffff, v9;
	v56 =	vor.u32 v54, v2  }
0x1d6: {  	v32 =	vld [tilespmem:$0x1FFB0];
	v7 =	vor.u32 v62, v38;
	_ =	sdelay $0x1  }
0x1d7: {  	v39 =	vshll.u32 v39, v1;
	[tilespmem:v45+s19+$0x0] =	vst.idx.msk $0xffff, v42  }
0x1d8: {  	v39 =	vbroadcast v39, $0x0;
	[tilespmem:v47+s19+$0x0] =	vst.idx.msk $0xffff, v46  }
0x1d9: {  	v0 =	vshll.u32 v0, v1;
	[tilespmem:v56+s19+$0x0] =	vst.idx.msk $0xffff, v3  }
0x1da: {  	v40 =	vbroadcast v0, $0x0;
	v0 =	vshll.u32 v5, v1;
	v59 =	vld [tilespmem:s29+$0xFFFFFD90];
	v9 =	vor.u32 v32, v39;
	[tilespmem:v7+s19+$0x0] =	vst.idx.msk $0xffff, v6  }
0x1db: {  	v41 =	vbroadcast v0, $0x0;
	v0 =	vshll.u32 v8, v1;
	v55 =	vld [tilespmem:$0x1FF20]  }
0x1dc: {  	v11 =	vshll.u32 v11, v1;
	v8 =	vld [tilespmem:s29+$0xFFFFFDD0];
	v10 =	vor.u32 v58, v40;
	v42 =	vbroadcast v0, $0x0  }
0x1dd: {  	v43 =	vbroadcast v11, $0x0;
	v0 =	vshrl.u32 v48, $0x3;
	v47 =	vld [tilespmem:s29+$0xFFFFFE10];
	v48 =	vor.u32 v12, v41  }
0x1de: {  	v52 =	vld [tilespmem:s29+$0xFFFFFE50];
	v63 =	vor.u32 v16, v42  }
0x1df: {  	v7 =	vor.u32 v20, v43;
	[tilespmem:v9+s19+$0x0] =	vst.idx.msk $0xffff, v59;
	v59 =	vld [tilespmem:s29+$0xFFFFFE90]  }
0x1e0: {  	v4 =	vld [tilespmem:s29+$0xFFFFFFF0];
	v6 =	vor.u32 v55, v2  }
0x1e1: {  	[tilespmem:v10+s19+$0x0] =	vst.idx.msk $0xffff, v8  }
0x1e2: {  	v50 =	vshrl.u32 v50, $0x3;
	[tilespmem:v48+s19+$0x0] =	vst.idx.msk $0xffff, v47  }
0x1e3: {  	v51 =	vshrl.u32 v51, $0x3;
	v11 =	vshll.u32 v50, v1;
	[tilespmem:v63+s19+$0x0] =	vst.idx.msk $0xffff, v52  }
0x1e4: {  	v44 =	vbroadcast v11, $0x0;
	v3 =	vshll.u32 v51, v1;
	[tilespmem:v7+s19+$0x0] =	vst.idx.msk $0xffff, v59  }
0x1e5: {  	v49 =	vshrl.u32 v49, $0x3;
	v0 =	vshll.u32 v0, v1;
	v45 =	vbroadcast v3, $0x0;
	v3 =	vld [tilespmem:s29+$0xFFFFFED0];
	[tilespmem:v6+s19+$0x0] =	vst.idx.msk $0xffff, v4  }
0x1e6: {  	v46 =	vbroadcast v0, $0x0;
	v0 =	vshll.u32 v49, v1;
	v8 =	vor.u32 v24, v44;
	v56 =	vld [tilespmem:$0x1FF30]  }
0x1e7: {  	v9 =	vld [tilespmem:s29+$0xFFFFFF10];
	v10 =	vor.u32 v28, v45;
	v47 =	vbroadcast v0, $0x0  }
0x1e8: {  	v11 =	vor.u32 v62, v46;
	v0 =	vld [tilespmem:s29+$0xFFFFFF50]  }
0x1e9: {  	v63 =	vld [tilespmem:s29+$0xFFFFFF90];
	v52 =	vor.u32 v32, v47  }
0x1ea: {  	v53 =	vld [tilespmem:s29+$0xFFFFFC60];
	v6 =	vor.u32 v17, v33  }
0x1eb: {  	v4 =	vld [tilespmem:s29+$0x0];
	[tilespmem:v8+s19+$0x0] =	vst.idx.msk $0xffff, v3;
	v2 =	vor.u32 v56, v2  }
0x1ec: {  	[tilespmem:v10+s19+$0x0] =	vst.idx.msk $0xffff, v9  }
0x1ed: {  	v7 =	vor.u32 v21, v35;
	v3 =	vld [tilespmem:s29+$0xFFFFFCA0];
	[tilespmem:v11+s19+$0x0] =	vst.idx.msk $0xffff, v0  }
0x1ee: {  	v8 =	vld [tilespmem:s29+$0xFFFFFCE0];
	v9 =	vor.u32 v25, v36;
	[tilespmem:v52+s19+$0x0] =	vst.idx.msk $0xffff, v63  }
0x1ef: {  	v0 =	vld [tilespmem:s29+$0xFFFFFD20];
	v10 =	vor.u32 v29, v37;
	[tilespmem:v6+s19+$0x0] =	vst.idx.msk $0xffff, v53  }
0x1f0: {  	[tilespmem:v2+s19+$0x0] =	vst.idx.msk $0xffff, v4  }
0x1f1: {  	v63 =	vld [tilespmem:$0x1FFC0]  }
0x1f2: {  	v59 =	vor.u32 v31, v38;
	v11 =	vld [tilespmem:s29+$0xFFFFFD60];
	[tilespmem:v7+s19+$0x0] =	vst.idx.msk $0xffff, v3  }
0x1f3: {  	v6 =	vld [tilespmem:s29+$0xFFFFFE20];
	[tilespmem:v9+s19+$0x0] =	vst.idx.msk $0xffff, v8;
	v7 =	vor.u32 v13, v41  }
0x1f4: {  	[tilespmem:v10+s19+$0x0] =	vst.idx.msk $0xffff, v0;
	v0 =	vld [tilespmem:s29+$0xFFFFFE60];
	v8 =	vor.u32 v17, v42  }
0x1f5: {  	v53 =	vor.u32 v54, v40;
	v3 =	vld [tilespmem:s29+$0xFFFFFDE0]  }
0x1f6: {  	v2 =	vld [tilespmem:s29+$0xFFFFFDA0];
	v52 =	vor.u32 v63, v39  }
0x1f7: {  	[tilespmem:v59+s19+$0x0] =	vst.idx.msk $0xffff, v11;
	v9 =	vld [tilespmem:s29+$0xFFFFFEA0];
	v10 =	vor.u32 v21, v43  }
0x1f8: {  	[tilespmem:v7+s19+$0x0] =	vst.idx.msk $0xffff, v6;
	v6 =	vld [tilespmem:s29+$0xFFFFFF60];
	v7 =	vor.u32 v31, v46  }
0x1f9: {  	[tilespmem:v8+s19+$0x0] =	vst.idx.msk $0xffff, v0;
	v0 =	vld [tilespmem:s29+$0xFFFFFFA0];
	v8 =	vor.u32 v63, v47  }
0x1fa: {  	v11 =	vld [tilespmem:s29+$0xFFFFFC20];
	[tilespmem:v53+s19+$0x0] =	vst.idx.msk $0xffff, v3;
	v53 =	vor.u32 v13, v34  }
0x1fb: {  	v59 =	vor.u32 v25, v44;
	[tilespmem:v52+s19+$0x0] =	vst.idx.msk $0xffff, v2;
	v2 =	vld [tilespmem:s29+$0xFFFFFEE0]  }
0x1fc: {  	v3 =	vld [tilespmem:s29+$0xFFFFFF20];
	[tilespmem:v10+s19+$0x0] =	vst.idx.msk $0xffff, v9;
	v52 =	vor.u32 v29, v45  }
0x1fd: {  	v9 =	vld [tilespmem:s29+$0xFFFFFC70];
	v10 =	vor.u32 v18, v33;
	[tilespmem:v7+s19+$0x0] =	vst.idx.msk $0xffff, v6  }
0x1fe: {  	[tilespmem:v8+s19+$0x0] =	vst.idx.msk $0xffff, v0  }
0x1ff: {  	[tilespmem:v53+s19+$0x0] =	vst.idx.msk $0xffff, v11  }
0x200: {  	[tilespmem:v59+s19+$0x0] =	vst.idx.msk $0xffff, v2  }
0x201: {  	[tilespmem:v52+s19+$0x0] =	vst.idx.msk $0xffff, v3  }
0x202: {  	v51 =	vld [tilespmem:$0x1FFF0];
	[tilespmem:v10+s19+$0x0] =	vst.idx.msk $0xffff, v9  }
0x203: {  	v15 =	vld [tilespmem:$0x1FFD0]  }
0x204: {  	v6 =	vld [tilespmem:s29+$0xFFFFFD30];
	v7 =	vor.u32 v30, v37  }
0x205: {  	v4 =	vor.u32 v22, v35;
	v2 =	vld [tilespmem:s29+$0xFFFFFCB0]  }
0x206: {  	v3 =	vld [tilespmem:s29+$0xFFFFFCF0];
	v59 =	vor.u32 v26, v36  }
0x207: {  	v0 =	vld [tilespmem:s29+$0xFFFFFD70];
	v8 =	vor.u32 v51, v38  }
0x208: {  	v9 =	vld [tilespmem:s29+$0xFFFFFDB0];
	v10 =	vor.u32 v15, v39  }
0x209: {  	[tilespmem:v7+s19+$0x0] =	vst.idx.msk $0xffff, v6;
	v6 =	vld [tilespmem:s29+$0xFFFFFE70];
	v7 =	vor.u32 v18, v42  }
0x20a: {  	v49 =	vor.u32 v55, v40;
	[tilespmem:v4+s19+$0x0] =	vst.idx.msk $0xffff, v2;
	v2 =	vld [tilespmem:s29+$0xFFFFFDF0]  }
0x20b: {  	v50 =	vor.u32 v14, v41;
	[tilespmem:v59+s19+$0x0] =	vst.idx.msk $0xffff, v3;
	v3 =	vld [tilespmem:s29+$0xFFFFFE30]  }
0x20c: {  	[tilespmem:v8+s19+$0x0] =	vst.idx.msk $0xffff, v0;
	v0 =	vld [tilespmem:s29+$0xFFFFFEB0];
	v8 =	vor.u32 v22, v43  }
0x20d: {  	[tilespmem:v10+s19+$0x0] =	vst.idx.msk $0xffff, v9;
	v9 =	vld [tilespmem:s29+$0xFFFFFEF0];
	v10 =	vor.u32 v26, v44  }
0x20e: {  	v11 =	vld [tilespmem:s29+$0xFFFFFC30];
	[tilespmem:v7+s19+$0x0] =	vst.idx.msk $0xffff, v6  }
0x20f: {  	v4 =	vor.u32 v30, v45;
	[tilespmem:v49+s19+$0x0] =	vst.idx.msk $0xffff, v2;
	v2 =	vld [tilespmem:s29+$0xFFFFFF30]  }
0x210: {  	v52 =	vor.u32 v51, v46;
	[tilespmem:v50+s19+$0x0] =	vst.idx.msk $0xffff, v3;
	v3 =	vld [tilespmem:s29+$0xFFFFFF70]  }
0x211: {  	v6 =	vld [tilespmem:s29+$0xFFFFFFB0];
	v7 =	vor.u32 v15, v47;
	[tilespmem:v8+s19+$0x0] =	vst.idx.msk $0xffff, v0  }
0x212: {  	v19 =	vld [tilespmem:$0x1FF90];
	[tilespmem:v10+s19+$0x0] =	vst.idx.msk $0xffff, v9  }
0x213: {  	v53 =	vor.u32 v14, v34;
	v59 =	vld [tilespmem:$0x1FF70]  }
0x214: {  	v36 =	vor.u32 v60, v36;
	[tilespmem:v4+s19+$0x0] =	vst.idx.msk $0xffff, v2;
	v2 =	vld [tilespmem:s29+$0xFFFFFD00]  }
0x215: {  	v37 =	vor.u32 v57, v37;
	[tilespmem:v52+s19+$0x0] =	vst.idx.msk $0xffff, v3;
	v3 =	vld [tilespmem:s29+$0xFFFFFD40]  }
0x216: {  	[tilespmem:v7+s19+$0x0] =	vst.idx.msk $0xffff, v6;
	v6 =	vld [tilespmem:s29+$0xFFFFFD80];
	v7 =	vor.u32 v61, v38  }
0x217: {  	v0 =	vld [tilespmem:s29+$0xFFFFFC80];
	v8 =	vor.u32 v19, v33  }
0x218: {  	v9 =	vld [tilespmem:s29+$0xFFFFFCC0];
	[tilespmem:v53+s19+$0x0] =	vst.idx.msk $0xffff, v11;
	v10 =	vor.u32 v59, v35  }
0x219: {  	v53 =	vor.u32 v23, v34;
	v11 =	vld [tilespmem:s29+$0xFFFFFC40];
	[tilespmem:v36+s19+$0x0] =	vst.idx.msk $0xffff, v2  }
0x21a: {  	v48 =	vor.u32 v23, v41;
	v2 =	vld [tilespmem:s29+$0xFFFFFE40];
	[tilespmem:v37+s19+$0x0] =	vst.idx.msk $0xffff, v3  }
0x21b: {  	v49 =	vor.u32 v19, v42;
	v3 =	vld [tilespmem:s29+$0xFFFFFE80];
	[tilespmem:v7+s19+$0x0] =	vst.idx.msk $0xffff, v6  }
0x21c: {  	[tilespmem:v8+s19+$0x0] =	vst.idx.msk $0xffff, v0;
	v0 =	vld [tilespmem:s29+$0xFFFFFDC0];
	v8 =	vor.u32 v27, v39  }
0x21d: {  	[tilespmem:v10+s19+$0x0] =	vst.idx.msk $0xffff, v9;
	v9 =	vld [tilespmem:s29+$0xFFFFFE00];
	v10 =	vor.u32 v56, v40  }
0x21e: {  	v6 =	vld [tilespmem:s29+$0xFFFFFEC0];
	v7 =	vor.u32 v59, v43;
	[tilespmem:v53+s19+$0x0] =	vst.idx.msk $0xffff, v11  }
0x21f: {  	v50 =	vor.u32 v61, v46;
	[tilespmem:v48+s19+$0x0] =	vst.idx.msk $0xffff, v2;
	v2 =	vld [tilespmem:s29+$0xFFFFFF80]  }
0x220: {  	v52 =	vor.u32 v27, v47;
	[tilespmem:v49+s19+$0x0] =	vst.idx.msk $0xffff, v3;
	v3 =	vld [tilespmem:s29+$0xFFFFFFC0]  }
0x221: {  	[tilespmem:v8+s19+$0x0] =	vst.idx.msk $0xffff, v0;
	v0 =	vld [tilespmem:s29+$0xFFFFFF00];
	v8 =	vor.u32 v60, v44  }
0x222: {  	[tilespmem:v10+s19+$0x0] =	vst.idx.msk $0xffff, v9;
	v9 =	vld [tilespmem:s29+$0xFFFFFF40];
	v10 =	vor.u32 v57, v45  }
0x223: {  	[tilespmem:v7+s19+$0x0] =	vst.idx.msk $0xffff, v6  }
0x224: {  	[tilespmem:v50+s19+$0x0] =	vst.idx.msk $0xffff, v2  }
0x225: {  	[tilespmem:v52+s19+$0x0] =	vst.idx.msk $0xffff, v3  }
0x226: {  	s24 =	sadd.s32 s24, s4;
	[tilespmem:v8+s19+$0x0] =	vst.idx.msk $0xffff, v0  }
0x227: {  	s24 =	sadd.s32 $0x20, s24;
	[tilespmem:v10+s19+$0x0] =	vst.idx.msk $0xffff, v9  }
0x228: {  	[hbm4b:s24+s13] =	stream.strided.scatter [tilespmem:s19], [sflag:$0x4], $0x4000, s11, s13, $0x38;
	[tilespmem:$0x16400] =	vst v63  }
0x229: {  	s30 =	sshll.u32 s23, $0x9;
	_ =	swait.ge [sflag:s20], $0x4000  }
0x22a: {  	s23 =	sadd.s32 $0x1, s23;
	s24 =	sand.u32 $0x3FFFFE00, s30;
	[sflag:s20] =	ssyncset.done $0x0  }
0x22b: {  	p0 =	sne.s32 s23, $0x31;
	s31 =	sadd.s32 $0x200, s24;
	[sflag:s20] =	ssyncadd.s32 $0xFFFFC000  }
0x22c: {  	[tilespmem:s14], [sflag:$0x1] =	stream.indirect.gather [hbm4b:s5+s13], $0x40, s31, s13, $0xb8;
	[tilespmem:$0x16400] =	vst v63  }
.Ltmp2:
0x22d: {  	_ = 	snop;
	(pc) =	sbr.rel @p0 .LBB2_2-.Ltmp2, $4  }
0x22e: {  	_ =	swait.ge [sflag:s21], $0x4000  }
0x22f: {  	[sflag:s21] =	ssyncset.done $0x0  }
0x230: {  	v13 =	vmov v62;
	v62 =	vmov v51;
	v8 =	vmov v19;
	s24 =	sadd.s32 $0x300, s24;
	[sflag:s21] =	ssyncadd.s32 $0xFFFFC000  }
0x231: {  	v19 =	vmovc v31;
	v31 =	vmovc v32;
	v32 =	vmov v58;
	v9 =	vmov v23;
	v23 =	vmov v17;
	[tilespmem:s15], [sflag:$0x2] =	stream.indirect.gather [hbm4b:s5+s13], $0x40, s24, s13, $0xb8;
	[tilespmem:$0x16400] =	vst v63  }
0x232: {  	s23 =	simm.s32 $0x0;
	s26 =	simm.s32 $0x1  }
0x233: {  	s28 =	simm.s32 $0x2;
	s24 =	simm.s32 $0x3;
	s25 =	simm.s32 $0x4;
	v0 =	vmov s23;
	v2 =	vmov s26  }
0x234: {  	s29 =	simm.s32 $0x5;
	s30 =	simm.s32 $0x6;
	s31 =	simm.s32 $0x7;
	v3 =	vmov s28;
	v4 =	vmov s24;
	v5 =	vmov s25  }
0x235: {  	v6 =	vmov s29;
	v7 =	vmov s30;
	v51 =	vmov s31;
	s25 =	simm.s32 $0x8;
	s26 =	simm.s32 $0x9  }
0x236: {  	s28 =	simm.s32 $0xA;
	s29 =	simm.s32 $0xB;
	s30 =	simm.s32 $0xC;
	v0 =	vshrl.u32 v0, $0x3;
	v9 =	vmov s25;
	v10 =	vmov s26  }
0x237: {  	s31 =	simm.s32 $0xD;
	v27 =	vmov s28;
	v34 =	vmov s29;
	v35 =	vmov s30  }
0x238: {  	v36 =	vmov s31;
	v2 =	vshrl.u32 v2, $0x3;
	v3 =	vshrl.u32 v3, $0x3  }
0x239: {  	s26 =	simm.s32 $0xF;
	v4 =	vshrl.u32 v4, $0x3;
	v5 =	vshrl.u32 v5, $0x3;
	v6 =	vshrl.u32 v6, $0x3  }
0x23a: {  	v17 =	vmovc v8;
	s25 =	simm.s32 $0xE;
	v7 =	vshrl.u32 v7, $0x3;
	v8 =	vshrl.u32 v51, $0x3;
	v33 =	vmov s26  }
0x23b: {  	v0 =	vshll.u32 v0, v1;
	v37 =	vmov s25;
	v33 =	vshrl.u32 v33, $0x3  }
0x23c: {  	_ =	swait.ge [sflag:s16], $0x4000;
	v9 =	vshrl.u32 v9, $0x3;
	v10 =	vshrl.u32 v10, $0x3;
	v33 =	vshll.u32 v33, v1  }
0x23d: {  	[sflag:s16] =	ssyncset.done $0x0;
	v27 =	vshrl.u32 v27, $0x3;
	v6 =	vshll.u32 v6, v1;
	v48 =	vbroadcast v33, $0x0  }
0x23e: {  	s23 =	simm.s32 $0x6600;
	[sflag:s16] =	ssyncadd.s32 $0xFFFFC000;
	v58 =	vshll.u32 v7, v1;
	v33 =	vbroadcast v0, $0x0;
	v0 =	vshll.u32 v2, v1  }
0x23f: {  	v2 =	vld [tilespmem:s23+$0x1C0];
	v47 =	vbroadcast v0, $0x0;
	v0 =	vshll.u32 v3, v1;
	v3 =	vor.u32 v32, v48  }
0x240: {  	v38 =	vld [tilespmem:s23+$0xFFFFFE00];
	v41 =	vor.u32 v12, v33;
	v46 =	vbroadcast v0, $0x0;
	v0 =	vshll.u32 v4, v1  }
0x241: {  	v4 =	vld [tilespmem:s23+$0xFFFFFE40];
	v42 =	vor.u32 v16, v47;
	v45 =	vbroadcast v0, $0x0;
	v0 =	vshll.u32 v5, v1  }
0x242: {  	v52 =	vld [tilespmem:s23+$0xFFFFFE80];
	v40 =	vbroadcast v6, $0x0;
	v43 =	vor.u32 v20, v46;
	v11 =	vbroadcast v0, $0x0  }
0x243: {  	v53 =	vld [tilespmem:s23+$0xFFFFFEC0];
	v39 =	vbroadcast v58, $0x0;
	v27 =	vshll.u32 v27, v1;
	v44 =	vor.u32 v24, v45  }
0x244: {  	v35 =	vshrl.u32 v35, $0x3;
	v49 =	vld [tilespmem:s23+$0xFFFFFF00];
	v7 =	vor.u32 v13, v40;
	v50 =	vor.u32 v28, v11;
	[tilespmem:v3+s17+$0x0] =	vst.idx.msk $0xffff, v2  }
0x245: {  	v51 =	vshrl.u32 v37, $0x3;
	v5 =	vld [tilespmem:s23+$0xFFFFFF80];
	[tilespmem:v41+s17+$0x0] =	vst.idx.msk $0xffff, v38;
	v2 =	vshll.u32 v8, v1;
	v38 =	vor.u32 v31, v39  }
0x246: {  	v6 =	vor.u32 v54, v48;
	v3 =	vld [tilespmem:s23+$0x1D0];
	[tilespmem:v42+s17+$0x0] =	vst.idx.msk $0xffff, v4;
	v41 =	vbroadcast v2, $0x0;
	v2 =	vshll.u32 v9, v1  }
0x247: {  	v0 =	vshrl.u32 v34, $0x3;
	v4 =	vld [tilespmem:s23+$0xFFFFFF40];
	[tilespmem:v43+s17+$0x0] =	vst.idx.msk $0xffff, v52;
	v42 =	vbroadcast v2, $0x0;
	v2 =	vshll.u32 v10, v1  }
0x248: {  	v0 =	vshll.u32 v0, v1;
	v9 =	vld [tilespmem:s23+$0xFFFFFFC0];
	[tilespmem:v44+s17+$0x0] =	vst.idx.msk $0xffff, v53;
	v10 =	vor.u32 v32, v41;
	v43 =	vbroadcast v2, $0x0  }
0x249: {  	v34 =	vbroadcast v0, $0x0;
	v44 =	vbroadcast v27, $0x0;
	[tilespmem:v50+s17+$0x0] =	vst.idx.msk $0xffff, v49;
	v49 =	vld [tilespmem:s23+$0x0];
	v58 =	vor.u32 v12, v42  }
0x24a: {  	v0 =	vshll.u32 v35, v1;
	v52 =	vld [tilespmem:s23+$0x40];
	v2 =	vshrl.u32 v36, $0x3;
	v53 =	vor.u32 v16, v43;
	[tilespmem:v38+s17+$0x0] =	vst.idx.msk $0xffff, v5  }
0x24b: {  	v36 =	vbroadcast v0, $0x0;
	v0 =	vshll.u32 v2, v1;
	v5 =	vld [tilespmem:s23+$0x80];
	[tilespmem:v6+s17+$0x0] =	vst.idx.msk $0xffff, v3;
	v6 =	vor.u32 v20, v44  }
0x24c: {  	v37 =	vbroadcast v0, $0x0;
	v0 =	vshll.u32 v51, v1;
	[tilespmem:v7+s17+$0x0] =	vst.idx.msk $0xffff, v4;
	v4 =	vor.u32 v55, v48;
	v3 =	vld [tilespmem:s23+$0x1E0]  }
0x24d: {  	v8 =	vld [tilespmem:s23+$0x100];
	v38 =	vor.u32 v28, v36;
	v35 =	vbroadcast v0, $0x0;
	[tilespmem:v10+s17+$0x0] =	vst.idx.msk $0xffff, v9  }
0x24e: {  	v2 =	vld [tilespmem:s23+$0xC0];
	v7 =	vor.u32 v24, v34;
	[tilespmem:v58+s17+$0x0] =	vst.idx.msk $0xffff, v49  }
0x24f: {  	v27 =	vld [tilespmem:s23+$0x180];
	v58 =	vor.u32 v31, v35;
	[tilespmem:v53+s17+$0x0] =	vst.idx.msk $0xffff, v52  }
0x250: {  	v0 =	vld [tilespmem:s23+$0x140];
	v53 =	vor.u32 v13, v37;
	[tilespmem:v6+s17+$0x0] =	vst.idx.msk $0xffff, v5  }
0x251: {  	v32 =	vor.u32 v23, v47;
	v5 =	vld [tilespmem:s23+$0xFFFFFE50];
	[tilespmem:v4+s17+$0x0] =	vst.idx.msk $0xffff, v3  }
0x252: {  	[tilespmem:v38+s17+$0x0] =	vst.idx.msk $0xffff, v8;
	v4 =	vor.u32 v56, v48;
	v3 =	vld [tilespmem:s23+$0x1F0]  }
0x253: {  	[tilespmem:v7+s17+$0x0] =	vst.idx.msk $0xffff, v2  }
0x254: {  	v2 =	vld [tilespmem:s23+$0xFFFFFE90];
	v7 =	vor.u32 v21, v46;
	[tilespmem:v58+s17+$0x0] =	vst.idx.msk $0xffff, v27  }
0x255: {  	v8 =	vld [tilespmem:s23+$0xFFFFFED0];
	v52 =	vor.u32 v25, v45;
	[tilespmem:v53+s17+$0x0] =	vst.idx.msk $0xffff, v0  }
0x256: {  	v27 =	vld [tilespmem:s23+$0xFFFFFF50];
	[tilespmem:v32+s17+$0x0] =	vst.idx.msk $0xffff, v5  }
0x257: {  	v0 =	vld [tilespmem:s23+$0xFFFFFF10];
	v53 =	vor.u32 v29, v11;
	[tilespmem:v4+s17+$0x0] =	vst.idx.msk $0xffff, v3  }
0x258: {  	v3 =	vld [tilespmem:s23+$0xFFFFFF90];
	[tilespmem:$0x1FED0] =	vst v39  }
0x259: {  	v32 =	vor.u32 v63, v39;
	[tilespmem:v7+s17+$0x0] =	vst.idx.msk $0xffff, v2  }
0x25a: {  	v58 =	vor.u32 v19, v40;
	v2 =	vld [tilespmem:s23+$0xFFFFFFD0];
	[tilespmem:v52+s17+$0x0] =	vst.idx.msk $0xffff, v8  }
0x25b: {  	v49 =	vor.u32 v54, v41;
	v38 =	vmov v11;
	v11 =	vld [tilespmem:$0x1FEF0]  }
0x25c: {  	v52 =	vor.u32 v23, v43;
	[tilespmem:v53+s17+$0x0] =	vst.idx.msk $0xffff, v0;
	v0 =	vld [tilespmem:s23+$0x50]  }
0x25d: {  	v54 =	vor.u32 v21, v44;
	v53 =	vld [tilespmem:s23+$0x90]  }
0x25e: {  	v4 =	vor.u32 v25, v34;
	[tilespmem:v32+s17+$0x0] =	vst.idx.msk $0xffff, v3;
	v3 =	vld [tilespmem:s23+$0xD0]  }
0x25f: {  	[tilespmem:v58+s17+$0x0] =	vst.idx.msk $0xffff, v27;
	v58 =	vld [tilespmem:s23+$0x150];
	v32 =	vor.u32 v19, v37  }
0x260: {  	v5 =	vor.u32 v29, v36;
	[tilespmem:v49+s17+$0x0] =	vst.idx.msk $0xffff, v2;
	v2 =	vld [tilespmem:s23+$0x110]  }
0x261: {  	v50 =	vld [tilespmem:s23+$0x10];
	v51 =	vor.u32 v11, v42;
	[tilespmem:v52+s17+$0x0] =	vst.idx.msk $0xffff, v0  }
0x262: {  	v8 =	vor.u32 v63, v35;
	v0 =	vld [tilespmem:s23+$0x190];
	[tilespmem:v54+s17+$0x0] =	vst.idx.msk $0xffff, v53  }
0x263: {  	v27 =	vld [tilespmem:s23+$0xFFFFFE10];
	v52 =	vor.u32 v11, v33;
	[tilespmem:v4+s17+$0x0] =	vst.idx.msk $0xffff, v3  }
0x264: {  	v53 =	vld [tilespmem:s23+$0xFFFFFE60];
	v54 =	vor.u32 v18, v47;
	[tilespmem:v32+s17+$0x0] =	vst.idx.msk $0xffff, v58  }
0x265: {  	v3 =	vld [tilespmem:s23+$0xFFFFFEA0];
	v4 =	vor.u32 v22, v46;
	[tilespmem:v5+s17+$0x0] =	vst.idx.msk $0xffff, v2  }
0x266: {  	v58 =	vld [tilespmem:s23+$0xFFFFFF20];
	v32 =	vor.u32 v30, v38;
	[tilespmem:v51+s17+$0x0] =	vst.idx.msk $0xffff, v50  }
0x267: {  	v63 =	vor.u32 v26, v45;
	v2 =	vld [tilespmem:s23+$0xFFFFFEE0];
	[tilespmem:v8+s17+$0x0] =	vst.idx.msk $0xffff, v0  }
0x268: {  	[tilespmem:v52+s17+$0x0] =	vst.idx.msk $0xffff, v27;
	v0 =	vld [tilespmem:s23+$0xFFFFFF60];
	v52 =	vor.u32 v62, v40  }
0x269: {  	[tilespmem:v54+s17+$0x0] =	vst.idx.msk $0xffff, v53;
	v53 =	vld [tilespmem:s23+$0xFFFFFFA0];
	v54 =	vor.u32 v15, v39  }
0x26a: {  	v5 =	vor.u32 v62, v37;
	v62 =	vor.u32 v15, v35;
	v6 =	vld [tilespmem:s23+$0x1A0];
	[tilespmem:v4+s17+$0x0] =	vst.idx.msk $0xffff, v3  }
0x26b: {  	v55 =	vor.u32 v55, v41;
	v3 =	vld [tilespmem:s23+$0xFFFFFFE0];
	[tilespmem:v32+s17+$0x0] =	vst.idx.msk $0xffff, v58  }
0x26c: {  	v50 =	vmov v38;
	v38 =	vor.u32 v18, v43;
	v32 =	vld [tilespmem:s23+$0x60];
	[tilespmem:v63+s17+$0x0] =	vst.idx.msk $0xffff, v2  }
0x26d: {  	v2 =	vld [tilespmem:s23+$0x20];
	v63 =	vor.u32 v14, v42;
	[tilespmem:v52+s17+$0x0] =	vst.idx.msk $0xffff, v0  }
0x26e: {  	v9 =	vld [tilespmem:s23+$0xE0];
	v58 =	vor.u32 v26, v34;
	[tilespmem:v54+s17+$0x0] =	vst.idx.msk $0xffff, v53  }
0x26f: {  	v39 =	vor.u32 v22, v44;
	v0 =	vld [tilespmem:s23+$0xA0];
	[tilespmem:v62+s17+$0x0] =	vst.idx.msk $0xffff, v6  }
0x270: {  	v4 =	vor.u32 v30, v36;
	[tilespmem:v55+s17+$0x0] =	vst.idx.msk $0xffff, v3;
	v3 =	vld [tilespmem:s23+$0x120]  }
0x271: {  	v47 =	vor.u32 v17, v47;
	[tilespmem:v38+s17+$0x0] =	vst.idx.msk $0xffff, v32;
	v32 =	vld [tilespmem:s23+$0xFFFFFE70]  }
0x272: {  	[tilespmem:v63+s17+$0x0] =	vst.idx.msk $0xffff, v2;
	v2 =	vld [tilespmem:s23+$0x160]  }
0x273: {  	v48 =	vld [tilespmem:s23+$0xFFFFFE20];
	[tilespmem:v58+s17+$0x0] =	vst.idx.msk $0xffff, v9;
	v63 =	vor.u32 v14, v33  }
0x274: {  	s28 =	simm.s32 $0x10;
	[tilespmem:v39+s17+$0x0] =	vst.idx.msk $0xffff, v0  }
0x275: {  	v27 =	vmov s28;
	v58 =	vor.u32 v59, v46;
	v0 =	vld [tilespmem:s23+$0xFFFFFEB0];
	[tilespmem:v4+s17+$0x0] =	vst.idx.msk $0xffff, v3  }
0x276: {  	s30 =	simm.s32 $0x12;
	s26 =	simm.s32 $0x15;
	v27 =	vshrl.u32 v27, $0x3;
	v39 =	vmov v17;
	v17 =	vor.u32 v60, v45;
	v4 =	vld [tilespmem:s23+$0xFFFFFEF0];
	[tilespmem:v47+s17+$0x0] =	vst.idx.msk $0xffff, v32  }
0x277: {  	v10 =	vmov s26;
	v7 =	vor.u32 v61, v40;
	v8 =	vmov s30;
	s30 =	simm.s32 $0x18;
	v40 =	vmovc v12;
	[tilespmem:v5+s17+$0x0] =	vst.idx.msk $0xffff, v2  }
0x278: {  	s29 =	simm.s32 $0x11;
	v12 =	vmovc v23;
	v23 =	vmovc v16;
	v16 =	vmov v20;
	v20 =	vmov v24;
	v53 =	vmov s30;
	v6 =	vld [tilespmem:s23+$0xFFFFFF70];
	[tilespmem:v63+s17+$0x0] =	vst.idx.msk $0xffff, v48  }
0x279: {  	s31 =	simm.s32 $0x13;
	s25 =	simm.s32 $0x14;
	s26 =	simm.s32 $0x1A;
	v54 =	vshll.u32 v27, v1;
	v27 =	vmovc v22;
	v22 =	vmovc v25;
	v25 =	vmov v30;
	v55 =	vmov s29;
	v62 =	vld [tilespmem:$0x1FF00]  }
0x27a: {  	v30 =	vmovc v19;
	v19 =	vmovc v12;
	v38 =	vmov s31;
	v9 =	vmov s25;
	s29 =	simm.s32 $0x17;
	v46 =	vmov s26;
	v63 =	vld [tilespmem:$0x1FED0];
	[tilespmem:v58+s17+$0x0] =	vst.idx.msk $0xffff, v0  }
0x27b: {  	v12 =	vmovc v40;
	s31 =	simm.s32 $0x19;
	v52 =	vmov s29;
	s29 =	simm.s32 $0x1C;
	v40 =	vshrl.u32 v38, $0x3;
	v38 =	vshrl.u32 v9, $0x3;
	v2 =	vld [tilespmem:s23+$0xFFFFFF30];
	v0 =	vmovc v18;
	[tilespmem:v17+s17+$0x0] =	vst.idx.msk $0xffff, v4  }
0x27c: {  	s28 =	simm.s32 $0x16;
	v24 =	vmovc v28;
	v51 =	vmov s29;
	v45 =	vmov s31;
	v5 =	vor.u32 v57, v50;
	v17 =	vmovc v0;
	v0 =	vld [tilespmem:$0x1FFA0]  }
0x27d: {  	s31 =	simm.s32 $0x1E;
	v60 =	vor.u32 v39, v43;
	v43 =	vld [tilespmem:s23+$0xB0];
	v3 =	vmov s28;
	v47 =	vmovc v59;
	v32 =	vmovc v14;
	v14 =	vmov v11  }
0x27e: {  	v15 =	vmovc v31;
	s30 =	simm.s32 $0x1D;
	v49 =	vmov s31;
	s28 =	simm.s32 $0x1B;
	v59 =	vld [tilespmem:s23+$0x30];
	v13 =	vmovc v14;
	v39 =	vshrl.u32 v3, $0x3;
	v44 =	vor.u32 v47, v44  }
0x27f: {  	v50 =	vmov s28;
	v48 =	vmov s30;
	v57 =	vld [tilespmem:s23+$0xFFFFFFB0];
	v18 =	vmovc v21;
	v21 =	vmovc v26;
	v26 =	vmov v29  }
0x280: {  	v58 =	vld [tilespmem:s23+$0xFFFFFFF0];
	[tilespmem:v7+s17+$0x0] =	vst.idx.msk $0xffff, v6;
	v61 =	vor.u32 v62, v63;
	v62 =	vor.u32 v56, v41;
	v56 =	vshrl.u32 v55, $0x3  }
0x281: {  	s24 =	simm.s32 $0x20;
	s25 =	simm.s32 $0x1F;
	v14 =	vmovc v32;
	[tilespmem:v5+s17+$0x0] =	vst.idx.msk $0xffff, v2;
	v55 =	vshrl.u32 v8, $0x3;
	v41 =	vshrl.u32 v10, $0x3;
	v63 =	vor.u32 v0, v42;
	v42 =	vld [tilespmem:s23+$0x70]  }
.LBB2_8:
0x282: {  	v3 =	vld [tilespmem:s23+$0xF0]  }
0x283: {  	v32 =	vld [tilespmem:$0x1FF60]  }
0x284: {  	v6 =	vld [tilespmem:s23+$0x130]  }
0x285: {  	v9 =	vld [tilespmem:s23+$0x170]  }
0x286: {  	v0 =	vshrl.u32 v52, $0x3;
	v52 =	vld [tilespmem:$0x1FF50]  }
0x287: {  	v28 =	vld [tilespmem:$0x1FFE0]  }
0x288: {  	v31 =	vld [tilespmem:$0x1FFC0]  }
0x289: {  	[tilespmem:v61+s17+$0x0] =	vst.idx.msk $0xffff, v57;
	v61 =	vld [tilespmem:$0x1FF40]  }
0x28a: {  	v57 =	vld [tilespmem:$0x1FF80]  }
0x28b: {  	v2 =	vmov s25;
	[tilespmem:v60+s17+$0x0] =	vst.idx.msk $0xffff, v42;
	v60 =	vld [tilespmem:$0x1FF00]  }
0x28c: {  	v5 =	vshrl.u32 v53, $0x3;
	v53 =	vshll.u32 v56, v1;
	[tilespmem:v63+s17+$0x0] =	vst.idx.msk $0xffff, v59;
	v63 =	vld [tilespmem:$0x1FFA0];
	v4 =	vor.u32 v32, v34  }
0x28d: {  	v8 =	vshrl.u32 v45, $0x3;
	v2 =	vshrl.u32 v2, $0x3;
	v45 =	vbroadcast v53, $0x0;
	v53 =	vld [tilespmem:$0x1FF10]  }
0x28e: {  	v2 =	vshll.u32 v2, v1;
	v34 =	vld [tilespmem:s23+$0x1B0]  }
0x28f: {  	[tilespmem:v62+s17+$0x0] =	vst.idx.msk $0xffff, v58;
	v7 =	vor.u32 v61, v36;
	v10 =	vor.u32 v57, v37;
	v37 =	vld [tilespmem:s23+$0xFFFFFE30];
	s23 =	sadd.s32 $0x400, s23  }
0x290: {  	v11 =	vshrl.u32 v46, $0x3;
	[tilespmem:v44+s17+$0x0] =	vst.idx.msk $0xffff, v43;
	v62 =	vshll.u32 v55, v1;
	v35 =	vor.u32 v60, v35;
	v43 =	vld [tilespmem:s23+$0x1C0]  }
0x291: {  	v58 =	vshll.u32 v40, v1;
	v46 =	vbroadcast v62, $0x0;
	v56 =	vor.u32 v63, v33;
	[tilespmem:v4+s17+$0x0] =	vst.idx.msk $0xffff, v3;
	v3 =	vld [tilespmem:s23+$0xFFFFFE00]  }
0x292: {  	v2 =	vbroadcast v2, $0x0;
	v40 =	vbroadcast v58, $0x0;
	v62 =	vld [tilespmem:s23+$0xFFFFFE80]  }
0x293: {  	v58 =	vor.u32 v16, v46;
	v36 =	vshrl.u32 v50, $0x3;
	v50 =	vshrl.u32 v51, $0x3;
	v51 =	vld [tilespmem:s23+$0x40]  }
0x294: {  	v33 =	vbroadcast v54, $0x0;
	v54 =	vor.u32 v52, v2;
	[tilespmem:v7+s17+$0x0] =	vst.idx.msk $0xffff, v6;
	v6 =	vld [tilespmem:s23+$0xFFFFFE40]  }
0x295: {  	v39 =	vshll.u32 v39, v1;
	[tilespmem:v35+s17+$0x0] =	vst.idx.msk $0xffff, v34;
	v34 =	vld [tilespmem:s23+$0xFFFFFEC0]  }
0x296: {  	v59 =	vshll.u32 v38, v1;
	v55 =	vor.u32 v12, v33;
	[tilespmem:v56+s17+$0x0] =	vst.idx.msk $0xffff, v37;
	v56 =	vld [tilespmem:s23+$0xFFFFFF00]  }
0x297: {  	v39 =	vbroadcast v39, $0x0;
	v0 =	vshll.u32 v0, v1;
	v38 =	vbroadcast v59, $0x0;
	v35 =	vld [tilespmem:s23+$0x0]  }
0x298: {  	v42 =	vbroadcast v0, $0x0;
	v0 =	vshll.u32 v5, v1;
	v7 =	vor.u32 v23, v45;
	[tilespmem:v58+s17+$0x0] =	vst.idx.msk $0xffff, v62;
	v58 =	vld [tilespmem:s23+$0xFFFFFF80]  }
0x299: {  	v47 =	vor.u32 v24, v38;
	[tilespmem:v54+s17+$0x0] =	vst.idx.msk $0xffff, v43;
	v43 =	vbroadcast v0, $0x0;
	v0 =	vshll.u32 v8, v1;
	v8 =	vld [tilespmem:s23+$0xFFFFFFC0]  }
0x29a: {  	[tilespmem:v10+s17+$0x0] =	vst.idx.msk $0xffff, v9;
	v62 =	vor.u32 v15, v39;
	v9 =	vld [tilespmem:s23+$0x100]  }
0x29b: {  	v59 =	vor.u32 v20, v40;
	[tilespmem:v55+s17+$0x0] =	vst.idx.msk $0xffff, v3;
	v3 =	vld [tilespmem:s23+$0x1D0]  }
0x29c: {  	v41 =	vshll.u32 v41, v1;
	v4 =	vor.u32 v53, v2;
	v55 =	vld [tilespmem:s23+$0x180]  }
0x29d: {  	v41 =	vbroadcast v41, $0x0;
	v11 =	vshll.u32 v11, v1;
	v10 =	vor.u32 v52, v42;
	[tilespmem:v7+s17+$0x0] =	vst.idx.msk $0xffff, v6;
	v6 =	vld [tilespmem:s23+$0xFFFFFF40]  }
0x29e: {  	v44 =	vbroadcast v0, $0x0;
	v0 =	vshrl.u32 v48, $0x3;
	[tilespmem:v47+s17+$0x0] =	vst.idx.msk $0xffff, v56;
	v47 =	vbroadcast v11, $0x0;
	v11 =	vld [tilespmem:s23+$0xFFFFFE10]  }
0x29f: {  	v48 =	vor.u32 v12, v43;
	v0 =	vshll.u32 v0, v1;
	[tilespmem:v62+s17+$0x0] =	vst.idx.msk $0xffff, v58;
	v62 =	vld [tilespmem:s23+$0x80]  }
0x2a0: {  	v7 =	vor.u32 v28, v41;
	[tilespmem:v59+s17+$0x0] =	vst.idx.msk $0xffff, v34;
	v56 =	vor.u32 v23, v44;
	v5 =	vld [tilespmem:s23+$0xFFFFFE50]  }
0x2a1: {  	v37 =	vbroadcast v0, $0x0;
	v59 =	vshll.u32 v36, v1;
	[tilespmem:v4+s17+$0x0] =	vst.idx.msk $0xffff, v3;
	v3 =	vshll.u32 v50, v1;
	v50 =	vld [tilespmem:$0x1FF20]  }
0x2a2: {  	v34 =	vbroadcast v59, $0x0;
	[tilespmem:v10+s17+$0x0] =	vst.idx.msk $0xffff, v8;
	v8 =	vld [tilespmem:s23+$0xFFFFFED0];
	v58 =	vor.u32 v16, v47  }
0x2a3: {  	v49 =	vshrl.u32 v49, $0x3;
	v52 =	vor.u32 v22, v40;
	v54 =	vor.u32 v28, v37;
	v28 =	vld [tilespmem:$0x1FF90]  }
0x2a4: {  	v0 =	vshll.u32 v49, v1;
	v36 =	vbroadcast v3, $0x0;
	v3 =	vld [tilespmem:s23+$0xC0];
	v59 =	vor.u32 v20, v34;
	[tilespmem:v48+s17+$0x0] =	vst.idx.msk $0xffff, v35  }
0x2a5: {  	v35 =	vbroadcast v0, $0x0;
	v0 =	vld [tilespmem:s23+$0x140];
	[tilespmem:v7+s17+$0x0] =	vst.idx.msk $0xffff, v6  }
0x2a6: {  	v4 =	vld [tilespmem:s23+$0x1E0];
	[tilespmem:v56+s17+$0x0] =	vst.idx.msk $0xffff, v51;
	v6 =	vor.u32 v50, v2  }
0x2a7: {  	v10 =	vor.u32 v24, v36;
	[tilespmem:v58+s17+$0x0] =	vst.idx.msk $0xffff, v62;
	v62 =	vld [tilespmem:$0x1FF30]  }
0x2a8: {  	v48 =	vld [tilespmem:$0x1FFF0];
	v56 =	vor.u32 v15, v35;
	[tilespmem:v52+s17+$0x0] =	vst.idx.msk $0xffff, v8  }
0x2a9: {  	[tilespmem:v59+s17+$0x0] =	vst.idx.msk $0xffff, v3;
	v3 =	vld [tilespmem:s23+$0xFFFFFE90];
	v59 =	vor.u32 v18, v46  }
0x2aa: {  	[tilespmem:v54+s17+$0x0] =	vst.idx.msk $0xffff, v0;
	v0 =	vld [tilespmem:s23+$0xFFFFFF10];
	v54 =	vor.u32 v26, v38  }
0x2ab: {  	v49 =	vld [tilespmem:s23+$0x10];
	v58 =	vor.u32 v19, v45;
	[tilespmem:v6+s17+$0x0] =	vst.idx.msk $0xffff, v4  }
0x2ac: {  	[tilespmem:v10+s17+$0x0] =	vst.idx.msk $0xffff, v9;
	v2 =	vor.u32 v62, v2;
	v4 =	vld [tilespmem:s23+$0x1F0]  }
0x2ad: {  	[tilespmem:v56+s17+$0x0] =	vst.idx.msk $0xffff, v55;
	v55 =	vld [tilespmem:s23+$0xFFFFFF50];
	v56 =	vor.u32 v30, v41  }
0x2ae: {  	[tilespmem:v59+s17+$0x0] =	vst.idx.msk $0xffff, v3;
	v3 =	vld [tilespmem:s23+$0xFFFFFFD0];
	v59 =	vor.u32 v53, v42  }
0x2af: {  	v52 =	vor.u32 v19, v44;
	[tilespmem:v54+s17+$0x0] =	vst.idx.msk $0xffff, v0;
	v0 =	vld [tilespmem:s23+$0x50]  }
0x2b0: {  	[tilespmem:v58+s17+$0x0] =	vst.idx.msk $0xffff, v5;
	v53 =	vld [tilespmem:s23+$0x90];
	v54 =	vor.u32 v18, v47  }
0x2b1: {  	v58 =	vor.u32 v31, v39;
	[tilespmem:v2+s17+$0x0] =	vst.idx.msk $0xffff, v4;
	v2 =	vld [tilespmem:s23+$0xFFFFFF90]  }
0x2b2: {  	v51 =	vor.u32 v13, v43;
	v8 =	vor.u32 v31, v35;
	v31 =	vld [tilespmem:$0x1FFD0];
	[tilespmem:v56+s17+$0x0] =	vst.idx.msk $0xffff, v55  }
0x2b3: {  	v56 =	vor.u32 v26, v36;
	[tilespmem:v59+s17+$0x0] =	vst.idx.msk $0xffff, v3;
	v3 =	vld [tilespmem:s23+$0x110]  }
0x2b4: {  	[tilespmem:v52+s17+$0x0] =	vst.idx.msk $0xffff, v0;
	v0 =	vld [tilespmem:s23+$0x190]  }
0x2b5: {  	v52 =	vor.u32 v13, v33;
	[tilespmem:v54+s17+$0x0] =	vst.idx.msk $0xffff, v53;
	v53 =	vld [tilespmem:s23+$0xFFFFFE60]  }
0x2b6: {  	v54 =	vor.u32 v17, v45;
	[tilespmem:v58+s17+$0x0] =	vst.idx.msk $0xffff, v2;
	v2 =	vld [tilespmem:s23+$0xD0]  }
0x2b7: {  	[tilespmem:v51+s17+$0x0] =	vst.idx.msk $0xffff, v49;
	v55 =	vor.u32 v22, v34;
	v58 =	vld [tilespmem:s23+$0x150]  }
0x2b8: {  	v59 =	vor.u32 v30, v37;
	[tilespmem:v56+s17+$0x0] =	vst.idx.msk $0xffff, v3;
	v3 =	vld [tilespmem:s23+$0xFFFFFEE0]  }
0x2b9: {  	v49 =	vor.u32 v48, v41;
	v56 =	vor.u32 v21, v40;
	[tilespmem:v8+s17+$0x0] =	vst.idx.msk $0xffff, v0;
	v0 =	vld [tilespmem:s23+$0xFFFFFF60]  }
0x2ba: {  	v7 =	vor.u32 v31, v35;
	[tilespmem:v52+s17+$0x0] =	vst.idx.msk $0xffff, v11;
	v52 =	vor.u32 v31, v39;
	v31 =	vld [tilespmem:$0x1FF70]  }
0x2bb: {  	[tilespmem:v54+s17+$0x0] =	vst.idx.msk $0xffff, v53;
	v51 =	vld [tilespmem:s23+$0xFFFFFFA0]  }
0x2bc: {  	[tilespmem:v55+s17+$0x0] =	vst.idx.msk $0xffff, v2;
	v2 =	vld [tilespmem:s23+$0xFFFFFEA0];
	v55 =	vor.u32 v27, v46  }
0x2bd: {  	v6 =	vld [tilespmem:s23+$0x1A0];
	[tilespmem:v59+s17+$0x0] =	vst.idx.msk $0xffff, v58  }
0x2be: {  	v58 =	vld [tilespmem:s23+$0xFFFFFF20];
	v59 =	vor.u32 v25, v38;
	[tilespmem:v56+s17+$0x0] =	vst.idx.msk $0xffff, v3  }
0x2bf: {  	v54 =	vor.u32 v14, v43;
	v3 =	vld [tilespmem:s23+$0x20];
	[tilespmem:v49+s17+$0x0] =	vst.idx.msk $0xffff, v0  }
0x2c0: {  	v5 =	vor.u32 v48, v37;
	v48 =	vld [tilespmem:s23+$0xFFFFFE20];
	v49 =	vor.u32 v14, v33;
	[tilespmem:v52+s17+$0x0] =	vst.idx.msk $0xffff, v51  }
0x2c1: {  	v53 =	vor.u32 v50, v42;
	[tilespmem:v55+s17+$0x0] =	vst.idx.msk $0xffff, v2;
	v2 =	vld [tilespmem:s23+$0xFFFFFFE0]  }
0x2c2: {  	v10 =	vor.u32 v21, v34;
	v9 =	vld [tilespmem:s23+$0xE0];
	[tilespmem:v7+s17+$0x0] =	vst.idx.msk $0xffff, v6  }
0x2c3: {  	v56 =	vor.u32 v17, v44;
	[tilespmem:v59+s17+$0x0] =	vst.idx.msk $0xffff, v58;
	v55 =	vld [tilespmem:s23+$0x60]  }
0x2c4: {  	v0 =	vld [tilespmem:s23+$0xA0];
	v58 =	vor.u32 v27, v47;
	[tilespmem:v54+s17+$0x0] =	vst.idx.msk $0xffff, v3  }
0x2c5: {  	s26 =	sadd.s32 $0x3, s24;
	v63 =	vor.u32 v63, v43;
	v3 =	vld [tilespmem:s23+$0x160];
	[tilespmem:v49+s17+$0x0] =	vst.idx.msk $0xffff, v48  }
0x2c6: {  	v62 =	vor.u32 v62, v42;
	v4 =	vor.u32 v25, v36;
	v8 =	vmov s26;
	[tilespmem:v53+s17+$0x0] =	vst.idx.msk $0xffff, v2;
	v2 =	vld [tilespmem:s23+$0x120]  }
0x2c7: {  	s30 =	sadd.s32 $0x4, s24;
	v40 =	vor.u32 v32, v40;
	v32 =	vor.u32 v57, v41;
	v6 =	vld [tilespmem:s23+$0xFFFFFF70];
	v59 =	vmov s24;
	[tilespmem:v10+s17+$0x0] =	vst.idx.msk $0xffff, v9  }
0x2c8: {  	s31 =	sadd.s32 $0x5, s24;
	s26 =	sadd.s32 $0xA, s24;
	v54 =	vld [tilespmem:s23+$0xFFFFFE70];
	v11 =	vshrl.u32 v59, $0x3;
	v9 =	vmov s30;
	[tilespmem:v56+s17+$0x0] =	vst.idx.msk $0xffff, v55;
	v56 =	vor.u32 v28, v45  }
0x2c9: {  	s28 =	sadd.s32 $0x1, s24;
	s29 =	sadd.s32 $0x2, s24;
	v10 =	vmov s31;
	v59 =	vor.u32 v31, v46;
	v46 =	vmov s26;
	[tilespmem:v58+s17+$0x0] =	vst.idx.msk $0xffff, v0;
	v58 =	vld [tilespmem:s23+$0xFFFFFEB0]  }
0x2ca: {  	s30 =	sadd.s32 $0x8, s24;
	s31 =	sadd.s32 $0x9, s24;
	v55 =	vmov s28;
	v0 =	vmov s29;
	[tilespmem:v5+s17+$0x0] =	vst.idx.msk $0xffff, v3;
	v3 =	vld [tilespmem:s23+$0xFFFFFF30];
	v5 =	vor.u32 v61, v38  }
0x2cb: {  	p0 =	slt.u32 s24, $0xF0;
	v41 =	vshrl.u32 v10, $0x3;
	s29 =	sadd.s32 $0x7, s24;
	v53 =	vmov s30;
	v45 =	vmov s31;
	[tilespmem:v4+s17+$0x0] =	vst.idx.msk $0xffff, v2;
	v4 =	vld [tilespmem:s23+$0xFFFFFEF0]  }
.Ltmp3:
0x2cc: {  	v57 =	vld [tilespmem:s23+$0xFFFFFFB0];
	[tilespmem:v32+s17+$0x0] =	vst.idx.msk $0xffff, v6;
	s30 =	sadd.s32 $0xD, s24;
	s31 =	sadd.s32 $0xE, s24;
	v61 =	vor.u32 v60, v39;
	v38 =	vshrl.u32 v9, $0x3;
	v52 =	vmov s29;
	(pc) =	sbr.rel @p0 .LBB2_8-.Ltmp3, $4  }
0x2cd: {  	s28 =	sadd.s32 $0x6, s24;
	v60 =	vor.u32 v28, v44;
	s29 =	sadd.s32 $0xC, s24;
	v48 =	vmov s30;
	v49 =	vmov s31;
	v42 =	vld [tilespmem:s23+$0x70];
	[tilespmem:v56+s17+$0x0] =	vst.idx.msk $0xffff, v54  }
0x2ce: {  	v44 =	vor.u32 v31, v47;
	v43 =	vld [tilespmem:s23+$0xB0];
	v51 =	vmov s29;
	v2 =	vmov s28;
	[tilespmem:v59+s17+$0x0] =	vst.idx.msk $0xffff, v58  }
0x2cf: {  	s28 =	sadd.s32 $0xB, s24;
	v54 =	vshll.u32 v11, v1;
	v58 =	vld [tilespmem:s23+$0xFFFFFFF0];
	v56 =	vshrl.u32 v55, $0x3;
	v55 =	vshrl.u32 v0, $0x3;
	[tilespmem:v5+s17+$0x0] =	vst.idx.msk $0xffff, v3  }
0x2d0: {  	s25 =	sadd.s32 $0xF, s24;
	v59 =	vld [tilespmem:s23+$0x30];
	s24 =	sadd.s32 $0x10, s24;
	v50 =	vmov s28;
	v39 =	vshrl.u32 v2, $0x3;
	[tilespmem:v40+s17+$0x0] =	vst.idx.msk $0xffff, v4;
	v40 =	vshrl.u32 v8, $0x3  }
0x2d1: {  	_ =	sdelay $0x3  }
0x2d2: {  	v2 =	vld [tilespmem:s23+$0xF0];
	[tilespmem:v61+s17+$0x0] =	vst.idx.msk $0xffff, v57  }
0x2d3: {  	v32 =	vld [tilespmem:$0x1FF60];
	[tilespmem:v62+s17+$0x0] =	vst.idx.msk $0xffff, v58  }
0x2d4: {  	v62 =	vld [tilespmem:$0x1FF40];
	[tilespmem:v63+s17+$0x0] =	vst.idx.msk $0xffff, v59  }
0x2d5: {  	v57 =	vld [tilespmem:$0x1FF80];
	[tilespmem:v60+s17+$0x0] =	vst.idx.msk $0xffff, v42  }
0x2d6: {  	v60 =	vld [tilespmem:$0x1FF00];
	[tilespmem:v44+s17+$0x0] =	vst.idx.msk $0xffff, v43  }
0x2d7: {  	v0 =	vmov s25;
	v8 =	vshrl.u32 v53, $0x3;
	v53 =	vshll.u32 v56, v1;
	v56 =	vld [tilespmem:$0x1FF50]  }
0x2d8: {  	v0 =	vshrl.u32 v0, $0x3;
	v3 =	vor.u32 v32, v34;
	v58 =	vld [tilespmem:$0x1FFA0]  }
0x2d9: {  	v4 =	vld [tilespmem:s23+$0x130];
	v0 =	vshll.u32 v0, v1;
	v6 =	vor.u32 v62, v36  }
0x2da: {  	v7 =	vld [tilespmem:s23+$0x170];
	v0 =	vbroadcast v0, $0x0;
	v9 =	vor.u32 v57, v37  }
0x2db: {  	v5 =	vshrl.u32 v52, $0x3;
	v10 =	vld [tilespmem:s23+$0x1B0];
	s30 =	sadd.s32 $0x400, s23;
	v52 =	vor.u32 v60, v35  }
0x2dc: {  	v43 =	vld [tilespmem:s30+$0x1C0];
	v44 =	vor.u32 v56, v0  }
0x2dd: {  	v11 =	vshrl.u32 v45, $0x3;
	v45 =	vshrl.u32 v46, $0x3;
	v46 =	vld [tilespmem:s23+$0xFFFFFE30];
	[tilespmem:v3+s17+$0x0] =	vst.idx.msk $0xffff, v2;
	v47 =	vor.u32 v58, v33  }
0x2de: {  	[tilespmem:v6+s17+$0x0] =	vst.idx.msk $0xffff, v4  }
0x2df: {  	[tilespmem:v9+s17+$0x0] =	vst.idx.msk $0xffff, v7  }
0x2e0: {  	[tilespmem:v52+s17+$0x0] =	vst.idx.msk $0xffff, v10  }
0x2e1: {  	v34 =	vbroadcast v54, $0x0;
	[tilespmem:v44+s17+$0x0] =	vst.idx.msk $0xffff, v43  }
0x2e2: {  	v55 =	vshll.u32 v55, v1;
	v2 =	vld [tilespmem:s30+$0xFFFFFE00];
	v33 =	vbroadcast v53, $0x0;
	[tilespmem:v47+s17+$0x0] =	vst.idx.msk $0xffff, v46  }
0x2e3: {  	v59 =	vshll.u32 v40, v1;
	v3 =	vor.u32 v12, v34;
	v35 =	vbroadcast v55, $0x0;
	v54 =	vld [tilespmem:$0x1FF10]  }
0x2e4: {  	v61 =	vshll.u32 v38, v1;
	v36 =	vbroadcast v59, $0x0;
	v4 =	vld [tilespmem:s30+$0xFFFFFE40];
	v6 =	vor.u32 v23, v33  }
0x2e5: {  	v37 =	vbroadcast v61, $0x0;
	v7 =	vld [tilespmem:s30+$0xFFFFFE80];
	v9 =	vor.u32 v16, v35  }
0x2e6: {  	v63 =	vor.u32 v20, v36;
	v10 =	vld [tilespmem:s30+$0xFFFFFEC0]  }
0x2e7: {  	v61 =	vor.u32 v24, v37;
	v52 =	vld [tilespmem:s30+$0xFFFFFF00]  }
0x2e8: {  	v43 =	vld [tilespmem:s30+$0x1D0];
	[tilespmem:v3+s17+$0x0] =	vst.idx.msk $0xffff, v2;
	v59 =	vor.u32 v54, v0  }
0x2e9: {  	[tilespmem:v6+s17+$0x0] =	vst.idx.msk $0xffff, v4  }
0x2ea: {  	v39 =	vshll.u32 v39, v1;
	v28 =	vld [tilespmem:$0x1FFE0];
	[tilespmem:v9+s17+$0x0] =	vst.idx.msk $0xffff, v7  }
0x2eb: {  	v41 =	vshll.u32 v41, v1;
	v39 =	vbroadcast v39, $0x0;
	v2 =	vshll.u32 v5, v1;
	[tilespmem:v63+s17+$0x0] =	vst.idx.msk $0xffff, v10  }
0x2ec: {  	v38 =	vbroadcast v41, $0x0;
	v5 =	vld [tilespmem:s30+$0xFFFFFF80];
	v40 =	vbroadcast v2, $0x0;
	v2 =	vshll.u32 v8, v1;
	[tilespmem:v61+s17+$0x0] =	vst.idx.msk $0xffff, v52  }
0x2ed: {  	v6 =	vor.u32 v15, v39;
	v41 =	vbroadcast v2, $0x0;
	v2 =	vshll.u32 v11, v1;
	v7 =	vld [tilespmem:s30+$0xFFFFFFC0];
	[tilespmem:v59+s17+$0x0] =	vst.idx.msk $0xffff, v43  }
0x2ee: {  	v8 =	vor.u32 v56, v40;
	v42 =	vbroadcast v2, $0x0;
	v53 =	vld [tilespmem:$0x1FF20]  }
0x2ef: {  	v9 =	vld [tilespmem:s30+$0x0];
	v63 =	vshll.u32 v45, v1;
	v10 =	vor.u32 v12, v41  }
0x2f0: {  	v2 =	vshrl.u32 v48, $0x3;
	v48 =	vld [tilespmem:s30+$0x40];
	v61 =	vor.u32 v23, v42;
	v43 =	vbroadcast v63, $0x0  }
0x2f1: {  	v3 =	vld [tilespmem:s30+$0xFFFFFF40];
	v4 =	vor.u32 v28, v38  }
0x2f2: {  	v63 =	vld [tilespmem:s30+$0x80];
	[tilespmem:v6+s17+$0x0] =	vst.idx.msk $0xffff, v5;
	v55 =	vor.u32 v16, v43  }
0x2f3: {  	v47 =	vshrl.u32 v49, $0x3;
	v49 =	vld [tilespmem:s30+$0x1E0];
	[tilespmem:v8+s17+$0x0] =	vst.idx.msk $0xffff, v7;
	v59 =	vor.u32 v53, v0  }
0x2f4: {  	[tilespmem:v10+s17+$0x0] =	vst.idx.msk $0xffff, v9  }
0x2f5: {  	v50 =	vshrl.u32 v50, $0x3;
	[tilespmem:v61+s17+$0x0] =	vst.idx.msk $0xffff, v48  }
0x2f6: {  	v51 =	vshrl.u32 v51, $0x3;
	v46 =	vshll.u32 v50, v1;
	[tilespmem:v4+s17+$0x0] =	vst.idx.msk $0xffff, v3  }
0x2f7: {  	v44 =	vbroadcast v46, $0x0;
	v3 =	vshll.u32 v51, v1;
	[tilespmem:v55+s17+$0x0] =	vst.idx.msk $0xffff, v63  }
0x2f8: {  	v2 =	vshll.u32 v2, v1;
	v45 =	vbroadcast v3, $0x0;
	v3 =	vld [tilespmem:s30+$0xC0];
	[tilespmem:v59+s17+$0x0] =	vst.idx.msk $0xffff, v49  }
0x2f9: {  	v46 =	vbroadcast v2, $0x0;
	v6 =	vor.u32 v20, v44;
	v61 =	vld [tilespmem:$0x1FF30]  }
0x2fa: {  	v2 =	vshll.u32 v47, v1;
	v7 =	vld [tilespmem:s30+$0x100];
	v8 =	vor.u32 v24, v45  }
0x2fb: {  	v47 =	vbroadcast v2, $0x0;
	v2 =	vld [tilespmem:s30+$0x140];
	v9 =	vor.u32 v28, v46  }
0x2fc: {  	v55 =	vld [tilespmem:s30+$0xFFFFFE50];
	v63 =	vor.u32 v19, v33  }
0x2fd: {  	v10 =	vld [tilespmem:s30+$0x180];
	v59 =	vor.u32 v15, v47  }
0x2fe: {  	v52 =	vld [tilespmem:s30+$0x1F0];
	[tilespmem:v6+s17+$0x0] =	vst.idx.msk $0xffff, v3;
	v0 =	vor.u32 v61, v0  }
0x2ff: {  	[tilespmem:v8+s17+$0x0] =	vst.idx.msk $0xffff, v7  }
0x300: {  	v49 =	vor.u32 v18, v35;
	v3 =	vld [tilespmem:s30+$0xFFFFFE90];
	[tilespmem:v9+s17+$0x0] =	vst.idx.msk $0xffff, v2  }
0x301: {  	v50 =	vld [tilespmem:s30+$0xFFFFFED0];
	v51 =	vor.u32 v22, v36;
	[tilespmem:v63+s17+$0x0] =	vst.idx.msk $0xffff, v55  }
0x302: {  	v2 =	vld [tilespmem:s30+$0xFFFFFF10];
	v9 =	vor.u32 v26, v37;
	[tilespmem:v59+s17+$0x0] =	vst.idx.msk $0xffff, v10  }
0x303: {  	[tilespmem:v0+s17+$0x0] =	vst.idx.msk $0xffff, v52  }
0x304: {  	v55 =	vld [tilespmem:$0x1FFC0]  }
0x305: {  	v10 =	vld [tilespmem:s30+$0xFFFFFF50];
	v59 =	vor.u32 v30, v38;
	[tilespmem:v49+s17+$0x0] =	vst.idx.msk $0xffff, v3  }
0x306: {  	v48 =	vld [tilespmem:s30+$0xFFFFFFD0];
	v3 =	vor.u32 v54, v40;
	[tilespmem:v51+s17+$0x0] =	vst.idx.msk $0xffff, v50  }
0x307: {  	v51 =	vld [tilespmem:s30+$0x50];
	[tilespmem:v9+s17+$0x0] =	vst.idx.msk $0xffff, v2;
	v2 =	vor.u32 v19, v42  }
0x308: {  	v49 =	vld [tilespmem:s30+$0x10];
	v50 =	vor.u32 v13, v41  }
0x309: {  	v0 =	vld [tilespmem:s30+$0xFFFFFF90];
	v63 =	vor.u32 v55, v39  }
0x30a: {  	v52 =	vor.u32 v18, v43;
	v9 =	vld [tilespmem:s30+$0x90];
	[tilespmem:v59+s17+$0x0] =	vst.idx.msk $0xffff, v10  }
0x30b: {  	v4 =	vld [tilespmem:s30+$0x110];
	[tilespmem:v3+s17+$0x0] =	vst.idx.msk $0xffff, v48;
	v3 =	vor.u32 v26, v45  }
0x30c: {  	v7 =	vld [tilespmem:s30+$0x190];
	[tilespmem:v2+s17+$0x0] =	vst.idx.msk $0xffff, v51;
	v2 =	vor.u32 v55, v47  }
0x30d: {  	v8 =	vld [tilespmem:s30+$0xFFFFFE10];
	[tilespmem:v50+s17+$0x0] =	vst.idx.msk $0xffff, v49;
	v48 =	vor.u32 v13, v34  }
0x30e: {  	v11 =	vld [tilespmem:s30+$0xD0];
	[tilespmem:v63+s17+$0x0] =	vst.idx.msk $0xffff, v0;
	v0 =	vor.u32 v22, v44  }
0x30f: {  	v59 =	vld [tilespmem:s30+$0x150];
	[tilespmem:v52+s17+$0x0] =	vst.idx.msk $0xffff, v9;
	v63 =	vor.u32 v30, v46  }
0x310: {  	[tilespmem:v3+s17+$0x0] =	vst.idx.msk $0xffff, v4  }
0x311: {  	[tilespmem:v2+s17+$0x0] =	vst.idx.msk $0xffff, v7  }
0x312: {  	[tilespmem:v48+s17+$0x0] =	vst.idx.msk $0xffff, v8  }
0x313: {  	v52 =	vld [tilespmem:s30+$0xFFFFFE60];
	v49 =	vor.u32 v17, v33;
	[tilespmem:v0+s17+$0x0] =	vst.idx.msk $0xffff, v11  }
0x314: {  	[tilespmem:v63+s17+$0x0] =	vst.idx.msk $0xffff, v59  }
0x315: {  	v29 =	vld [tilespmem:$0x1FFF0]  }
0x316: {  	v50 =	vor.u32 v27, v35;
	v0 =	vld [tilespmem:s30+$0xFFFFFEA0]  }
0x317: {  	v3 =	vld [tilespmem:s30+$0xFFFFFEE0];
	v4 =	vor.u32 v21, v36  }
0x318: {  	v59 =	vld [tilespmem:s30+$0xFFFFFF20];
	v63 =	vor.u32 v25, v37;
	[tilespmem:v49+s17+$0x0] =	vst.idx.msk $0xffff, v52  }
0x319: {  	v52 =	vld [tilespmem:$0x1FFD0]  }
0x31a: {  	v2 =	vld [tilespmem:s30+$0xFFFFFF60];
	v7 =	vor.u32 v29, v38  }
0x31b: {  	v49 =	vld [tilespmem:s30+$0xFFFFFFE0];
	[tilespmem:v50+s17+$0x0] =	vst.idx.msk $0xffff, v0;
	v0 =	vor.u32 v53, v40  }
0x31c: {  	[tilespmem:v4+s17+$0x0] =	vst.idx.msk $0xffff, v3;
	v3 =	vor.u32 v14, v41;
	v50 =	vld [tilespmem:s30+$0x20]  }
0x31d: {  	v51 =	vld [tilespmem:s30+$0x60];
	[tilespmem:v63+s17+$0x0] =	vst.idx.msk $0xffff, v59;
	v59 =	vor.u32 v17, v42  }
0x31e: {  	v8 =	vld [tilespmem:s30+$0xFFFFFFA0];
	v48 =	vor.u32 v52, v39  }
0x31f: {  	v63 =	vld [tilespmem:s30+$0xA0];
	[tilespmem:v7+s17+$0x0] =	vst.idx.msk $0xffff, v2;
	v2 =	vor.u32 v27, v43  }
0x320: {  	[tilespmem:v0+s17+$0x0] =	vst.idx.msk $0xffff, v49  }
0x321: {  	[tilespmem:v3+s17+$0x0] =	vst.idx.msk $0xffff, v50  }
0x322: {  	v9 =	vld [tilespmem:s30+$0x120];
	[tilespmem:v59+s17+$0x0] =	vst.idx.msk $0xffff, v51  }
0x323: {  	v7 =	vld [tilespmem:s30+$0xE0];
	[tilespmem:v48+s17+$0x0] =	vst.idx.msk $0xffff, v8;
	v8 =	vor.u32 v21, v44  }
0x324: {  	v5 =	vld [tilespmem:s30+$0xFFFFFE20];
	[tilespmem:v2+s17+$0x0] =	vst.idx.msk $0xffff, v63  }
0x325: {  	v0 =	vor.u32 v25, v45;
	v63 =	vld [tilespmem:$0x1FF90]  }
0x326: {  	v10 =	vld [tilespmem:s30+$0x160];
	v3 =	vor.u32 v29, v46  }
0x327: {  	v11 =	vld [tilespmem:s30+$0x1A0];
	v59 =	vor.u32 v52, v47  }
0x328: {  	v50 =	vor.u32 v32, v36;
	v36 =	vld [tilespmem:s30+$0xFFFFFFF0];
	v48 =	vor.u32 v14, v34;
	[tilespmem:v8+s17+$0x0] =	vst.idx.msk $0xffff, v7  }
0x329: {  	v51 =	vor.u32 v62, v37;
	v37 =	vor.u32 v61, v40;
	v31 =	vld [tilespmem:$0x1FF70]  }
0x32a: {  	v2 =	vld [tilespmem:s30+$0xFFFFFE70];
	[tilespmem:v0+s17+$0x0] =	vst.idx.msk $0xffff, v9;
	v6 =	vor.u32 v63, v33  }
0x32b: {  	v0 =	vld [tilespmem:s30+$0xFFFFFEF0];
	[tilespmem:v3+s17+$0x0] =	vst.idx.msk $0xffff, v10  }
0x32c: {  	v3 =	vld [tilespmem:s30+$0xFFFFFF30];
	[tilespmem:v59+s17+$0x0] =	vst.idx.msk $0xffff, v11  }
0x32d: {  	v59 =	vld [tilespmem:s30+$0xFFFFFF70];
	[tilespmem:v48+s17+$0x0] =	vst.idx.msk $0xffff, v5;
	v33 =	vor.u32 v57, v38  }
0x32e: {  	v7 =	vld [tilespmem:s30+$0xFFFFFEB0];
	[tilespmem:v37+s17+$0x0] =	vst.idx.msk $0xffff, v36;
	v49 =	vor.u32 v31, v35  }
0x32f: {  	v35 =	vld [tilespmem:s30+$0xFFFFFFB0];
	[tilespmem:v6+s17+$0x0] =	vst.idx.msk $0xffff, v2;
	v2 =	vor.u32 v60, v39  }
0x330: {  	v38 =	vld [tilespmem:s30+$0x30];
	[tilespmem:v50+s17+$0x0] =	vst.idx.msk $0xffff, v0;
	v0 =	vor.u32 v58, v41  }
0x331: {  	v40 =	vld [tilespmem:s30+$0xB0];
	[tilespmem:v51+s17+$0x0] =	vst.idx.msk $0xffff, v3;
	v41 =	vor.u32 v31, v43  }
0x332: {  	v3 =	vor.u32 v63, v42;
	v39 =	vld [tilespmem:s30+$0x70];
	[tilespmem:v33+s17+$0x0] =	vst.idx.msk $0xffff, v59  }
0x333: {  	v8 =	vld [tilespmem:s30+$0x1B0];
	v33 =	vor.u32 v60, v47;
	[tilespmem:v49+s17+$0x0] =	vst.idx.msk $0xffff, v7  }
0x334: {  	v42 =	vld [tilespmem:s30+$0xF0];
	[tilespmem:v2+s17+$0x0] =	vst.idx.msk $0xffff, v35;
	v2 =	vor.u32 v32, v44  }
0x335: {  	s25 =	simm.s32 $0x2;
	s28 =	simm.s32 $0x4;
	v9 =	vor.u32 v58, v34;
	v43 =	vld [tilespmem:s30+$0x130];
	[tilespmem:v0+s17+$0x0] =	vst.idx.msk $0xffff, v38;
	v44 =	vor.u32 v62, v45  }
0x336: {  	s24 =	simm.s32 $0x0;
	v48 =	vmov s25;
	s25 =	simm.s32 $0x8;
	v50 =	vmov s28;
	v0 =	vor.u32 v57, v46;
	[tilespmem:v41+s17+$0x0] =	vst.idx.msk $0xffff, v40;
	v45 =	vld [tilespmem:s30+$0x170]  }
0x337: {  	s26 =	simm.s32 $0x3;
	s28 =	simm.s32 $0xA;
	v50 =	vshrl.u32 v50, $0x3;
	v47 =	vmov s24;
	v59 =	vmov s25;
	[tilespmem:v3+s17+$0x0] =	vst.idx.msk $0xffff, v39;
	v3 =	vld [tilespmem:s30+$0xFFFFFE30]  }
0x338: {  	v34 =	vshrl.u32 v47, $0x3;
	v49 =	vmov s26;
	s26 =	simm.s32 $0x9;
	v41 =	vmov s28;
	[tilespmem:v33+s17+$0x0] =	vst.idx.msk $0xffff, v8  }
0x339: {  	s25 =	simm.s32 $0xE;
	v6 =	vshrl.u32 v59, $0x3;
	v40 =	vmov s26;
	v47 =	vshll.u32 v34, v1;
	[tilespmem:v2+s17+$0x0] =	vst.idx.msk $0xffff, v42  }
0x33a: {  	s31 =	simm.s32 $0x1;
	v34 =	vmov s25;
	v37 =	vshrl.u32 v41, $0x3;
	v11 =	vshrl.u32 v40, $0x3;
	s30 =	simm.s32 $0x6;
	[tilespmem:v44+s17+$0x0] =	vst.idx.msk $0xffff, v43  }
0x33b: {  	s26 =	simm.s32 $0xF;
	v35 =	vmov s31;
	v33 =	vbroadcast v47, $0x0;
	v51 =	vmov s30;
	[tilespmem:v0+s17+$0x0] =	vst.idx.msk $0xffff, v45  }
0x33c: {  	s31 =	simm.s32 $0x7;
	[tilespmem:v9+s17+$0x0] =	vst.idx.msk $0xffff, v3;
	v3 =	vshrl.u32 v48, $0x3;
	v48 =	vshrl.u32 v49, $0x3;
	v49 =	vmov s26  }
0x33d: {  	v58 =	vmov s31;
	v35 =	vshrl.u32 v35, $0x3;
	[hbm4b:s7+s13] =	stream.strided.scatter [tilespmem:s17], [sflag:$0x3], $0x4000, s11, s13, $0x38;
	v9 =	vshrl.u32 v49, $0x3;
	[tilespmem:$0x16400] =	vst v63  }
0x33e: {  	s30 =	simm.s32 $0xC;
	v5 =	vshrl.u32 v51, $0x3;
	v51 =	vshll.u32 v35, v1;
	_ =	swait.ge [sflag:s18], $0x4000;
	v9 =	vshll.u32 v9, v1  }
0x33f: {  	s29 =	simm.s32 $0x5;
	v7 =	vmov s30;
	v47 =	vbroadcast v51, $0x0;
	[sflag:s18] =	ssyncset.done $0x0;
	v9 =	vbroadcast v9, $0x0  }
0x340: {  	s23 =	simm.s32 $0xA7F0;
	v36 =	vshrl.u32 v58, $0x3;
	v41 =	vor.u32 v12, v33;
	v2 =	vmov s29;
	[sflag:s18] =	ssyncadd.s32 $0xFFFFC000  }
0x341: {  	s29 =	simm.s32 $0xB;
	v42 =	vor.u32 v23, v47;
	v3 =	vshll.u32 v3, v1;
	v8 =	vld [tilespmem:s23+$0xFFFFFFD0];
	v35 =	vor.u32 v56, v9  }
0x342: {  	v0 =	vmov s29;
	v2 =	vshrl.u32 v2, $0x3;
	v46 =	vbroadcast v3, $0x0;
	v38 =	vld [tilespmem:s23+$0xFFFFFC10]  }
0x343: {  	v3 =	vshll.u32 v48, v1;
	v0 =	vshrl.u32 v0, $0x3;
	v2 =	vshll.u32 v2, v1;
	v4 =	vld [tilespmem:s23+$0xFFFFFC50]  }
0x344: {  	v45 =	vbroadcast v3, $0x0;
	v3 =	vshll.u32 v50, v1;
	v59 =	vor.u32 v16, v46;
	v58 =	vld [tilespmem:s23+$0xFFFFFC90]  }
0x345: {  	v40 =	vbroadcast v2, $0x0;
	v2 =	vshll.u32 v5, v1;
	v39 =	vbroadcast v3, $0x0  }
0x346: {  	v7 =	vshrl.u32 v7, $0x3;
	v0 =	vshll.u32 v0, v1;
	v3 =	vld [tilespmem:s23+$0xFFFFFCD0];
	v48 =	vor.u32 v20, v45;
	[tilespmem:v35+s19+$0x0] =	vst.idx.msk $0xffff, v8  }
0x347: {  	v49 =	vld [tilespmem:s23+$0xFFFFFD10];
	v50 =	vor.u32 v24, v39;
	[tilespmem:v41+s19+$0x0] =	vst.idx.msk $0xffff, v38;
	v38 =	vbroadcast v2, $0x0;
	v2 =	vshll.u32 v36, v1  }
0x348: {  	s31 =	simm.s32 $0xD;
	v8 =	vor.u32 v54, v9;
	[tilespmem:v42+s19+$0x0] =	vst.idx.msk $0xffff, v4;
	v35 =	vor.u32 v28, v40;
	v5 =	vld [tilespmem:s23+$0xFFFFFFE0];
	v41 =	vbroadcast v2, $0x0  }
0x349: {  	v44 =	vmov s31;
	v4 =	vld [tilespmem:s23+$0xFFFFFD50];
	[tilespmem:v59+s19+$0x0] =	vst.idx.msk $0xffff, v58;
	v2 =	vshll.u32 v6, v1;
	v59 =	vor.u32 v15, v38  }
0x34a: {  	v58 =	vld [tilespmem:s23+$0xFFFFFD90];
	v42 =	vbroadcast v2, $0x0;
	v2 =	vshll.u32 v11, v1;
	v11 =	vor.u32 v56, v41  }
0x34b: {  	[tilespmem:v48+s19+$0x0] =	vst.idx.msk $0xffff, v3;
	v3 =	vld [tilespmem:s23+$0xFFFFFDD0];
	v43 =	vbroadcast v2, $0x0;
	v2 =	vshrl.u32 v44, $0x3;
	v44 =	vshll.u32 v37, v1  }
0x34c: {  	v48 =	vld [tilespmem:s23+$0xFFFFFE10];
	[tilespmem:v50+s19+$0x0] =	vst.idx.msk $0xffff, v49;
	v37 =	vshrl.u32 v34, $0x3;
	v34 =	vbroadcast v0, $0x0;
	v49 =	vor.u32 v12, v42  }
0x34d: {  	v50 =	vld [tilespmem:s23+$0xFFFFFE50];
	v0 =	vshll.u32 v7, v1;
	v44 =	vbroadcast v44, $0x0;
	v56 =	vor.u32 v23, v43;
	[tilespmem:v8+s19+$0x0] =	vst.idx.msk $0xffff, v5  }
0x34e: {  	[tilespmem:v35+s19+$0x0] =	vst.idx.msk $0xffff, v4;
	v35 =	vbroadcast v0, $0x0;
	v5 =	vor.u32 v53, v9;
	v4 =	vld [tilespmem:s23+$0xFFFFFFF0]  }
0x34f: {  	v0 =	vshll.u32 v2, v1;
	[tilespmem:v59+s19+$0x0] =	vst.idx.msk $0xffff, v58;
	v58 =	vld [tilespmem:s23+$0xFFFFFE90];
	v59 =	vor.u32 v16, v44  }
0x350: {  	v36 =	vbroadcast v0, $0x0;
	v0 =	vshll.u32 v37, v1;
	v8 =	vld [tilespmem:s23+$0xFFFFFF10];
	v10 =	vor.u32 v24, v35;
	[tilespmem:v11+s19+$0x0] =	vst.idx.msk $0xffff, v3  }
0x351: {  	v2 =	vld [tilespmem:s23+$0xFFFFFED0];
	v37 =	vbroadcast v0, $0x0;
	v3 =	vor.u32 v20, v34;
	[tilespmem:v49+s19+$0x0] =	vst.idx.msk $0xffff, v48  }
0x352: {  	v0 =	vld [tilespmem:s23+$0xFFFFFF50];
	v11 =	vor.u32 v28, v36;
	[tilespmem:v56+s19+$0x0] =	vst.idx.msk $0xffff, v50  }
0x353: {  	v48 =	vld [tilespmem:s23+$0xFFFFFF90];
	v56 =	vor.u32 v15, v37;
	[tilespmem:v5+s19+$0x0] =	vst.idx.msk $0xffff, v4  }
0x354: {  	v49 =	vld [tilespmem:s23+$0xFFFFFE20];
	v50 =	vor.u32 v13, v42;
	[tilespmem:v59+s19+$0x0] =	vst.idx.msk $0xffff, v58  }
0x355: {  	v58 =	vld [tilespmem:s23+$0xFFFFFC60];
	v59 =	vor.u32 v19, v47;
	[tilespmem:v10+s19+$0x0] =	vst.idx.msk $0xffff, v8  }
0x356: {  	v5 =	vor.u32 v61, v9;
	v8 =	vld [tilespmem:s23+$0xFFFFFCE0];
	v9 =	vor.u32 v22, v45;
	[tilespmem:v3+s19+$0x0] =	vst.idx.msk $0xffff, v2  }
0x357: {  	v2 =	vld [tilespmem:s23+$0xFFFFFCA0];
	v3 =	vor.u32 v18, v46;
	[tilespmem:v11+s19+$0x0] =	vst.idx.msk $0xffff, v0  }
0x358: {  	v10 =	vor.u32 v26, v39;
	v0 =	vld [tilespmem:s23+$0xFFFFFD20];
	[tilespmem:v56+s19+$0x0] =	vst.idx.msk $0xffff, v48  }
0x359: {  	v4 =	vld [tilespmem:s23+$0x0];
	[tilespmem:v50+s19+$0x0] =	vst.idx.msk $0xffff, v49  }
0x35a: {  	v11 =	vld [tilespmem:s23+$0xFFFFFD60];
	v56 =	vor.u32 v30, v40;
	[tilespmem:v59+s19+$0x0] =	vst.idx.msk $0xffff, v58  }
0x35b: {  	v58 =	vld [tilespmem:s23+$0xFFFFFDA0];
	v59 =	vor.u32 v55, v38;
	[tilespmem:v9+s19+$0x0] =	vst.idx.msk $0xffff, v8  }
0x35c: {  	[tilespmem:v3+s19+$0x0] =	vst.idx.msk $0xffff, v2;
	v2 =	vld [tilespmem:s23+$0xFFFFFDE0];
	v3 =	vor.u32 v54, v41  }
0x35d: {  	v51 =	vor.u32 v19, v43;
	[tilespmem:v10+s19+$0x0] =	vst.idx.msk $0xffff, v0;
	v0 =	vld [tilespmem:s23+$0xFFFFFE60]  }
0x35e: {  	v9 =	vld [tilespmem:s23+$0xFFFFFEA0];
	[tilespmem:v5+s19+$0x0] =	vst.idx.msk $0xffff, v4;
	v54 =	vor.u32 v18, v44  }
0x35f: {  	v4 =	vld [tilespmem:s23+$0xFFFFFEE0];
	[tilespmem:v56+s19+$0x0] =	vst.idx.msk $0xffff, v11;
	v56 =	vor.u32 v22, v34  }
0x360: {  	v48 =	vor.u32 v13, v33;
	v11 =	vld [tilespmem:s23+$0xFFFFFC20];
	[tilespmem:v59+s19+$0x0] =	vst.idx.msk $0xffff, v58  }
0x361: {  	v58 =	vld [tilespmem:s23+$0xFFFFFF60];
	v59 =	vor.u32 v30, v36;
	[tilespmem:v3+s19+$0x0] =	vst.idx.msk $0xffff, v2  }
0x362: {  	v2 =	vld [tilespmem:s23+$0xFFFFFF20];
	v3 =	vor.u32 v26, v35;
	[tilespmem:v51+s19+$0x0] =	vst.idx.msk $0xffff, v0  }
0x363: {  	v8 =	vor.u32 v55, v37;
	v0 =	vld [tilespmem:s23+$0xFFFFFFA0];
	[tilespmem:v54+s19+$0x0] =	vst.idx.msk $0xffff, v9  }
0x364: {  	v51 =	vld [tilespmem:s23+$0xFFFFFC70];
	v54 =	vor.u32 v17, v47;
	[tilespmem:v56+s19+$0x0] =	vst.idx.msk $0xffff, v4  }
0x365: {  	v50 =	vor.u32 v52, v38;
	v49 =	vld [tilespmem:s23+$0xFFFFFDB0];
	[tilespmem:v48+s19+$0x0] =	vst.idx.msk $0xffff, v11  }
0x366: {  	v55 =	vld [tilespmem:s23+$0xFFFFFCB0];
	v56 =	vor.u32 v27, v46;
	[tilespmem:v59+s19+$0x0] =	vst.idx.msk $0xffff, v58  }
0x367: {  	v58 =	vld [tilespmem:s23+$0xFFFFFD30];
	v59 =	vor.u32 v25, v39;
	[tilespmem:v3+s19+$0x0] =	vst.idx.msk $0xffff, v2  }
0x368: {  	v2 =	vld [tilespmem:s23+$0xFFFFFCF0];
	v3 =	vor.u32 v21, v45;
	[tilespmem:v8+s19+$0x0] =	vst.idx.msk $0xffff, v0  }
0x369: {  	v48 =	vor.u32 v29, v40;
	v0 =	vld [tilespmem:s23+$0xFFFFFD70];
	[tilespmem:v54+s19+$0x0] =	vst.idx.msk $0xffff, v51  }
0x36a: {  	v51 =	vld [tilespmem:s23+$0xFFFFFDF0];
	v54 =	vor.u32 v53, v41;
	[tilespmem:v50+s19+$0x0] =	vst.idx.msk $0xffff, v49  }
0x36b: {  	v5 =	vor.u32 v25, v35;
	v4 =	vld [tilespmem:s23+$0xFFFFFF30];
	[tilespmem:v56+s19+$0x0] =	vst.idx.msk $0xffff, v55  }
0x36c: {  	v7 =	vor.u32 v52, v37;
	v6 =	vld [tilespmem:s23+$0xFFFFFFB0];
	[tilespmem:v59+s19+$0x0] =	vst.idx.msk $0xffff, v58  }
0x36d: {  	v55 =	vld [tilespmem:s23+$0xFFFFFE70];
	v56 =	vor.u32 v17, v43;
	[tilespmem:v3+s19+$0x0] =	vst.idx.msk $0xffff, v2  }
0x36e: {  	v9 =	vld [tilespmem:s23+$0xFFFFFEF0];
	v58 =	vor.u32 v21, v34;
	[tilespmem:v48+s19+$0x0] =	vst.idx.msk $0xffff, v0  }
0x36f: {  	v2 =	vld [tilespmem:s23+$0xFFFFFE30];
	v3 =	vor.u32 v14, v42;
	[tilespmem:v54+s19+$0x0] =	vst.idx.msk $0xffff, v51  }
0x370: {  	v8 =	vor.u32 v27, v44;
	v0 =	vld [tilespmem:s23+$0xFFFFFEB0];
	[tilespmem:v5+s19+$0x0] =	vst.idx.msk $0xffff, v4  }
0x371: {  	s28 =	simm.s32 $0x10;
	v49 =	vor.u32 v14, v33;
	v48 =	vld [tilespmem:s23+$0xFFFFFC30];
	[tilespmem:v7+s19+$0x0] =	vst.idx.msk $0xffff, v6  }
0x372: {  	v47 =	vor.u32 v63, v47;
	v59 =	vmov s28;
	v54 =	vld [tilespmem:s23+$0xFFFFFC80];
	[tilespmem:v56+s19+$0x0] =	vst.idx.msk $0xffff, v55  }
0x373: {  	v11 =	vshrl.u32 v59, $0x3;
	v59 =	vor.u32 v32, v45;
	v5 =	vld [tilespmem:s23+$0xFFFFFD00];
	[tilespmem:v58+s19+$0x0] =	vst.idx.msk $0xffff, v9  }
0x374: {  	v56 =	vld [tilespmem:s23+$0xFFFFFCC0];
	v58 =	vor.u32 v31, v46;
	[tilespmem:v3+s19+$0x0] =	vst.idx.msk $0xffff, v2  }
0x375: {  	v2 =	vld [tilespmem:s23+$0xFFFFFF70];
	v3 =	vor.u32 v29, v36;
	[tilespmem:v8+s19+$0x0] =	vst.idx.msk $0xffff, v0  }
0x376: {  	[tilespmem:v49+s19+$0x0] =	vst.idx.msk $0xffff, v48  }
0x377: {  	s26 =	simm.s32 $0x15;
	v60 =	vor.u32 v60, v38;
	[tilespmem:v47+s19+$0x0] =	vst.idx.msk $0xffff, v54  }
0x378: {  	v61 =	vor.u32 v61, v41;
	v10 =	vmov s26;
	v63 =	vor.u32 v63, v43;
	s28 =	simm.s32 $0x16;
	[tilespmem:v59+s19+$0x0] =	vst.idx.msk $0xffff, v5  }
0x379: {  	s30 =	simm.s32 $0x12;
	s29 =	simm.s32 $0x11;
	v41 =	vshrl.u32 v10, $0x3;
	v44 =	vor.u32 v31, v44;
	v4 =	vmov s28;
	v6 =	vld [tilespmem:s23+$0xFFFFFD80];
	[tilespmem:v58+s19+$0x0] =	vst.idx.msk $0xffff, v56  }
0x37a: {  	v32 =	vor.u32 v57, v40;
	v55 =	vmov s29;
	v0 =	vmov s30;
	[tilespmem:v3+s19+$0x0] =	vst.idx.msk $0xffff, v2;
	v2 =	vld [tilespmem:s23+$0xFFFFFD40]  }
0x37b: {  	s25 =	simm.s32 $0x14;
	s28 =	simm.s32 $0x1B;
	s29 =	simm.s32 $0x17;
	v56 =	vshrl.u32 v55, $0x3;
	v55 =	vshrl.u32 v0, $0x3;
	v3 =	vor.u32 v62, v39;
	v0 =	vld [tilespmem:$0x1FFA0]  }
0x37c: {  	s31 =	simm.s32 $0x13;
	s26 =	simm.s32 $0x1A;
	v57 =	vld [tilespmem:s23+$0xFFFFFDC0];
	v50 =	vmov s28;
	v52 =	vmov s29;
	s29 =	simm.s32 $0x1C;
	v9 =	vmov s25  }
0x37d: {  	v46 =	vmov s26;
	v51 =	vmov s29;
	v8 =	vmov s31;
	s30 =	simm.s32 $0x18;
	v59 =	vld [tilespmem:s23+$0xFFFFFE40]  }
0x37e: {  	s31 =	simm.s32 $0x19;
	v54 =	vshll.u32 v11, v1;
	v38 =	vshrl.u32 v9, $0x3;
	v53 =	vmov s30;
	s30 =	simm.s32 $0x1D;
	v43 =	vld [tilespmem:s23+$0xFFFFFEC0]  }
0x37f: {  	v45 =	vmov s31;
	s31 =	simm.s32 $0x1E;
	v40 =	vshrl.u32 v8, $0x3;
	v48 =	vmov s30;
	v58 =	vld [tilespmem:s23+$0xFFFFFE00];
	[tilespmem:v32+s19+$0x0] =	vst.idx.msk $0xffff, v6  }
0x380: {  	s24 =	simm.s32 $0x20;
	s25 =	simm.s32 $0x1F;
	v49 =	vmov s31;
	v39 =	vshrl.u32 v4, $0x3;
	[tilespmem:v3+s19+$0x0] =	vst.idx.msk $0xffff, v2;
	v62 =	vor.u32 v0, v42;
	v42 =	vld [tilespmem:s23+$0xFFFFFE80]  }
.LBB2_10:
0x381: {  	v3 =	vld [tilespmem:s23+$0xFFFFFF00]  }
0x382: {  	v6 =	vld [tilespmem:s23+$0xFFFFFF40]  }
0x383: {  	v32 =	vld [tilespmem:$0x1FF40]  }
0x384: {  	v9 =	vld [tilespmem:s23+$0xFFFFFF80]  }
0x385: {  	v29 =	vld [tilespmem:$0x1FFA0]  }
0x386: {  	v0 =	vshrl.u32 v52, $0x3;
	v52 =	vld [tilespmem:$0x1FF50]  }
0x387: {  	v5 =	vshrl.u32 v53, $0x3;
	v53 =	vld [tilespmem:$0x1FF10]  }
0x388: {  	[tilespmem:v60+s19+$0x0] =	vst.idx.msk $0xffff, v57;
	v60 =	vld [tilespmem:$0x1FF60]  }
0x389: {  	[tilespmem:v62+s19+$0x0] =	vst.idx.msk $0xffff, v59;
	v62 =	vld [tilespmem:$0x1FF00]  }
0x38a: {  	v28 =	vld [tilespmem:$0x1FFE0]  }
0x38b: {  	v2 =	vmov s25;
	v31 =	vld [tilespmem:$0x1FFC0];
	v7 =	vor.u32 v32, v35  }
0x38c: {  	v8 =	vshrl.u32 v45, $0x3;
	v2 =	vshrl.u32 v2, $0x3;
	v57 =	vld [tilespmem:$0x1FF80]  }
0x38d: {  	v11 =	vshrl.u32 v46, $0x3;
	v2 =	vshll.u32 v2, v1;
	[tilespmem:v61+s19+$0x0] =	vst.idx.msk $0xffff, v58;
	v4 =	vor.u32 v60, v34;
	v34 =	vld [tilespmem:s23+$0xFFFFFFC0]  }
0x38e: {  	v2 =	vbroadcast v2, $0x0;
	[tilespmem:v63+s19+$0x0] =	vst.idx.msk $0xffff, v42;
	v61 =	vshll.u32 v56, v1;
	v35 =	vor.u32 v62, v37;
	v37 =	vld [tilespmem:s23+$0xFFFFFC40];
	s23 =	sadd.s32 $0x400, s23  }
0x38f: {  	[tilespmem:v44+s19+$0x0] =	vst.idx.msk $0xffff, v43;
	v63 =	vshll.u32 v55, v1;
	v42 =	vor.u32 v29, v33;
	v45 =	vbroadcast v61, $0x0;
	v43 =	vld [tilespmem:s23+$0xFFFFFFD0]  }
0x390: {  	v33 =	vbroadcast v54, $0x0;
	v54 =	vor.u32 v52, v2;
	v46 =	vbroadcast v63, $0x0;
	[tilespmem:v7+s19+$0x0] =	vst.idx.msk $0xffff, v6;
	v6 =	vld [tilespmem:s23+$0xFFFFFC50]  }
0x391: {  	v58 =	vshll.u32 v40, v1;
	v7 =	vor.u32 v23, v45;
	v61 =	vld [tilespmem:s23+$0xFFFFFC90]  }
0x392: {  	v59 =	vshll.u32 v38, v1;
	v40 =	vbroadcast v58, $0x0;
	v63 =	vor.u32 v16, v46;
	v56 =	vld [tilespmem:s23+$0xFFFFFCD0]  }
0x393: {  	v38 =	vbroadcast v59, $0x0;
	v10 =	vor.u32 v57, v36;
	v59 =	vld [tilespmem:s23+$0xFFFFFD10];
	[tilespmem:v4+s19+$0x0] =	vst.idx.msk $0xffff, v3  }
0x394: {  	v39 =	vshll.u32 v39, v1;
	v58 =	vor.u32 v20, v40;
	v3 =	vld [tilespmem:s23+$0xFFFFFC10];
	[tilespmem:v42+s19+$0x0] =	vst.idx.msk $0xffff, v37  }
0x395: {  	v39 =	vbroadcast v39, $0x0;
	v0 =	vshll.u32 v0, v1;
	v37 =	vld [tilespmem:s23+$0xFFFFFE10];
	[tilespmem:v54+s19+$0x0] =	vst.idx.msk $0xffff, v43  }
0x396: {  	v47 =	vor.u32 v24, v38;
	v42 =	vbroadcast v0, $0x0;
	v0 =	vshll.u32 v5, v1;
	[tilespmem:v7+s19+$0x0] =	vst.idx.msk $0xffff, v6;
	v6 =	vld [tilespmem:s23+$0xFFFFFD50]  }
0x397: {  	v55 =	vor.u32 v12, v33;
	[tilespmem:v63+s19+$0x0] =	vst.idx.msk $0xffff, v61;
	v61 =	vld [tilespmem:s23+$0xFFFFFD90];
	v43 =	vbroadcast v0, $0x0;
	v0 =	vshll.u32 v8, v1  }
0x398: {  	[tilespmem:v10+s19+$0x0] =	vst.idx.msk $0xffff, v9;
	v63 =	vor.u32 v15, v39;
	v8 =	vld [tilespmem:s23+$0xFFFFFDD0];
	v44 =	vbroadcast v0, $0x0  }
0x399: {  	v41 =	vshll.u32 v41, v1;
	[tilespmem:v58+s19+$0x0] =	vst.idx.msk $0xffff, v56;
	v56 =	vld [tilespmem:s23+$0xFFFFFE50];
	v0 =	vshrl.u32 v48, $0x3;
	v48 =	vor.u32 v12, v43  }
0x39a: {  	v49 =	vshrl.u32 v49, $0x3;
	v41 =	vbroadcast v41, $0x0;
	[tilespmem:v35+s19+$0x0] =	vst.idx.msk $0xffff, v34;
	v54 =	vld [tilespmem:s23+$0xFFFFFF10];
	v58 =	vor.u32 v23, v44  }
0x39b: {  	v11 =	vshll.u32 v11, v1;
	v36 =	vshrl.u32 v50, $0x3;
	v4 =	vor.u32 v53, v2;
	[tilespmem:v47+s19+$0x0] =	vst.idx.msk $0xffff, v59;
	v5 =	vld [tilespmem:s23+$0xFFFFFC60]  }
0x39c: {  	v47 =	vbroadcast v11, $0x0;
	v59 =	vshll.u32 v36, v1;
	v0 =	vshll.u32 v0, v1;
	[tilespmem:v55+s19+$0x0] =	vst.idx.msk $0xffff, v3;
	v3 =	vld [tilespmem:s23+$0xFFFFFFE0]  }
0x39d: {  	v10 =	vor.u32 v52, v42;
	v36 =	vbroadcast v0, $0x0;
	v0 =	vshll.u32 v49, v1;
	[tilespmem:v63+s19+$0x0] =	vst.idx.msk $0xffff, v61;
	v61 =	vld [tilespmem:s23+$0xFFFFFE90]  }
0x39e: {  	v63 =	vor.u32 v16, v47;
	[tilespmem:v48+s19+$0x0] =	vst.idx.msk $0xffff, v37;
	v37 =	vbroadcast v0, $0x0;
	v0 =	vld [tilespmem:s23+$0xFFFFFF50]  }
0x39f: {  	v7 =	vor.u32 v28, v41;
	[tilespmem:v58+s19+$0x0] =	vst.idx.msk $0xffff, v56;
	v58 =	vld [tilespmem:s23+$0xFFFFFF90]  }
0x3a0: {  	v50 =	vshrl.u32 v51, $0x3;
	v34 =	vbroadcast v59, $0x0;
	v56 =	vor.u32 v28, v36;
	v51 =	vld [tilespmem:s23+$0xFFFFFE20]  }
0x3a1: {  	[tilespmem:v4+s19+$0x0] =	vst.idx.msk $0xffff, v3;
	v3 =	vshll.u32 v50, v1;
	v50 =	vld [tilespmem:$0x1FF20];
	v59 =	vor.u32 v15, v37  }
0x3a2: {  	[tilespmem:v10+s19+$0x0] =	vst.idx.msk $0xffff, v8;
	v8 =	vor.u32 v20, v34;
	v35 =	vbroadcast v3, $0x0;
	v3 =	vld [tilespmem:s23+$0xFFFFFED0]  }
0x3a3: {  	v28 =	vld [tilespmem:$0x1FF70];
	[tilespmem:v63+s19+$0x0] =	vst.idx.msk $0xffff, v61;
	v63 =	vor.u32 v19, v45  }
0x3a4: {  	[tilespmem:v7+s19+$0x0] =	vst.idx.msk $0xffff, v6;
	v4 =	vld [tilespmem:s23+$0xFFFFFFF0];
	v55 =	vor.u32 v24, v35  }
0x3a5: {  	[tilespmem:v56+s19+$0x0] =	vst.idx.msk $0xffff, v0;
	v0 =	vld [tilespmem:s23+$0xFFFFFD20];
	v56 =	vor.u32 v26, v38  }
0x3a6: {  	v61 =	vld [tilespmem:$0x1FF30];
	v6 =	vor.u32 v50, v2;
	[tilespmem:v59+s19+$0x0] =	vst.idx.msk $0xffff, v58  }
0x3a7: {  	v58 =	vld [tilespmem:s23+$0xFFFFFD60];
	[tilespmem:v8+s19+$0x0] =	vst.idx.msk $0xffff, v3  }
0x3a8: {  	v52 =	vor.u32 v18, v46;
	v59 =	vor.u32 v30, v41;
	v3 =	vld [tilespmem:s23+$0xFFFFFCA0];
	[tilespmem:v63+s19+$0x0] =	vst.idx.msk $0xffff, v5  }
0x3a9: {  	v63 =	vor.u32 v31, v39;
	v8 =	vor.u32 v31, v37;
	v31 =	vld [tilespmem:$0x1FFD0];
	[tilespmem:v55+s19+$0x0] =	vst.idx.msk $0xffff, v54  }
0x3aa: {  	v54 =	vld [tilespmem:s23+$0xFFFFFCE0];
	v55 =	vor.u32 v22, v40;
	[tilespmem:v56+s19+$0x0] =	vst.idx.msk $0xffff, v0  }
0x3ab: {  	v49 =	vor.u32 v53, v42;
	v53 =	vor.u32 v19, v44;
	v0 =	vld [tilespmem:s23+$0xFFFFFE60];
	[tilespmem:v6+s19+$0x0] =	vst.idx.msk $0xffff, v4  }
0x3ac: {  	v2 =	vor.u32 v61, v2;
	v4 =	vld [tilespmem:s23+$0x0]  }
0x3ad: {  	[tilespmem:v52+s19+$0x0] =	vst.idx.msk $0xffff, v3;
	v3 =	vld [tilespmem:s23+$0xFFFFFDE0]  }
0x3ae: {  	[tilespmem:v59+s19+$0x0] =	vst.idx.msk $0xffff, v58;
	v59 =	vld [tilespmem:s23+$0xFFFFFF60];
	v52 =	vor.u32 v13, v43  }
0x3af: {  	[tilespmem:v55+s19+$0x0] =	vst.idx.msk $0xffff, v54;
	v54 =	vld [tilespmem:s23+$0xFFFFFEA0]  }
0x3b0: {  	v55 =	vor.u32 v18, v47;
	[tilespmem:v53+s19+$0x0] =	vst.idx.msk $0xffff, v0;
	v0 =	vld [tilespmem:s23+$0xFFFFFFA0]  }
0x3b1: {  	[tilespmem:v2+s19+$0x0] =	vst.idx.msk $0xffff, v4;
	v2 =	vld [tilespmem:s23+$0xFFFFFDA0]  }
0x3b2: {  	[tilespmem:v49+s19+$0x0] =	vst.idx.msk $0xffff, v3;
	v3 =	vld [tilespmem:s23+$0xFFFFFF20]  }
0x3b3: {  	[tilespmem:v52+s19+$0x0] =	vst.idx.msk $0xffff, v51;
	v52 =	vld [tilespmem:s23+$0xFFFFFC20]  }
0x3b4: {  	v58 =	vor.u32 v26, v35;
	v49 =	vld [tilespmem:$0x1FFF0]  }
0x3b5: {  	v53 =	vor.u32 v13, v33;
	[tilespmem:v55+s19+$0x0] =	vst.idx.msk $0xffff, v54;
	v54 =	vld [tilespmem:s23+$0xFFFFFC70]  }
0x3b6: {  	v56 =	vor.u32 v22, v34;
	[tilespmem:v63+s19+$0x0] =	vst.idx.msk $0xffff, v2;
	v2 =	vld [tilespmem:s23+$0xFFFFFEE0]  }
0x3b7: {  	v55 =	vor.u32 v17, v45;
	[tilespmem:v8+s19+$0x0] =	vst.idx.msk $0xffff, v0;
	v0 =	vld [tilespmem:s23+$0xFFFFFD70]  }
0x3b8: {  	v6 =	vld [tilespmem:s23+$0xFFFFFFB0];
	v63 =	vor.u32 v30, v36  }
0x3b9: {  	[tilespmem:v58+s19+$0x0] =	vst.idx.msk $0xffff, v3;
	v3 =	vld [tilespmem:s23+$0xFFFFFCF0];
	v58 =	vor.u32 v21, v40  }
0x3ba: {  	v7 =	vor.u32 v31, v37;
	[tilespmem:v53+s19+$0x0] =	vst.idx.msk $0xffff, v52;
	v52 =	vld [tilespmem:s23+$0xFFFFFDB0]  }
0x3bb: {  	[tilespmem:v56+s19+$0x0] =	vst.idx.msk $0xffff, v2;
	v2 =	vld [tilespmem:s23+$0xFFFFFCB0];
	v56 =	vor.u32 v27, v46  }
0x3bc: {  	v51 =	vor.u32 v49, v41;
	v48 =	vld [tilespmem:s23+$0xFFFFFC30];
	[tilespmem:v55+s19+$0x0] =	vst.idx.msk $0xffff, v54  }
0x3bd: {  	[tilespmem:v63+s19+$0x0] =	vst.idx.msk $0xffff, v59;
	v59 =	vld [tilespmem:s23+$0xFFFFFD30];
	v63 =	vor.u32 v25, v38  }
0x3be: {  	v10 =	vor.u32 v21, v34;
	v55 =	vor.u32 v14, v43;
	[tilespmem:v58+s19+$0x0] =	vst.idx.msk $0xffff, v3;
	v3 =	vld [tilespmem:s23+$0xFFFFFE30]  }
0x3bf: {  	v61 =	vor.u32 v61, v42;
	v4 =	vor.u32 v25, v35;
	[tilespmem:v7+s19+$0x0] =	vst.idx.msk $0xffff, v6;
	v9 =	vld [tilespmem:s23+$0xFFFFFEF0]  }
0x3c0: {  	v53 =	vor.u32 v31, v39;
	v54 =	vor.u32 v50, v42;
	[tilespmem:v56+s19+$0x0] =	vst.idx.msk $0xffff, v2;
	v2 =	vld [tilespmem:s23+$0xFFFFFDF0]  }
0x3c1: {  	v5 =	vor.u32 v49, v36;
	v58 =	vor.u32 v17, v44;
	[tilespmem:v51+s19+$0x0] =	vst.idx.msk $0xffff, v0;
	v56 =	vld [tilespmem:s23+$0xFFFFFE70]  }
0x3c2: {  	v49 =	vor.u32 v14, v33;
	v0 =	vld [tilespmem:s23+$0xFFFFFEB0];
	[tilespmem:v63+s19+$0x0] =	vst.idx.msk $0xffff, v59;
	v59 =	vor.u32 v27, v47  }
0x3c3: {  	v31 =	vmov v15;
	v15 =	vmov v14;
	v40 =	vor.u32 v60, v40;
	[tilespmem:v55+s19+$0x0] =	vst.idx.msk $0xffff, v3;
	v3 =	vld [tilespmem:s23+$0xFFFFFF70]  }
0x3c4: {  	v60 =	vor.u32 v62, v39;
	v62 =	vor.u32 v29, v43;
	v14 =	vmovc v13;
	v6 =	vld [tilespmem:s23+$0xFFFFFD80];
	v63 =	vmov s24;
	[tilespmem:v10+s19+$0x0] =	vst.idx.msk $0xffff, v9  }
0x3c5: {  	v13 =	vmovc v12;
	v12 =	vmovc v19;
	v19 =	vmov v17;
	v17 =	vmov v23;
	v11 =	vshrl.u32 v63, $0x3;
	v63 =	vld [tilespmem:$0x1FF90];
	[tilespmem:v54+s19+$0x0] =	vst.idx.msk $0xffff, v2  }
0x3c6: {  	s26 =	sadd.s32 $0x3, s24;
	v23 =	vmovc v27;
	v27 =	vmovc v18;
	v18 =	vmov v16;
	v16 =	vmov v22;
	v22 =	vmov v21;
	v2 =	vld [tilespmem:s23+$0xFFFFFF30];
	[tilespmem:v58+s19+$0x0] =	vst.idx.msk $0xffff, v56  }
0x3c7: {  	s28 =	sadd.s32 $0x1, s24;
	s30 =	sadd.s32 $0x4, s24;
	v8 =	vmov s26;
	v21 =	vmovc v20;
	v20 =	vmovc v25;
	v25 =	vmov v26;
	[tilespmem:v59+s19+$0x0] =	vst.idx.msk $0xffff, v0;
	v58 =	vld [tilespmem:s23+$0xFFFFFCC0];
	v59 =	vor.u32 v28, v46  }
0x3c8: {  	s31 =	sadd.s32 $0x5, s24;
	v55 =	vmov s28;
	v9 =	vmov s30;
	s30 =	sadd.s32 $0x8, s24;
	[tilespmem:v5+s19+$0x0] =	vst.idx.msk $0xffff, v3;
	v3 =	vld [tilespmem:s23+$0xFFFFFD40];
	v5 =	vor.u32 v32, v38  }
0x3c9: {  	[tilespmem:v53+s19+$0x0] =	vst.idx.msk $0xffff, v52;
	v10 =	vmov s31;
	v53 =	vmov s30;
	s30 =	sadd.s32 $0xD, s24;
	v54 =	vld [tilespmem:s23+$0xFFFFFC80];
	v32 =	vor.u32 v57, v41  }
0x3ca: {  	s29 =	sadd.s32 $0x2, s24;
	s26 =	sadd.s32 $0xA, s24;
	[tilespmem:v49+s19+$0x0] =	vst.idx.msk $0xffff, v48;
	v26 =	vmovc v25;
	v48 =	vmov s30;
	v25 =	vmovc v20;
	v20 =	vmov v21;
	v57 =	vld [tilespmem:s23+$0xFFFFFDC0];
	v56 =	vor.u32 v63, v45  }
0x3cb: {  	p0 =	slt.u32 s24, $0xF0;
	v21 =	vmovc v22;
	v22 =	vmovc v16;
	v16 =	vmov v18;
	v0 =	vmov s29;
	s29 =	sadd.s32 $0x7, s24;
	v46 =	vmov s26;
	[tilespmem:v4+s19+$0x0] =	vst.idx.msk $0xffff, v2;
	v4 =	vld [tilespmem:s23+$0xFFFFFD00]  }
.Ltmp4:
0x3cc: {  	s31 =	sadd.s32 $0x9, s24;
	v18 =	vmovc v27;
	v27 =	vmovc v23;
	v38 =	vshrl.u32 v9, $0x3;
	v41 =	vshrl.u32 v10, $0x3;
	v52 =	vmov s29;
	v42 =	vld [tilespmem:s23+$0xFFFFFE80];
	[tilespmem:v59+s19+$0x0] =	vst.idx.msk $0xffff, v58;
	(pc) =	sbr.rel @p0 .LBB2_10-.Ltmp4, $4  }
0x3cd: {  	s28 =	sadd.s32 $0x6, s24;
	v23 =	vmovc v17;
	v45 =	vmov s31;
	s29 =	sadd.s32 $0xC, s24;
	s31 =	sadd.s32 $0xE, s24;
	v63 =	vor.u32 v63, v44;
	v43 =	vld [tilespmem:s23+$0xFFFFFEC0];
	v44 =	vor.u32 v28, v47;
	[tilespmem:v5+s19+$0x0] =	vst.idx.msk $0xffff, v3  }
0x3ce: {  	v17 =	vmovc v19;
	v19 =	vmovc v12;
	v51 =	vmov s29;
	v49 =	vmov s31;
	v2 =	vmov s28;
	s28 =	sadd.s32 $0xB, s24;
	[tilespmem:v32+s19+$0x0] =	vst.idx.msk $0xffff, v6  }
0x3cf: {  	v12 =	vmovc v13;
	v13 =	vmovc v14;
	v58 =	vld [tilespmem:s23+$0xFFFFFE00];
	v50 =	vmov s28;
	[tilespmem:v56+s19+$0x0] =	vst.idx.msk $0xffff, v54;
	v54 =	vshll.u32 v11, v1;
	v56 =	vshrl.u32 v55, $0x3  }
0x3d0: {  	s25 =	sadd.s32 $0xF, s24;
	v14 =	vmovc v15;
	v15 =	vmovc v31;
	v59 =	vld [tilespmem:s23+$0xFFFFFE40];
	s24 =	sadd.s32 $0x10, s24;
	v55 =	vshrl.u32 v0, $0x3;
	v39 =	vshrl.u32 v2, $0x3;
	[tilespmem:v40+s19+$0x0] =	vst.idx.msk $0xffff, v4;
	v40 =	vshrl.u32 v8, $0x3  }
0x3d1: {  	_ =	sdelay $0x3  }
0x3d2: {  	[tilespmem:v60+s19+$0x0] =	vst.idx.msk $0xffff, v57;
	v3 =	vld [tilespmem:s23+$0xFFFFFF00]  }
0x3d3: {  	v60 =	vld [tilespmem:$0x1FF60];
	[tilespmem:v61+s19+$0x0] =	vst.idx.msk $0xffff, v58  }
0x3d4: {  	v57 =	vld [tilespmem:$0x1FF40];
	[tilespmem:v62+s19+$0x0] =	vst.idx.msk $0xffff, v59  }
0x3d5: {  	v61 =	vld [tilespmem:$0x1FF80];
	[tilespmem:v63+s19+$0x0] =	vst.idx.msk $0xffff, v42  }
0x3d6: {  	v58 =	vld [tilespmem:$0x1FF00]  }
0x3d7: {  	v31 =	vld [tilespmem:$0x1FFA0]  }
0x3d8: {  	v0 =	vshrl.u32 v52, $0x3;
	v6 =	vld [tilespmem:s23+$0xFFFFFF40];
	v4 =	vor.u32 v60, v34;
	[tilespmem:v44+s19+$0x0] =	vst.idx.msk $0xffff, v43  }
0x3d9: {  	v2 =	vmov s25;
	v5 =	vshrl.u32 v53, $0x3;
	v28 =	vld [tilespmem:$0x1FF50];
	v7 =	vor.u32 v57, v35  }
0x3da: {  	v9 =	vld [tilespmem:s23+$0xFFFFFF80];
	v11 =	vshrl.u32 v46, $0x3;
	v2 =	vshrl.u32 v2, $0x3;
	v10 =	vor.u32 v61, v36  }
0x3db: {  	v52 =	vld [tilespmem:s23+$0xFFFFFFC0];
	v2 =	vshll.u32 v2, v1;
	v34 =	vbroadcast v54, $0x0;
	v53 =	vor.u32 v58, v37  }
0x3dc: {  	v56 =	vshll.u32 v56, v1;
	v46 =	vld [tilespmem:s23+$0xFFFFFC40];
	s31 =	sadd.s32 $0x400, s23;
	v2 =	vbroadcast v2, $0x0;
	v47 =	vor.u32 v31, v33  }
0x3dd: {  	v63 =	vor.u32 v12, v34;
	v33 =	vbroadcast v56, $0x0;
	[tilespmem:v4+s19+$0x0] =	vst.idx.msk $0xffff, v3;
	v3 =	vld [tilespmem:s31+$0xFFFFFC10]  }
0x3de: {  	v43 =	vld [tilespmem:s31+$0xFFFFFFD0];
	v62 =	vor.u32 v28, v2;
	[tilespmem:v7+s19+$0x0] =	vst.idx.msk $0xffff, v6  }
0x3df: {  	v6 =	vld [tilespmem:s31+$0xFFFFFC50];
	v7 =	vor.u32 v23, v33;
	[tilespmem:v10+s19+$0x0] =	vst.idx.msk $0xffff, v9  }
0x3e0: {  	[tilespmem:v53+s19+$0x0] =	vst.idx.msk $0xffff, v52  }
0x3e1: {  	[tilespmem:v47+s19+$0x0] =	vst.idx.msk $0xffff, v46  }
0x3e2: {  	[tilespmem:v63+s19+$0x0] =	vst.idx.msk $0xffff, v3  }
0x3e3: {  	v59 =	vshll.u32 v55, v1;
	v54 =	vshll.u32 v40, v1;
	[tilespmem:v62+s19+$0x0] =	vst.idx.msk $0xffff, v43  }
0x3e4: {  	v35 =	vbroadcast v59, $0x0;
	v36 =	vbroadcast v54, $0x0;
	v54 =	vld [tilespmem:$0x1FF10];
	[tilespmem:v7+s19+$0x0] =	vst.idx.msk $0xffff, v6  }
0x3e5: {  	v55 =	vshll.u32 v38, v1;
	v63 =	vld [tilespmem:$0x1FFE0]  }
0x3e6: {  	v37 =	vbroadcast v55, $0x0;
	v9 =	vld [tilespmem:s31+$0xFFFFFC90];
	v10 =	vor.u32 v16, v35  }
0x3e7: {  	v8 =	vshrl.u32 v45, $0x3;
	v42 =	vld [tilespmem:s31+$0xFFFFFCD0];
	v56 =	vshll.u32 v41, v1;
	v45 =	vor.u32 v20, v36  }
0x3e8: {  	v38 =	vbroadcast v56, $0x0;
	v59 =	vor.u32 v24, v37;
	v46 =	vld [tilespmem:s31+$0xFFFFFD10]  }
0x3e9: {  	v3 =	vld [tilespmem:s31+$0xFFFFFFE0];
	v56 =	vor.u32 v54, v2  }
0x3ea: {  	v6 =	vld [tilespmem:s31+$0xFFFFFD50];
	v7 =	vor.u32 v63, v38  }
0x3eb: {  	[tilespmem:v10+s19+$0x0] =	vst.idx.msk $0xffff, v9  }
0x3ec: {  	v39 =	vshll.u32 v39, v1;
	[tilespmem:v45+s19+$0x0] =	vst.idx.msk $0xffff, v42  }
0x3ed: {  	v39 =	vbroadcast v39, $0x0;
	[tilespmem:v59+s19+$0x0] =	vst.idx.msk $0xffff, v46  }
0x3ee: {  	v0 =	vshll.u32 v0, v1;
	[tilespmem:v56+s19+$0x0] =	vst.idx.msk $0xffff, v3  }
0x3ef: {  	v32 =	vld [tilespmem:s31+$0xFFFFFD90];
	v40 =	vbroadcast v0, $0x0;
	v0 =	vshll.u32 v5, v1;
	v9 =	vor.u32 v15, v39;
	[tilespmem:v7+s19+$0x0] =	vst.idx.msk $0xffff, v6  }
0x3f0: {  	v41 =	vbroadcast v0, $0x0;
	v0 =	vshll.u32 v8, v1;
	v55 =	vld [tilespmem:$0x1FF20]  }
0x3f1: {  	v11 =	vshll.u32 v11, v1;
	v8 =	vld [tilespmem:s31+$0xFFFFFDD0];
	v10 =	vor.u32 v28, v40;
	v42 =	vbroadcast v0, $0x0  }
0x3f2: {  	v47 =	vld [tilespmem:s31+$0xFFFFFE10];
	v43 =	vbroadcast v11, $0x0;
	v0 =	vshrl.u32 v48, $0x3;
	v48 =	vor.u32 v12, v41  }
0x3f3: {  	v59 =	vld [tilespmem:s31+$0xFFFFFE50];
	v62 =	vor.u32 v23, v42  }
0x3f4: {  	v7 =	vor.u32 v16, v43;
	[tilespmem:v9+s19+$0x0] =	vst.idx.msk $0xffff, v32;
	v32 =	vld [tilespmem:s31+$0xFFFFFE90]  }
0x3f5: {  	v4 =	vld [tilespmem:s31+$0xFFFFFFF0];
	v6 =	vor.u32 v55, v2  }
0x3f6: {  	[tilespmem:v10+s19+$0x0] =	vst.idx.msk $0xffff, v8  }
0x3f7: {  	v50 =	vshrl.u32 v50, $0x3;
	[tilespmem:v48+s19+$0x0] =	vst.idx.msk $0xffff, v47  }
0x3f8: {  	v51 =	vshrl.u32 v51, $0x3;
	v11 =	vshll.u32 v50, v1;
	[tilespmem:v62+s19+$0x0] =	vst.idx.msk $0xffff, v59  }
0x3f9: {  	v44 =	vbroadcast v11, $0x0;
	v3 =	vshll.u32 v51, v1;
	[tilespmem:v7+s19+$0x0] =	vst.idx.msk $0xffff, v32  }
0x3fa: {  	v49 =	vshrl.u32 v49, $0x3;
	v0 =	vshll.u32 v0, v1;
	v45 =	vbroadcast v3, $0x0;
	v3 =	vld [tilespmem:s31+$0xFFFFFED0];
	[tilespmem:v6+s19+$0x0] =	vst.idx.msk $0xffff, v4  }
0x3fb: {  	v46 =	vbroadcast v0, $0x0;
	v0 =	vshll.u32 v49, v1;
	v8 =	vor.u32 v20, v44;
	v56 =	vld [tilespmem:$0x1FF30]  }
0x3fc: {  	v9 =	vld [tilespmem:s31+$0xFFFFFF10];
	v10 =	vor.u32 v24, v45;
	v47 =	vbroadcast v0, $0x0  }
0x3fd: {  	v11 =	vor.u32 v63, v46;
	v0 =	vld [tilespmem:s31+$0xFFFFFF50]  }
0x3fe: {  	v53 =	vld [tilespmem:s31+$0xFFFFFF90];
	v62 =	vor.u32 v15, v47  }
0x3ff: {  	v32 =	vld [tilespmem:s31+$0xFFFFFC60];
	v6 =	vor.u32 v19, v33  }
0x400: {  	v4 =	vld [tilespmem:s31+$0x0];
	[tilespmem:v8+s19+$0x0] =	vst.idx.msk $0xffff, v3;
	v2 =	vor.u32 v56, v2  }
0x401: {  	[tilespmem:v10+s19+$0x0] =	vst.idx.msk $0xffff, v9  }
0x402: {  	v7 =	vor.u32 v18, v35;
	v3 =	vld [tilespmem:s31+$0xFFFFFCA0];
	[tilespmem:v11+s19+$0x0] =	vst.idx.msk $0xffff, v0  }
0x403: {  	v8 =	vld [tilespmem:s31+$0xFFFFFCE0];
	v9 =	vor.u32 v22, v36;
	[tilespmem:v62+s19+$0x0] =	vst.idx.msk $0xffff, v53  }
0x404: {  	v0 =	vld [tilespmem:s31+$0xFFFFFD20];
	v10 =	vor.u32 v26, v37;
	[tilespmem:v6+s19+$0x0] =	vst.idx.msk $0xffff, v32  }
0x405: {  	v11 =	vld [tilespmem:s31+$0xFFFFFD60];
	[tilespmem:v2+s19+$0x0] =	vst.idx.msk $0xffff, v4  }
0x406: {  	v52 =	vor.u32 v30, v38;
	v49 =	vld [tilespmem:$0x1FFC0]  }
0x407: {  	v59 =	vor.u32 v54, v40;
	[tilespmem:v7+s19+$0x0] =	vst.idx.msk $0xffff, v3;
	v3 =	vld [tilespmem:s31+$0xFFFFFDE0]  }
0x408: {  	v6 =	vld [tilespmem:s31+$0xFFFFFE20];
	[tilespmem:v9+s19+$0x0] =	vst.idx.msk $0xffff, v8;
	v7 =	vor.u32 v13, v41  }
0x409: {  	[tilespmem:v10+s19+$0x0] =	vst.idx.msk $0xffff, v0;
	v0 =	vld [tilespmem:s31+$0xFFFFFE60];
	v8 =	vor.u32 v19, v42  }
0x40a: {  	v9 =	vld [tilespmem:s31+$0xFFFFFEA0];
	v10 =	vor.u32 v18, v43  }
0x40b: {  	v2 =	vld [tilespmem:s31+$0xFFFFFDA0];
	[tilespmem:v52+s19+$0x0] =	vst.idx.msk $0xffff, v11;
	v53 =	vor.u32 v49, v39  }
0x40c: {  	v11 =	vld [tilespmem:s31+$0xFFFFFC20];
	v52 =	vor.u32 v13, v34;
	[tilespmem:v59+s19+$0x0] =	vst.idx.msk $0xffff, v3  }
0x40d: {  	v32 =	vor.u32 v26, v45;
	v3 =	vld [tilespmem:s31+$0xFFFFFF20];
	[tilespmem:v7+s19+$0x0] =	vst.idx.msk $0xffff, v6  }
0x40e: {  	v6 =	vld [tilespmem:s31+$0xFFFFFF60];
	v7 =	vor.u32 v30, v46;
	[tilespmem:v8+s19+$0x0] =	vst.idx.msk $0xffff, v0  }
0x40f: {  	v0 =	vld [tilespmem:s31+$0xFFFFFFA0];
	v8 =	vor.u32 v49, v47;
	[tilespmem:v10+s19+$0x0] =	vst.idx.msk $0xffff, v9  }
0x410: {  	v62 =	vor.u32 v22, v44;
	[tilespmem:v53+s19+$0x0] =	vst.idx.msk $0xffff, v2;
	v2 =	vld [tilespmem:s31+$0xFFFFFEE0]  }
0x411: {  	v9 =	vld [tilespmem:s31+$0xFFFFFC70];
	v10 =	vor.u32 v17, v33;
	[tilespmem:v52+s19+$0x0] =	vst.idx.msk $0xffff, v11  }
0x412: {  	[tilespmem:v32+s19+$0x0] =	vst.idx.msk $0xffff, v3  }
0x413: {  	[tilespmem:v7+s19+$0x0] =	vst.idx.msk $0xffff, v6  }
0x414: {  	[tilespmem:v8+s19+$0x0] =	vst.idx.msk $0xffff, v0  }
0x415: {  	[tilespmem:v62+s19+$0x0] =	vst.idx.msk $0xffff, v2  }
0x416: {  	v62 =	vld [tilespmem:$0x1FFF0];
	[tilespmem:v10+s19+$0x0] =	vst.idx.msk $0xffff, v9  }
0x417: {  	v32 =	vld [tilespmem:$0x1FFD0]  }
0x418: {  	v59 =	vor.u32 v21, v36;
	v3 =	vld [tilespmem:s31+$0xFFFFFCF0]  }
0x419: {  	v53 =	vor.u32 v27, v35;
	v2 =	vld [tilespmem:s31+$0xFFFFFCB0]  }
0x41a: {  	v6 =	vld [tilespmem:s31+$0xFFFFFD30];
	v7 =	vor.u32 v25, v37  }
0x41b: {  	v0 =	vld [tilespmem:s31+$0xFFFFFD70];
	v8 =	vor.u32 v62, v38  }
0x41c: {  	v9 =	vld [tilespmem:s31+$0xFFFFFDB0];
	v10 =	vor.u32 v32, v39  }
0x41d: {  	v51 =	vor.u32 v14, v41;
	[tilespmem:v59+s19+$0x0] =	vst.idx.msk $0xffff, v3;
	v3 =	vld [tilespmem:s31+$0xFFFFFE30]  }
0x41e: {  	v50 =	vor.u32 v55, v40;
	[tilespmem:v53+s19+$0x0] =	vst.idx.msk $0xffff, v2;
	v2 =	vld [tilespmem:s31+$0xFFFFFDF0]  }
0x41f: {  	[tilespmem:v7+s19+$0x0] =	vst.idx.msk $0xffff, v6;
	v6 =	vld [tilespmem:s31+$0xFFFFFE70];
	v7 =	vor.u32 v17, v42  }
0x420: {  	[tilespmem:v8+s19+$0x0] =	vst.idx.msk $0xffff, v0;
	v0 =	vld [tilespmem:s31+$0xFFFFFEB0];
	v8 =	vor.u32 v27, v43  }
0x421: {  	[tilespmem:v10+s19+$0x0] =	vst.idx.msk $0xffff, v9;
	v9 =	vld [tilespmem:s31+$0xFFFFFEF0];
	v10 =	vor.u32 v21, v44  }
0x422: {  	v11 =	vld [tilespmem:s31+$0xFFFFFC30];
	[tilespmem:v51+s19+$0x0] =	vst.idx.msk $0xffff, v3  }
0x423: {  	v4 =	vor.u32 v25, v45;
	[tilespmem:v50+s19+$0x0] =	vst.idx.msk $0xffff, v2;
	v2 =	vld [tilespmem:s31+$0xFFFFFF30]  }
0x424: {  	v52 =	vor.u32 v62, v46;
	v3 =	vld [tilespmem:s31+$0xFFFFFF70];
	[tilespmem:v7+s19+$0x0] =	vst.idx.msk $0xffff, v6  }
0x425: {  	v6 =	vld [tilespmem:s31+$0xFFFFFFB0];
	v7 =	vor.u32 v32, v47;
	[tilespmem:v8+s19+$0x0] =	vst.idx.msk $0xffff, v0  }
0x426: {  	v28 =	vld [tilespmem:$0x1FF90];
	[tilespmem:v10+s19+$0x0] =	vst.idx.msk $0xffff, v9  }
0x427: {  	v53 =	vor.u32 v14, v34;
	v59 =	vld [tilespmem:$0x1FF70]  }
0x428: {  	v36 =	vor.u32 v60, v36;
	[tilespmem:v4+s19+$0x0] =	vst.idx.msk $0xffff, v2;
	v2 =	vld [tilespmem:s31+$0xFFFFFD00]  }
0x429: {  	v37 =	vor.u32 v57, v37;
	[tilespmem:v52+s19+$0x0] =	vst.idx.msk $0xffff, v3;
	v3 =	vld [tilespmem:s31+$0xFFFFFD40]  }
0x42a: {  	[tilespmem:v7+s19+$0x0] =	vst.idx.msk $0xffff, v6;
	v6 =	vld [tilespmem:s31+$0xFFFFFD80];
	v7 =	vor.u32 v61, v38  }
0x42b: {  	v0 =	vld [tilespmem:s31+$0xFFFFFC80];
	v8 =	vor.u32 v28, v33  }
0x42c: {  	v9 =	vld [tilespmem:s31+$0xFFFFFCC0];
	[tilespmem:v53+s19+$0x0] =	vst.idx.msk $0xffff, v11;
	v10 =	vor.u32 v59, v35  }
0x42d: {  	v53 =	vor.u32 v31, v34;
	v11 =	vld [tilespmem:s31+$0xFFFFFC40];
	[tilespmem:v36+s19+$0x0] =	vst.idx.msk $0xffff, v2  }
0x42e: {  	v48 =	vor.u32 v31, v41;
	v2 =	vld [tilespmem:s31+$0xFFFFFE40];
	[tilespmem:v37+s19+$0x0] =	vst.idx.msk $0xffff, v3  }
0x42f: {  	v50 =	vor.u32 v28, v42;
	v3 =	vld [tilespmem:s31+$0xFFFFFE80];
	[tilespmem:v7+s19+$0x0] =	vst.idx.msk $0xffff, v6  }
0x430: {  	[tilespmem:v8+s19+$0x0] =	vst.idx.msk $0xffff, v0;
	v0 =	vld [tilespmem:s31+$0xFFFFFDC0];
	v8 =	vor.u32 v58, v39  }
0x431: {  	[tilespmem:v10+s19+$0x0] =	vst.idx.msk $0xffff, v9;
	v9 =	vld [tilespmem:s31+$0xFFFFFE00];
	v10 =	vor.u32 v56, v40  }
0x432: {  	v6 =	vld [tilespmem:s31+$0xFFFFFEC0];
	v7 =	vor.u32 v59, v43;
	[tilespmem:v53+s19+$0x0] =	vst.idx.msk $0xffff, v11  }
0x433: {  	v51 =	vor.u32 v61, v46;
	[tilespmem:v48+s19+$0x0] =	vst.idx.msk $0xffff, v2;
	v2 =	vld [tilespmem:s31+$0xFFFFFF80]  }
0x434: {  	v52 =	vor.u32 v58, v47;
	[tilespmem:v50+s19+$0x0] =	vst.idx.msk $0xffff, v3;
	v3 =	vld [tilespmem:s31+$0xFFFFFFC0]  }
0x435: {  	[tilespmem:v8+s19+$0x0] =	vst.idx.msk $0xffff, v0;
	v0 =	vld [tilespmem:s31+$0xFFFFFF00];
	v8 =	vor.u32 v60, v44  }
0x436: {  	[tilespmem:v10+s19+$0x0] =	vst.idx.msk $0xffff, v9;
	v9 =	vld [tilespmem:s31+$0xFFFFFF40];
	v10 =	vor.u32 v57, v45  }
0x437: {  	[tilespmem:v7+s19+$0x0] =	vst.idx.msk $0xffff, v6  }
0x438: {  	[tilespmem:v51+s19+$0x0] =	vst.idx.msk $0xffff, v2  }
0x439: {  	[tilespmem:v52+s19+$0x0] =	vst.idx.msk $0xffff, v3  }
0x43a: {  	[tilespmem:v8+s19+$0x0] =	vst.idx.msk $0xffff, v0  }
0x43b: {  	s22 =	sadd.s32 $0x1, s22;
	v0 =	vmov v23;
	[tilespmem:v10+s19+$0x0] =	vst.idx.msk $0xffff, v9  }
0x43c: {  	v2 =	vmov v16;
	[hbm4b:s8+s13] =	stream.strided.scatter [tilespmem:s19], [sflag:$0x4], $0x4000, s11, s13, $0x38;
	[tilespmem:$0x16400] =	vst v63  }
0x43d: {  	p0 =	sne.s32 s22, s9;
	v3 =	vmov v20;
	_ =	swait.ge [sflag:s20], $0x4000  }
.Ltmp5:
0x43e: {  	v13 =	vmovc v63;
	v63 =	vmov v49;
	v16 =	vmov v0;
	v0 =	vmov v18;
	[sflag:s20] =	ssyncset.done $0x0;
	(pc) =	sbr.rel @p0 .LBB2_1-.Ltmp5, $4  }
0x43f: {  	v58 =	vmovc v21;
	v20 =	vmovc v2;
	v2 =	vmov v22;
	v22 =	vmov v27;
	v23 =	vmov v19;
	[sflag:s20] =	ssyncadd.s32 $0xFFFFC000  }
0x440: {  	v8 =	vmovc v28;
	v28 =	vmovc v24;
	v24 =	vmov v3;
	v3 =	vmov v25;
	v25 =	vmov v2;
	_ =	swait.ge [sflag:s21], $0x4000  }
0x441: {  	v19 =	vmovc v30;
	v9 =	vmovc v31;
	v30 =	vmov v3;
	v21 =	vmov v0;
	v0 =	vmov v26;
	[sflag:s21] =	ssyncset.done $0x0  }
0x442: {  	v31 =	vmovc v15;
	v15 =	vmovc v32;
	v18 =	vmov v17;
	v26 =	vmov v58;
	v29 =	vmov v0;
	v32 =	vld [tilespmem:$0x1FF50];
	[sflag:s21] =	ssyncadd.s32 $0xFFFFC000  }
0x443: {  	_ =	sfence.sel $0x180000  }
0x444: {  	[bflag:$0x0] =	sbarrier.arrive $0xFFFF  }
0x445: {  	p0 =	sne.s32 s1, $0x0;
	_ =	strace $0x90000047  }
0x446: {  	s0 =	sadd.s32 @!p0 $0x100000, s0;
	[bflag:$0x2] =	sbarrier.arrive $0xFFFF  }
0x447: {  	[sflag:s0] =	ssyncadd.tile.s32 @!p0 $0x1;
	_ =	shalt  }
.Lfunc_end2:
_tile_overlayer_lowered:
.L_overlay_start_2:
0x448: {  	(tag) =	ssettag $0x2  }
0x449: {  	s0 =	rddreg [dreg:$0x0];
	s2 =	stileid.u32  }
0x44a: {  	s1 =	rddreg [dreg:$0x1];
	p0 =	sne.s32 s2, $0x0  }
0x44b: {  	s3 =	rddreg [dreg:$0x2];
	[bflag:$0x3] =	sbarrier.arrive $0xFFFF;
	s2 =	simm.s32 @!p0 $0x1C05  }
0x44c: {  	[timem:s3], [sflag:s2] =	dma.local @!p0 [hbm:s0], s1  }
0x44d: {  	s0 =	simm.s32 @!p0 $0x5  }
0x44e: {  	_ =	swait.ge @!p0 [sflag:s0], s1  }
0x44f: {  	s1 =	ssub.s32 @!p0 $0x0, s1;
	[sflag:s0] =	ssyncset.done @!p0 $0x0  }
0x450: {  	[sflag:s0] =	ssyncadd.s32 @!p0 s1  }
0x451: {  	[bflag:$0x3] =	sbarrier.arrive $0xFFFF  }
0x452: {  	_ =	shalt  }

</sc_bundles>
